<compile_context>
chip_gen: v7x
topology: tpu7x:2x2x1
jax: 0.10.2.dev20260603
libtpu: 0.0.44.dev20260713+nightly
codegen_flags: <defaults>
</compile_context>

<pallas_src>
import functools

import jax
import jax.numpy as jnp
from jax import lax
from jax.experimental import pallas as pl
from jax.experimental.pallas import tpu as pltpu
from jax.experimental.pallas import tpu_sc as plsc

NC = 2
NS = 16
NW = NC * NS


def _mid_body(acc_ref, degp_ref, w1_ref, w2_ref, y2_ref, deg_ref):
    deg = jnp.maximum(degp_ref[0] + degp_ref[1], 1.0)
    agg = (acc_ref[0] + acc_ref[1]) / deg[:, None]
    h = jnp.maximum(
        jnp.dot(agg, w1_ref[...], preferred_element_type=jnp.float32), 0.0)
    y2_ref[...] = jnp.dot(h, w2_ref[...], preferred_element_type=jnp.float32)
    deg_ref[...] = deg


def _mid(acc_part, deg_part, w1, w2):
    n = acc_part.shape[1]
    c = w2.shape[1]
    return pl.pallas_call(
        _mid_body,
        out_shape=[
            jax.ShapeDtypeStruct((n, c), jnp.float32),
            jax.ShapeDtypeStruct((n,), jnp.float32),
        ],
    )(acc_part, deg_part, w1, w2)


def _final_body(acc_ref, deg_ref, o_ref):
    o_ref[...] = (acc_ref[0] + acc_ref[1]) / deg_ref[...][:, None]


def _final(acc_part, deg):
    n, c = acc_part.shape[1], acc_part.shape[2]
    return pl.pallas_call(
        _final_body,
        out_shape=jax.ShapeDtypeStruct((n, c), jnp.float32),
    )(acc_part, deg)


@functools.lru_cache(maxsize=None)
def _make_sc_agg(n, e, d, with_deg):
    ch = 128
    nbuf = 2 if d >= 128 else 6
    n_chunks = e // ch
    base_cnt = n_chunks // NW
    extra = n_chunks % NW
    assert n_chunks * ch == e and base_cnt % nbuf == 0 and extra <= NW
    row_stride, row_ch = 640, 80
    assert n <= NS * row_stride and n % row_ch == 0

    mesh = plsc.VectorSubcoreMesh(core_axis_name="c", subcore_axis_name="s",
                                  num_cores=NC, num_subcores=NS)

    out_type = [jax.ShapeDtypeStruct((NC, n, d), jnp.float32)]
    scratch = (
        [pltpu.VMEM_SHARED((n, d), jnp.float32)]
        + [pltpu.VMEM((ch, d), jnp.float32)] * nbuf
        + [pltpu.VMEM((ch,), jnp.int32)] * nbuf
        + [pltpu.VMEM((ch,), jnp.int32)] * nbuf
        + [pltpu.VMEM((ch,), jnp.int32)] * nbuf
        + [pltpu.SemaphoreType.DMA] * (3 * nbuf)
        + [pltpu.VMEM((row_ch, d), jnp.float32)]
    )
    if with_deg:
        out_type.append(jax.ShapeDtypeStruct((NC * n,), jnp.float32))
        scratch.append(pltpu.VMEM_SHARED((n,), jnp.float32))
        scratch.append(pltpu.VMEM((ch,), jnp.float32))
        scratch.append(pltpu.VMEM((row_ch,), jnp.float32))
        scratch.extend([pltpu.SemaphoreType.DMA] * nbuf)

    @functools.partial(pl.kernel, out_type=out_type, mesh=mesh,
                       scratch_types=scratch,
                       compiler_params=pltpu.CompilerParams(
                           use_tc_tiling_on_sc=(d % 128 == 0)))
    def sc_agg(*refs):
        if with_deg:
            y_hbm, src_hbm, dst_hbm, acc_out, deg_out, acc_sh, *rest = refs
            tail_refs = rest[7 * nbuf + 1:]
            deg_sh, ones_v, zrow_v = tail_refs[:3]
            sem_d = tail_refs[3:]
        else:
            y_hbm, src_hbm, dst_hbm, acc_out, acc_sh, *rest = refs
        rows_v = rest[:nbuf]
        src_v = rest[nbuf:2 * nbuf]
        dst_v = rest[2 * nbuf:3 * nbuf]
        dst_s = rest[3 * nbuf:4 * nbuf]
        sem_i = rest[4 * nbuf:5 * nbuf]
        sem_g = rest[5 * nbuf:6 * nbuf]
        sem_s = rest[6 * nbuf:7 * nbuf]
        zblk_v = rest[7 * nbuf]

        c = lax.axis_index("c")
        s = lax.axis_index("s")
        wid = c * NS + s

        my_cnt = base_cnt + jnp.where(wid < extra, 1, 0)

        def idx_copies(j, b):
            ebase = (wid + j * NW) * ch
            return (
                pltpu.make_async_copy(src_hbm.at[pl.ds(ebase, ch)],
                                      src_v[b], sem_i[b]),
                pltpu.make_async_copy(dst_hbm.at[pl.ds(ebase, ch)],
                                      dst_v[b], sem_i[b]),
            )

        def gather(b):
            return pltpu.make_async_copy(y_hbm.at[src_v[b]], rows_v[b],
                                         sem_g[b])

        for b in range(nbuf):
            for cp in idx_copies(b, b):
                cp.start()

        zero16 = jnp.zeros((16,), jnp.float32)
        dl = d // 16

        def fill_zblk(i, _):
            zblk_v[i // dl, pl.ds((i % dl) * 16, 16)] = zero16
            return 0
        lax.fori_loop(0, row_ch * dl, fill_zblk, 0)

        rbase = s * row_stride
        n_row_ch = jnp.clip(n - rbase, 0, row_stride) // row_ch

        def acc_cp(i, out=False):
            off = rbase + i * row_ch
            dst = acc_sh.at[pl.ds(off, row_ch), :]
            if out:
                return pltpu.make_async_copy(
                    dst, acc_out.at[c, pl.ds(off, row_ch), :], sem_s[0])
            return pltpu.make_async_copy(zblk_v, dst, sem_s[0])

        def zero_acc(i, _):
            acc_cp(i).start()
            return 0
        lax.fori_loop(0, n_row_ch, zero_acc, 0)

        for cp in idx_copies(0, 0):
            cp.wait()
        gather(0).start()

        def zero_acc_w(i, _):
            acc_cp(0).wait()
            return 0
        lax.fori_loop(0, n_row_ch, zero_acc_w, 0)
        if with_deg:
            for j in range(row_ch // 16):
                zrow_v[pl.ds(j * 16, 16)] = zero16
            for j in range(ch // 16):
                ones_v[pl.ds(j * 16, 16)] = jnp.ones((16,), jnp.float32)

            def zero_deg(i, _):
                off = rbase + i * row_ch
                pltpu.sync_copy(zrow_v, deg_sh.at[pl.ds(off, row_ch)])
                return 0
            lax.fori_loop(0, n_row_ch, zero_deg, 0)

        plsc.subcore_barrier()

        def scatter(b):
            for t in range(ch // 16):
                dst_s[b][pl.ds(t * 16, 16)] = dst_v[b][pl.ds(t * 16, 16)]
            pltpu.async_copy(rows_v[b], acc_sh.at[dst_s[b]], sem_s[b],
                             add=True)
            if with_deg:
                pltpu.async_copy(ones_v, deg_sh.at[dst_s[b]], sem_d[b],
                                 add=True)

        def scatter_wait(b):
            pltpu.make_async_copy(rows_v[b], acc_sh.at[dst_s[b]],
                                  sem_s[b]).wait()
            if with_deg:
                pltpu.make_async_copy(ones_v, deg_sh.at[dst_s[b]],
                                      sem_d[b]).wait()

        def outer(g, _):
            for b in range(nbuf):
                j = g * nbuf + b
                bn = (b + 1) % nbuf

                @pl.when(j + 1 < my_cnt)
                def _():
                    for cp in idx_copies(j + 1, bn):
                        cp.wait()

                    @pl.when(j + 1 >= nbuf)
                    def _():
                        scatter_wait(bn)
                    gather(bn).start()

                gather(b).wait()
                scatter(b)

                @pl.when(j + nbuf < my_cnt)
                def _():
                    for cp in idx_copies(j + nbuf, b):
                        cp.start()
            return 0
        lax.fori_loop(0, base_cnt // nbuf, outer, 0)

        bt = base_cnt % nbuf

        @pl.when(wid < extra)
        def _():
            gather(bt).wait()
            scatter(bt)

        for b in range(nbuf):
            scatter_wait(b)

        plsc.subcore_barrier()

        def read_acc(i, _):
            acc_cp(i, out=True).start()
            return 0
        lax.fori_loop(0, n_row_ch, read_acc, 0)

        def read_acc_w(i, _):
            acc_cp(0, out=True).wait()
            return 0
        lax.fori_loop(0, n_row_ch, read_acc_w, 0)
        if with_deg:
            def read_deg(i, _):
                off = rbase + i * row_ch
                pltpu.sync_copy(deg_sh.at[pl.ds(off, row_ch)], zrow_v)
                pltpu.sync_copy(zrow_v, deg_out.at[pl.ds(c * n + off, row_ch)])
                return 0
            lax.fori_loop(0, n_row_ch, read_deg, 0)

    return sc_agg


def kernel(x, edge_index, W1, W2):
    n, d = x.shape
    h = W1.shape[1]
    c = W2.shape[1]
    e = edge_index.shape[1]
    src = edge_index[0]
    dst = edge_index[1]

    agg1 = _make_sc_agg(n, e, d, True)
    acc1, degp = agg1(x, src, dst)
    degp = degp.reshape(NC, n)

    y2, deg = _mid(acc1, degp, W1, W2)

    agg2 = _make_sc_agg(n, e, c, False)
    (acc2,) = agg2(y2, src, dst)

    return _final(acc2, deg)

# --- scband reference (transcript-rebuilt; emitter-appended) ---
"""Pipeline reference for scband-src-to-dest-5789615915370 (READ-ONLY COPY).

The authoritative reference and input builder live on the scoring server;
editing this copy changes nothing except your own understanding.
"""

import jax, jax.numpy as jnp
import numpy as np

N = 10000
E = 320000
D = 128
H = 128
C = 64

def setup_inputs(seed: int = 0) -> dict:
    key = jax.random.key(seed)
    k1, k2, k3, k4 = jax.random.split(key, 4)
    x = jax.random.normal(k1, (N, D), dtype=jnp.float32)
    edge_index = jax.random.randint(k2, (2, E), 0, N, dtype=jnp.int32)
    W1 = jax.random.normal(k3, (D, H), dtype=jnp.float32) * (1.0 / np.sqrt(D))
    W2 = jax.random.normal(k4, (H, C), dtype=jnp.float32) * (1.0 / np.sqrt(H))
    return {"x": x, "edge_index": edge_index, "W1": W1, "W2": W2}

def reference(x, edge_index, W1, W2):
    # Inference-path semantics of SRC_TO_DEST (world_size=1, no Shuffle):
    # x = layer_i(block, x); ReLU between layers, none after the last.
    # Each layer is modeled as a src->dst mean-aggregation GNN layer
    # (gather on src, scatter-add on dst, degree-normalize, then linear).
    src = edge_index[0]
    dst = edge_index[1]
    ones = jnp.ones((E,), dtype=jnp.float32)
    deg = jax.ops.segment_sum(ones, dst, num_segments=N)
    deg = jnp.maximum(deg, 1.0)
    # layer 0: in_feats -> n_hidden
    agg0 = jax.ops.segment_sum(x[src], dst, num_segments=N) / deg[:, None]
    h = jax.nn.relu(agg0 @ W1)
    # layer 1 (last): n_hidden -> n_classes, no activation
    agg1 = jax.ops.segment_sum(h[src], dst, num_segments=N) / deg[:, None]
    out = agg1 @ W2
    return out

if __name__ == "__main__":
    import jax
    _d = setup_inputs()
    print(jax.jit(kernel)(*tuple(_d.values())))

</pallas_src>

<mosaic_0001>
#map = affine_map<(d0, d1) -> (0, 0)>
#map1 = affine_map<(d0, d1) -> (0)>
#map2 = affine_map<(d0, d1) -> (0, 0, 0)>
module attributes {stable_mosaic.version = 14 : i64} {
  func.func @sc_agg(%arg0: i32, %arg1: i32, %arg2: memref<10000x128xf32, #tpu.memory_space<hbm>>, %arg3: memref<320000xi32, #tpu.memory_space<hbm>>, %arg4: memref<320000xi32, #tpu.memory_space<hbm>>, %arg5: memref<2x10000x128xf32, #tpu.memory_space<hbm>>, %arg6: memref<20000xf32, #tpu.memory_space<hbm>>, %arg7: memref<10000x128xf32, #tpu.memory_space<vmem_shared>>, %arg8: memref<128x128xf32, #tpu.memory_space<vmem>>, %arg9: memref<128x128xf32, #tpu.memory_space<vmem>>, %arg10: memref<128xi32, #tpu.memory_space<vmem>>, %arg11: memref<128xi32, #tpu.memory_space<vmem>>, %arg12: memref<128xi32, #tpu.memory_space<vmem>>, %arg13: memref<128xi32, #tpu.memory_space<vmem>>, %arg14: memref<128xi32, #tpu.memory_space<vmem>>, %arg15: memref<128xi32, #tpu.memory_space<vmem>>, %arg16: memref<!tpu.dma_semaphore, #tpu.memory_space<semaphore_mem>>, %arg17: memref<!tpu.dma_semaphore, #tpu.memory_space<semaphore_mem>>, %arg18: memref<!tpu.dma_semaphore, #tpu.memory_space<semaphore_mem>>, %arg19: memref<!tpu.dma_semaphore, #tpu.memory_space<semaphore_mem>>, %arg20: memref<!tpu.dma_semaphore, #tpu.memory_space<semaphore_mem>>, %arg21: memref<!tpu.dma_semaphore, #tpu.memory_space<semaphore_mem>>, %arg22: memref<80x128xf32, #tpu.memory_space<vmem>>, %arg23: memref<10000xf32, #tpu.memory_space<vmem_shared>>, %arg24: memref<128xf32, #tpu.memory_space<vmem>>, %arg25: memref<80xf32, #tpu.memory_space<vmem>>, %arg26: memref<!tpu.dma_semaphore, #tpu.memory_space<semaphore_mem>>, %arg27: memref<!tpu.dma_semaphore, #tpu.memory_space<semaphore_mem>>) attributes {dimension_semantics = [#tpu.dimension_semantics<core_parallel>, #tpu.dimension_semantics<subcore_parallel>], iteration_bounds = array<i64: 2, 16>, scalar_prefetch = 0 : i64, scratch_operands = 21 : i64, tpu.core_type = #tpu.core_type<sc_vector_subcore>, window_params = [{transform_indices = #map}, {transform_indices = #map1}, {transform_indices = #map1}, {transform_indices = #map2}, {transform_indices = #map1}]} {
    %mul3A = arith.constant 16 : i32
    %mul3A_0 = arith.muli %arg0, %mul3A : i32
    %add3A = arith.addi %mul3A_0, %arg1 : i32
    %lt3A = arith.constant 4 : i32
    %lt3A_1 = arith.cmpi slt, %add3A, %lt3A : i32
    %jit3A = arith.constant 1 : i32
    %jit3A_2 = arith.constant 0 : i32
    %select_n3A = arith.select %lt3A_1, %jit3A, %jit3A_2 : i32
    %add3A_3 = arith.constant 78 : i32
    %add3A_4 = arith.addi %add3A_3, %select_n3A : i32
    %add3A_5 = arith.constant 0 : i32
    %add3A_6 = arith.addi %add3A, %add3A_5 : i32
    %mul3A_7 = arith.constant 128 : i32
    %mul3A_8 = arith.muli %add3A_6, %mul3A_7 : i32
    %dma_start3A = tpu.memref_slice %arg3[%mul3A_8] : memref<320000xi32, #tpu.memory_space<hbm>> -> memref<128xi32, #tpu.memory_space<hbm>>
    %dma_start3A_9 = tpu.memref_slice %arg3[%mul3A_8] : memref<320000xi32, #tpu.memory_space<hbm>> -> memref<128xi32, #tpu.memory_space<hbm>>
    tpu.enqueue_dma source(%dma_start3A_9 : memref<128xi32, #tpu.memory_space<hbm>>) target(%arg10 : memref<128xi32, #tpu.memory_space<vmem>>) target_semaphore(%arg16 : memref<!tpu.dma_semaphore, #tpu.memory_space<semaphore_mem>>)
    %dma_start3A_10 = tpu.memref_slice %arg4[%mul3A_8] : memref<320000xi32, #tpu.memory_space<hbm>> -> memref<128xi32, #tpu.memory_space<hbm>>
    %dma_start3A_11 = tpu.memref_slice %arg4[%mul3A_8] : memref<320000xi32, #tpu.memory_space<hbm>> -> memref<128xi32, #tpu.memory_space<hbm>>
    tpu.enqueue_dma source(%dma_start3A_11 : memref<128xi32, #tpu.memory_space<hbm>>) target(%arg12 : memref<128xi32, #tpu.memory_space<vmem>>) target_semaphore(%arg16 : memref<!tpu.dma_semaphore, #tpu.memory_space<semaphore_mem>>)
    %add3A_12 = arith.constant 32 : i32
    %add3A_13 = arith.addi %add3A, %add3A_12 : i32
    %mul3A_14 = arith.constant 128 : i32
    %mul3A_15 = arith.muli %add3A_13, %mul3A_14 : i32
    %dma_start3A_16 = tpu.memref_slice %arg3[%mul3A_15] : memref<320000xi32, #tpu.memory_space<hbm>> -> memref<128xi32, #tpu.memory_space<hbm>>
    %dma_start3A_17 = tpu.memref_slice %arg3[%mul3A_15] : memref<320000xi32, #tpu.memory_space<hbm>> -> memref<128xi32, #tpu.memory_space<hbm>>
    tpu.enqueue_dma source(%dma_start3A_17 : memref<128xi32, #tpu.memory_space<hbm>>) target(%arg11 : memref<128xi32, #tpu.memory_space<vmem>>) target_semaphore(%arg17 : memref<!tpu.dma_semaphore, #tpu.memory_space<semaphore_mem>>)
    %dma_start3A_18 = tpu.memref_slice %arg4[%mul3A_15] : memref<320000xi32, #tpu.memory_space<hbm>> -> memref<128xi32, #tpu.memory_space<hbm>>
    %dma_start3A_19 = tpu.memref_slice %arg4[%mul3A_15] : memref<320000xi32, #tpu.memory_space<hbm>> -> memref<128xi32, #tpu.memory_space<hbm>>
    tpu.enqueue_dma source(%dma_start3A_19 : memref<128xi32, #tpu.memory_space<hbm>>) target(%arg13 : memref<128xi32, #tpu.memory_space<vmem>>) target_semaphore(%arg17 : memref<!tpu.dma_semaphore, #tpu.memory_space<semaphore_mem>>)
    %broadcast_in_dim3A = arith.constant 0.000000e+00 : f32
    %broadcast_in_dim3A_20 = vector.broadcast %broadcast_in_dim3A : f32 to vector<16xf32>
    %scan3A = arith.constant 0 : i32
    %scan3A_21 = arith.constant 0 : i32
    %scan3A_22 = arith.constant 640 : i32
    %scan3A_23 = arith.addi %scan3A_21, %scan3A_22 : i32
    %scan3A_24 = arith.constant 1 : i32
    %scan3A_25 = scf.for %scan3A_220 = %scan3A_21 to %scan3A_23 step %scan3A_24 iter_args(%scan3A_221 = %scan3A) -> (i32)  : i32 {
      %jit3A_222 = arith.constant 8 : i32
      %div3A_223 = arith.divsi %scan3A_220, %jit3A_222 : i32
      %sign3A_224 = arith.constant 0 : i32
      %sign3A_225 = arith.cmpi sgt, %scan3A_220, %sign3A_224 : i32
      %sign3A_226 = arith.extui %sign3A_225 : i1 to i32
      %sign3A_227 = arith.constant 0 : i32
      %sign3A_228 = arith.cmpi slt, %scan3A_220, %sign3A_227 : i32
      %sign3A_229 = arith.extui %sign3A_228 : i1 to i32
      %sign3A_230 = arith.subi %sign3A_226, %sign3A_229 : i32
      %sign3A_231 = arith.constant 0 : i32
      %sign3A_232 = arith.cmpi sgt, %jit3A_222, %sign3A_231 : i32
      %sign3A_233 = arith.extui %sign3A_232 : i1 to i32
      %sign3A_234 = arith.constant 0 : i32
      %sign3A_235 = arith.cmpi slt, %jit3A_222, %sign3A_234 : i32
      %sign3A_236 = arith.extui %sign3A_235 : i1 to i32
      %sign3A_237 = arith.subi %sign3A_233, %sign3A_236 : i32
      %ne3A_238 = arith.cmpi ne, %sign3A_230, %sign3A_237 : i32
      %rem3A_239 = arith.remsi %scan3A_220, %jit3A_222 : i32
      %ne3A_240 = arith.constant 0 : i32
      %ne3A_241 = arith.cmpi ne, %rem3A_239, %ne3A_240 : i32
      %and3A_242 = arith.andi %ne3A_238, %ne3A_241 : i1
      %sub3A_243 = arith.constant 1 : i32
      %sub3A_244 = arith.subi %div3A_223, %sub3A_243 : i32
      %select_n3A_245 = arith.select %and3A_242, %sub3A_244, %div3A_223 : i32
      %jit3A_246 = arith.constant 8 : i32
      %eq3A = arith.constant 0 : i32
      %eq3A_247 = arith.cmpi eq, %jit3A_246, %eq3A : i32
      %jit3A_248 = arith.constant 1 : i32
      %select_n3A_249 = arith.select %eq3A_247, %jit3A_248, %jit3A_246 : i32
      %rem3A_250 = arith.remsi %scan3A_220, %select_n3A_249 : i32
      %ne3A_251 = arith.constant 0 : i32
      %ne3A_252 = arith.cmpi ne, %rem3A_250, %ne3A_251 : i32
      %lt3A_253 = arith.constant 0 : i32
      %lt3A_254 = arith.cmpi slt, %rem3A_250, %lt3A_253 : i32
      %lt3A_255 = arith.constant 0 : i32
      %lt3A_256 = arith.cmpi slt, %select_n3A_249, %lt3A_255 : i32
      %ne3A_257 = arith.xori %lt3A_254, %lt3A_256 : i1
      %and3A_258 = arith.andi %ne3A_257, %ne3A_252 : i1
      %add3A_259 = arith.addi %rem3A_250, %select_n3A_249 : i32
      %select_n3A_260 = arith.select %and3A_258, %add3A_259, %rem3A_250 : i32
      %mul3A_261 = arith.constant 16 : i32
      %mul3A_262 = arith.muli %select_n3A_260, %mul3A_261 : i32
      %swap3A_263 = arith.index_cast %select_n3A_245 : i32 to index
      %swap3A_264 = arith.index_cast %mul3A_262 : i32 to index
      %swap3A_265 = tpu.vector_load %arg22[%swap3A_263, %swap3A_264] {strides = array<i32>} : memref<80x128xf32, #tpu.memory_space<vmem>>, vector<1x16xf32>,
      %swap3A_266 = vector.shape_cast %swap3A_265 : vector<1x16xf32> to vector<16xf32>
      %swap3A_267 = vector.shape_cast %broadcast_in_dim3A_20 : vector<16xf32> to vector<1x16xf32>
      tpu.vector_store %arg22[%swap3A_263, %swap3A_264], %swap3A_267 {strides = array<i32>} : memref<80x128xf32, #tpu.memory_space<vmem>>, vector<1x16xf32>,
      %scan3A_268 = arith.constant 0 : i32
      scf.yield %scan3A_268 : i32
    }
    %scan3A_26 = arith.constant 640 : i32
    %mul3A_27 = arith.constant 640 : i32
    %mul3A_28 = arith.muli %arg1, %mul3A_27 : i32
    %sub3A = arith.constant 10000 : i32
    %sub3A_29 = arith.subi %sub3A, %mul3A_28 : i32
    %jit3A_30 = arith.constant 0 : i32
    %jit3A_31 = arith.constant 640 : i32
    %max3A = arith.maxsi %jit3A_30, %sub3A_29 : i32
    %min3A = arith.minsi %jit3A_31, %max3A : i32
    %jit3A_32 = arith.constant 80 : i32
    %div3A = arith.divsi %min3A, %jit3A_32 : i32
    %sign3A = arith.constant 0 : i32
    %sign3A_33 = arith.cmpi sgt, %min3A, %sign3A : i32
    %sign3A_34 = arith.extui %sign3A_33 : i1 to i32
    %sign3A_35 = arith.constant 0 : i32
    %sign3A_36 = arith.cmpi slt, %min3A, %sign3A_35 : i32
    %sign3A_37 = arith.extui %sign3A_36 : i1 to i32
    %sign3A_38 = arith.subi %sign3A_34, %sign3A_37 : i32
    %sign3A_39 = arith.constant 0 : i32
    %sign3A_40 = arith.cmpi sgt, %jit3A_32, %sign3A_39 : i32
    %sign3A_41 = arith.extui %sign3A_40 : i1 to i32
    %sign3A_42 = arith.constant 0 : i32
    %sign3A_43 = arith.cmpi slt, %jit3A_32, %sign3A_42 : i32
    %sign3A_44 = arith.extui %sign3A_43 : i1 to i32
    %sign3A_45 = arith.subi %sign3A_41, %sign3A_44 : i32
    %ne3A = arith.cmpi ne, %sign3A_38, %sign3A_45 : i32
    %rem3A = arith.remsi %min3A, %jit3A_32 : i32
    %ne3A_46 = arith.constant 0 : i32
    %ne3A_47 = arith.cmpi ne, %rem3A, %ne3A_46 : i32
    %and3A = arith.andi %ne3A, %ne3A_47 : i1
    %sub3A_48 = arith.constant 1 : i32
    %sub3A_49 = arith.subi %div3A, %sub3A_48 : i32
    %select_n3A_50 = arith.select %and3A, %sub3A_49, %div3A : i32
    %while3A = arith.constant 0 : i32
    %while3A_51 = arith.constant 0 : i32
    %while3A_52 = arith.subi %select_n3A_50, %while3A : i32
    %while3A_53 = arith.addi %while3A, %while3A_52 : i32
    %while3A_54 = arith.constant 1 : i32
    %while3A_55 = arith.divsi %while3A_52, %while3A_54 : i32
    %while3A_56 = arith.muli %while3A_55, %while3A_54 : i32
    %while3A_57 = arith.addi %while3A, %while3A_56 : i32
    %while3A_58 = arith.constant 1 : i32
    %while3A_59 = scf.for %while3A_220 = %while3A to %while3A_57 step %while3A_58 iter_args(%while3A_221 = %while3A_51) -> (i32)  : i32 {
      %mul3A_222 = arith.constant 80 : i32
      %mul3A_223 = arith.muli %while3A_220, %mul3A_222 : i32
      %add3A_224 = arith.addi %mul3A_28, %mul3A_223 : i32
      %dma_start3A_225 = arith.constant 0 : i32
      %dma_start3A_226 = tpu.memref_slice %arg7[%add3A_224, %dma_start3A_225] : memref<10000x128xf32, #tpu.memory_space<vmem_shared>> -> memref<80x128xf32, #tpu.memory_space<vmem_shared>>
      %dma_start3A_227 = arith.constant 0 : i32
      %dma_start3A_228 = tpu.memref_slice %arg7[%add3A_224, %dma_start3A_227] : memref<10000x128xf32, #tpu.memory_space<vmem_shared>> -> memref<80x128xf32, #tpu.memory_space<vmem_shared>>
      tpu.enqueue_dma source(%arg22 : memref<80x128xf32, #tpu.memory_space<vmem>>) target(%dma_start3A_228 : memref<80x128xf32, #tpu.memory_space<vmem_shared>>) target_semaphore(%arg20 : memref<!tpu.dma_semaphore, #tpu.memory_space<semaphore_mem>>)
      %while3A_229 = arith.constant 0 : i32
      scf.yield %while3A_229 : i32
    }
    %while3A_60 = arith.constant 1 : i32
    %while3A_61 = scf.for %while3A_220 = %while3A_57 to %while3A_53 step %while3A_60 iter_args(%while3A_221 = %while3A_59) -> (i32)  : i32 {
      %mul3A_222 = arith.constant 80 : i32
      %mul3A_223 = arith.muli %while3A_220, %mul3A_222 : i32
      %add3A_224 = arith.addi %mul3A_28, %mul3A_223 : i32
      %dma_start3A_225 = arith.constant 0 : i32
      %dma_start3A_226 = tpu.memref_slice %arg7[%add3A_224, %dma_start3A_225] : memref<10000x128xf32, #tpu.memory_space<vmem_shared>> -> memref<80x128xf32, #tpu.memory_space<vmem_shared>>
      %dma_start3A_227 = arith.constant 0 : i32
      %dma_start3A_228 = tpu.memref_slice %arg7[%add3A_224, %dma_start3A_227] : memref<10000x128xf32, #tpu.memory_space<vmem_shared>> -> memref<80x128xf32, #tpu.memory_space<vmem_shared>>
      tpu.enqueue_dma source(%arg22 : memref<80x128xf32, #tpu.memory_space<vmem>>) target(%dma_start3A_228 : memref<80x128xf32, #tpu.memory_space<vmem_shared>>) target_semaphore(%arg20 : memref<!tpu.dma_semaphore, #tpu.memory_space<semaphore_mem>>)
      %while3A_229 = arith.constant 0 : i32
      scf.yield %while3A_229 : i32
    }
    %add3A_62 = arith.constant 0 : i32
    %add3A_63 = arith.addi %add3A, %add3A_62 : i32
    %mul3A_64 = arith.constant 128 : i32
    %mul3A_65 = arith.muli %add3A_63, %mul3A_64 : i32
    %dma_wait3A = tpu.memref_slice %arg3[%mul3A_65] : memref<320000xi32, #tpu.memory_space<hbm>> -> memref<128xi32, #tpu.memory_space<hbm>>
    %dma_wait3A_66 = tpu.memref_slice %arg3[%mul3A_65] : memref<320000xi32, #tpu.memory_space<hbm>> -> memref<128xi32, #tpu.memory_space<hbm>>
    tpu.wait_dma2 semaphore(%arg16 : memref<!tpu.dma_semaphore, #tpu.memory_space<semaphore_mem>>) src(%dma_wait3A_66 : memref<128xi32, #tpu.memory_space<hbm>>) dst(%arg10 : memref<128xi32, #tpu.memory_space<vmem>>)
    %dma_wait3A_67 = tpu.memref_slice %arg4[%mul3A_65] : memref<320000xi32, #tpu.memory_space<hbm>> -> memref<128xi32, #tpu.memory_space<hbm>>
    %dma_wait3A_68 = tpu.memref_slice %arg4[%mul3A_65] : memref<320000xi32, #tpu.memory_space<hbm>> -> memref<128xi32, #tpu.memory_space<hbm>>
    tpu.wait_dma2 semaphore(%arg16 : memref<!tpu.dma_semaphore, #tpu.memory_space<semaphore_mem>>) src(%dma_wait3A_68 : memref<128xi32, #tpu.memory_space<hbm>>) dst(%arg12 : memref<128xi32, #tpu.memory_space<vmem>>)
    %dma_start3A_69 = arith.constant 0 : i32
    %dma_start3A_70 = arith.constant 0 : i32
    %dma_start3A_71 = tpu.memref_slice %arg2[%dma_start3A_69, %dma_start3A_70] : memref<10000x128xf32, #tpu.memory_space<hbm>> -> memref<10000x128xf32, #tpu.memory_space<hbm>>
    tpu.enqueue_indirect_dma source(%dma_start3A_71 : memref<10000x128xf32, #tpu.memory_space<hbm>>) target(%arg8 : memref<128x128xf32, #tpu.memory_space<vmem>>) offsets(%arg10 : memref<128xi32, #tpu.memory_space<vmem>>) semaphore(%arg18 : memref<!tpu.dma_semaphore, #tpu.memory_space<semaphore_mem>>)
    %while3A_72 = arith.constant 0 : i32
    %while3A_73 = arith.constant 0 : i32
    %while3A_74 = arith.subi %select_n3A_50, %while3A_72 : i32
    %while3A_75 = arith.addi %while3A_72, %while3A_74 : i32
    %while3A_76 = arith.constant 1 : i32
    %while3A_77 = arith.divsi %while3A_74, %while3A_76 : i32
    %while3A_78 = arith.muli %while3A_77, %while3A_76 : i32
    %while3A_79 = arith.addi %while3A_72, %while3A_78 : i32
    %while3A_80 = arith.constant 1 : i32
    %while3A_81 = scf.for %while3A_220 = %while3A_72 to %while3A_79 step %while3A_80 iter_args(%while3A_221 = %while3A_73) -> (i32)  : i32 {
      %add3A_222 = arith.constant 0 : i32
      %add3A_223 = arith.addi %mul3A_28, %add3A_222 : i32
      %dma_wait3A_224 = arith.constant 0 : i32
      %dma_wait3A_225 = tpu.memref_slice %arg7[%add3A_223, %dma_wait3A_224] : memref<10000x128xf32, #tpu.memory_space<vmem_shared>> -> memref<80x128xf32, #tpu.memory_space<vmem_shared>>
      %dma_wait3A_226 = arith.constant 0 : i32
      %dma_wait3A_227 = tpu.memref_slice %arg7[%add3A_223, %dma_wait3A_226] : memref<10000x128xf32, #tpu.memory_space<vmem_shared>> -> memref<80x128xf32, #tpu.memory_space<vmem_shared>>
      tpu.wait_dma2 semaphore(%arg20 : memref<!tpu.dma_semaphore, #tpu.memory_space<semaphore_mem>>) src(%arg22 : memref<80x128xf32, #tpu.memory_space<vmem>>) dst(%dma_wait3A_227 : memref<80x128xf32, #tpu.memory_space<vmem_shared>>)
      %while3A_228 = arith.constant 0 : i32
      scf.yield %while3A_228 : i32
    }
    %while3A_82 = arith.constant 1 : i32
    %while3A_83 = scf.for %while3A_220 = %while3A_79 to %while3A_75 step %while3A_82 iter_args(%while3A_221 = %while3A_81) -> (i32)  : i32 {
      %add3A_222 = arith.constant 0 : i32
      %add3A_223 = arith.addi %mul3A_28, %add3A_222 : i32
      %dma_wait3A_224 = arith.constant 0 : i32
      %dma_wait3A_225 = tpu.memref_slice %arg7[%add3A_223, %dma_wait3A_224] : memref<10000x128xf32, #tpu.memory_space<vmem_shared>> -> memref<80x128xf32, #tpu.memory_space<vmem_shared>>
      %dma_wait3A_226 = arith.constant 0 : i32
      %dma_wait3A_227 = tpu.memref_slice %arg7[%add3A_223, %dma_wait3A_226] : memref<10000x128xf32, #tpu.memory_space<vmem_shared>> -> memref<80x128xf32, #tpu.memory_space<vmem_shared>>
      tpu.wait_dma2 semaphore(%arg20 : memref<!tpu.dma_semaphore, #tpu.memory_space<semaphore_mem>>) src(%arg22 : memref<80x128xf32, #tpu.memory_space<vmem>>) dst(%dma_wait3A_227 : memref<80x128xf32, #tpu.memory_space<vmem_shared>>)
      %while3A_228 = arith.constant 0 : i32
      scf.yield %while3A_228 : i32
    }
    %swap3A = arith.constant 0 : index
    %swap3A_84 = tpu.vector_load %arg25[%swap3A] {strides = array<i32>} : memref<80xf32, #tpu.memory_space<vmem>>, vector<16xf32>,
    %swap3A_85 = vector.shape_cast %swap3A_84 : vector<16xf32> to vector<16xf32>
    %swap3A_86 = vector.shape_cast %broadcast_in_dim3A_20 : vector<16xf32> to vector<16xf32>
    tpu.vector_store %arg25[%swap3A], %swap3A_86 {strides = array<i32>} : memref<80xf32, #tpu.memory_space<vmem>>, vector<16xf32>,
    %swap3A_87 = arith.constant 16 : index
    %swap3A_88 = tpu.vector_load %arg25[%swap3A_87] {strides = array<i32>} : memref<80xf32, #tpu.memory_space<vmem>>, vector<16xf32>,
    %swap3A_89 = vector.shape_cast %swap3A_88 : vector<16xf32> to vector<16xf32>
    %swap3A_90 = vector.shape_cast %broadcast_in_dim3A_20 : vector<16xf32> to vector<16xf32>
    tpu.vector_store %arg25[%swap3A_87], %swap3A_90 {strides = array<i32>} : memref<80xf32, #tpu.memory_space<vmem>>, vector<16xf32>,
    %swap3A_91 = arith.constant 32 : index
    %swap3A_92 = tpu.vector_load %arg25[%swap3A_91] {strides = array<i32>} : memref<80xf32, #tpu.memory_space<vmem>>, vector<16xf32>,
    %swap3A_93 = vector.shape_cast %swap3A_92 : vector<16xf32> to vector<16xf32>
    %swap3A_94 = vector.shape_cast %broadcast_in_dim3A_20 : vector<16xf32> to vector<16xf32>
    tpu.vector_store %arg25[%swap3A_91], %swap3A_94 {strides = array<i32>} : memref<80xf32, #tpu.memory_space<vmem>>, vector<16xf32>,
    %swap3A_95 = arith.constant 48 : index
    %swap3A_96 = tpu.vector_load %arg25[%swap3A_95] {strides = array<i32>} : memref<80xf32, #tpu.memory_space<vmem>>, vector<16xf32>,
    %swap3A_97 = vector.shape_cast %swap3A_96 : vector<16xf32> to vector<16xf32>
    %swap3A_98 = vector.shape_cast %broadcast_in_dim3A_20 : vector<16xf32> to vector<16xf32>
    tpu.vector_store %arg25[%swap3A_95], %swap3A_98 {strides = array<i32>} : memref<80xf32, #tpu.memory_space<vmem>>, vector<16xf32>,
    %swap3A_99 = arith.constant 64 : index
    %swap3A_100 = tpu.vector_load %arg25[%swap3A_99] {strides = array<i32>} : memref<80xf32, #tpu.memory_space<vmem>>, vector<16xf32>,
    %swap3A_101 = vector.shape_cast %swap3A_100 : vector<16xf32> to vector<16xf32>
    %swap3A_102 = vector.shape_cast %broadcast_in_dim3A_20 : vector<16xf32> to vector<16xf32>
    tpu.vector_store %arg25[%swap3A_99], %swap3A_102 {strides = array<i32>} : memref<80xf32, #tpu.memory_space<vmem>>, vector<16xf32>,
    %broadcast_in_dim3A_103 = arith.constant 1.000000e+00 : f32
    %broadcast_in_dim3A_104 = vector.broadcast %broadcast_in_dim3A_103 : f32 to vector<16xf32>
    %swap3A_105 = arith.constant 0 : index
    %swap3A_106 = tpu.vector_load %arg24[%swap3A_105] {strides = array<i32>} : memref<128xf32, #tpu.memory_space<vmem>>, vector<16xf32>,
    %swap3A_107 = vector.shape_cast %swap3A_106 : vector<16xf32> to vector<16xf32>
    %swap3A_108 = vector.shape_cast %broadcast_in_dim3A_104 : vector<16xf32> to vector<16xf32>
    tpu.vector_store %arg24[%swap3A_105], %swap3A_108 {strides = array<i32>} : memref<128xf32, #tpu.memory_space<vmem>>, vector<16xf32>,
    %broadcast_in_dim3A_109 = arith.constant 1.000000e+00 : f32
    %broadcast_in_dim3A_110 = vector.broadcast %broadcast_in_dim3A_109 : f32 to vector<16xf32>
    %swap3A_111 = arith.constant 16 : index
    %swap3A_112 = tpu.vector_load %arg24[%swap3A_111] {strides = array<i32>} : memref<128xf32, #tpu.memory_space<vmem>>, vector<16xf32>,
    %swap3A_113 = vector.shape_cast %swap3A_112 : vector<16xf32> to vector<16xf32>
    %swap3A_114 = vector.shape_cast %broadcast_in_dim3A_110 : vector<16xf32> to vector<16xf32>
    tpu.vector_store %arg24[%swap3A_111], %swap3A_114 {strides = array<i32>} : memref<128xf32, #tpu.memory_space<vmem>>, vector<16xf32>,
    %broadcast_in_dim3A_115 = arith.constant 1.000000e+00 : f32
    %broadcast_in_dim3A_116 = vector.broadcast %broadcast_in_dim3A_115 : f32 to vector<16xf32>
    %swap3A_117 = arith.constant 32 : index
    %swap3A_118 = tpu.vector_load %arg24[%swap3A_117] {strides = array<i32>} : memref<128xf32, #tpu.memory_space<vmem>>, vector<16xf32>,
    %swap3A_119 = vector.shape_cast %swap3A_118 : vector<16xf32> to vector<16xf32>
    %swap3A_120 = vector.shape_cast %broadcast_in_dim3A_116 : vector<16xf32> to vector<16xf32>
    tpu.vector_store %arg24[%swap3A_117], %swap3A_120 {strides = array<i32>} : memref<128xf32, #tpu.memory_space<vmem>>, vector<16xf32>,
    %broadcast_in_dim3A_121 = arith.constant 1.000000e+00 : f32
    %broadcast_in_dim3A_122 = vector.broadcast %broadcast_in_dim3A_121 : f32 to vector<16xf32>
    %swap3A_123 = arith.constant 48 : index
    %swap3A_124 = tpu.vector_load %arg24[%swap3A_123] {strides = array<i32>} : memref<128xf32, #tpu.memory_space<vmem>>, vector<16xf32>,
    %swap3A_125 = vector.shape_cast %swap3A_124 : vector<16xf32> to vector<16xf32>
    %swap3A_126 = vector.shape_cast %broadcast_in_dim3A_122 : vector<16xf32> to vector<16xf32>
    tpu.vector_store %arg24[%swap3A_123], %swap3A_126 {strides = array<i32>} : memref<128xf32, #tpu.memory_space<vmem>>, vector<16xf32>,
    %broadcast_in_dim3A_127 = arith.constant 1.000000e+00 : f32
    %broadcast_in_dim3A_128 = vector.broadcast %broadcast_in_dim3A_127 : f32 to vector<16xf32>
    %swap3A_129 = arith.constant 64 : index
    %swap3A_130 = tpu.vector_load %arg24[%swap3A_129] {strides = array<i32>} : memref<128xf32, #tpu.memory_space<vmem>>, vector<16xf32>,
    %swap3A_131 = vector.shape_cast %swap3A_130 : vector<16xf32> to vector<16xf32>
    %swap3A_132 = vector.shape_cast %broadcast_in_dim3A_128 : vector<16xf32> to vector<16xf32>
    tpu.vector_store %arg24[%swap3A_129], %swap3A_132 {strides = array<i32>} : memref<128xf32, #tpu.memory_space<vmem>>, vector<16xf32>,
    %broadcast_in_dim3A_133 = arith.constant 1.000000e+00 : f32
    %broadcast_in_dim3A_134 = vector.broadcast %broadcast_in_dim3A_133 : f32 to vector<16xf32>
    %swap3A_135 = arith.constant 80 : index
    %swap3A_136 = tpu.vector_load %arg24[%swap3A_135] {strides = array<i32>} : memref<128xf32, #tpu.memory_space<vmem>>, vector<16xf32>,
    %swap3A_137 = vector.shape_cast %swap3A_136 : vector<16xf32> to vector<16xf32>
    %swap3A_138 = vector.shape_cast %broadcast_in_dim3A_134 : vector<16xf32> to vector<16xf32>
    tpu.vector_store %arg24[%swap3A_135], %swap3A_138 {strides = array<i32>} : memref<128xf32, #tpu.memory_space<vmem>>, vector<16xf32>,
    %broadcast_in_dim3A_139 = arith.constant 1.000000e+00 : f32
    %broadcast_in_dim3A_140 = vector.broadcast %broadcast_in_dim3A_139 : f32 to vector<16xf32>
    %swap3A_141 = arith.constant 96 : index
    %swap3A_142 = tpu.vector_load %arg24[%swap3A_141] {strides = array<i32>} : memref<128xf32, #tpu.memory_space<vmem>>, vector<16xf32>,
    %swap3A_143 = vector.shape_cast %swap3A_142 : vector<16xf32> to vector<16xf32>
    %swap3A_144 = vector.shape_cast %broadcast_in_dim3A_140 : vector<16xf32> to vector<16xf32>
    tpu.vector_store %arg24[%swap3A_141], %swap3A_144 {strides = array<i32>} : memref<128xf32, #tpu.memory_space<vmem>>, vector<16xf32>,
    %broadcast_in_dim3A_145 = arith.constant 1.000000e+00 : f32
    %broadcast_in_dim3A_146 = vector.broadcast %broadcast_in_dim3A_145 : f32 to vector<16xf32>
    %swap3A_147 = arith.constant 112 : index
    %swap3A_148 = tpu.vector_load %arg24[%swap3A_147] {strides = array<i32>} : memref<128xf32, #tpu.memory_space<vmem>>, vector<16xf32>,
    %swap3A_149 = vector.shape_cast %swap3A_148 : vector<16xf32> to vector<16xf32>
    %swap3A_150 = vector.shape_cast %broadcast_in_dim3A_146 : vector<16xf32> to vector<16xf32>
    tpu.vector_store %arg24[%swap3A_147], %swap3A_150 {strides = array<i32>} : memref<128xf32, #tpu.memory_space<vmem>>, vector<16xf32>,
    %while3A_151 = arith.constant 0 : i32
    %while3A_152 = arith.constant 0 : i32
    %while3A_153 = arith.subi %select_n3A_50, %while3A_151 : i32
    %while3A_154 = arith.addi %while3A_151, %while3A_153 : i32
    %while3A_155 = arith.constant 1 : i32
    %while3A_156 = arith.divsi %while3A_153, %while3A_155 : i32
    %while3A_157 = arith.muli %while3A_156, %while3A_155 : i32
    %while3A_158 = arith.addi %while3A_151, %while3A_157 : i32
    %while3A_159 = arith.constant 1 : i32
    %while3A_160 = scf.for %while3A_220 = %while3A_151 to %while3A_158 step %while3A_159 iter_args(%while3A_221 = %while3A_152) -> (i32)  : i32 {
      %mul3A_222 = arith.constant 80 : i32
      %mul3A_223 = arith.muli %while3A_220, %mul3A_222 : i32
      %add3A_224 = arith.addi %mul3A_28, %mul3A_223 : i32
      "tpu.region"() ({
        %run_scoped3A = tpu.sem_alloc : memref<!tpu.dma_semaphore, #tpu.memory_space<semaphore_mem>>
        %dma_start3A_226 = tpu.memref_slice %arg23[%add3A_224] : memref<10000xf32, #tpu.memory_space<vmem_shared>> -> memref<80xf32, #tpu.memory_space<vmem_shared>>
        %dma_start3A_227 = tpu.memref_slice %arg23[%add3A_224] : memref<10000xf32, #tpu.memory_space<vmem_shared>> -> memref<80xf32, #tpu.memory_space<vmem_shared>>
        tpu.enqueue_dma source(%arg25 : memref<80xf32, #tpu.memory_space<vmem>>) target(%dma_start3A_227 : memref<80xf32, #tpu.memory_space<vmem_shared>>) target_semaphore(%run_scoped3A : memref<!tpu.dma_semaphore, #tpu.memory_space<semaphore_mem>>)
        %dma_wait3A_228 = tpu.memref_slice %arg23[%add3A_224] : memref<10000xf32, #tpu.memory_space<vmem_shared>> -> memref<80xf32, #tpu.memory_space<vmem_shared>>
        %dma_wait3A_229 = tpu.memref_slice %arg23[%add3A_224] : memref<10000xf32, #tpu.memory_space<vmem_shared>> -> memref<80xf32, #tpu.memory_space<vmem_shared>>
        tpu.wait_dma2 semaphore(%run_scoped3A : memref<!tpu.dma_semaphore, #tpu.memory_space<semaphore_mem>>) src(%arg25 : memref<80xf32, #tpu.memory_space<vmem>>) dst(%dma_wait3A_229 : memref<80xf32, #tpu.memory_space<vmem_shared>>)
        tpu.yield
      }) : () -> ()
      %while3A_225 = arith.constant 0 : i32
      scf.yield %while3A_225 : i32
    }
    %while3A_161 = arith.constant 1 : i32
    %while3A_162 = scf.for %while3A_220 = %while3A_158 to %while3A_154 step %while3A_161 iter_args(%while3A_221 = %while3A_160) -> (i32)  : i32 {
      %mul3A_222 = arith.constant 80 : i32
      %mul3A_223 = arith.muli %while3A_220, %mul3A_222 : i32
      %add3A_224 = arith.addi %mul3A_28, %mul3A_223 : i32
      "tpu.region"() ({
        %run_scoped3A = tpu.sem_alloc : memref<!tpu.dma_semaphore, #tpu.memory_space<semaphore_mem>>
        %dma_start3A_226 = tpu.memref_slice %arg23[%add3A_224] : memref<10000xf32, #tpu.memory_space<vmem_shared>> -> memref<80xf32, #tpu.memory_space<vmem_shared>>
        %dma_start3A_227 = tpu.memref_slice %arg23[%add3A_224] : memref<10000xf32, #tpu.memory_space<vmem_shared>> -> memref<80xf32, #tpu.memory_space<vmem_shared>>
        tpu.enqueue_dma source(%arg25 : memref<80xf32, #tpu.memory_space<vmem>>) target(%dma_start3A_227 : memref<80xf32, #tpu.memory_space<vmem_shared>>) target_semaphore(%run_scoped3A : memref<!tpu.dma_semaphore, #tpu.memory_space<semaphore_mem>>)
        %dma_wait3A_228 = tpu.memref_slice %arg23[%add3A_224] : memref<10000xf32, #tpu.memory_space<vmem_shared>> -> memref<80xf32, #tpu.memory_space<vmem_shared>>
        %dma_wait3A_229 = tpu.memref_slice %arg23[%add3A_224] : memref<10000xf32, #tpu.memory_space<vmem_shared>> -> memref<80xf32, #tpu.memory_space<vmem_shared>>
        tpu.wait_dma2 semaphore(%run_scoped3A : memref<!tpu.dma_semaphore, #tpu.memory_space<semaphore_mem>>) src(%arg25 : memref<80xf32, #tpu.memory_space<vmem>>) dst(%dma_wait3A_229 : memref<80xf32, #tpu.memory_space<vmem_shared>>)
        tpu.yield
      }) : () -> ()
      %while3A_225 = arith.constant 0 : i32
      scf.yield %while3A_225 : i32
    }
    %barrier3A = arith.constant 0 : index
    tpu.barrier barrier_id(%barrier3A)
    %scan3A_163 = arith.constant 0 : i32
    %scan3A_164 = arith.constant 0 : i32
    %scan3A_165 = arith.constant 39 : i32
    %scan3A_166 = arith.addi %scan3A_164, %scan3A_165 : i32
    %scan3A_167 = arith.constant 1 : i32
    %scan3A_168 = scf.for %scan3A_220 = %scan3A_164 to %scan3A_166 step %scan3A_167 iter_args(%scan3A_221 = %scan3A_163) -> (i32)  : i32 {
      %mul3A_222 = arith.constant 2 : i32
      %mul3A_223 = arith.muli %scan3A_220, %mul3A_222 : i32
      %add3A_224 = arith.constant 0 : i32
      %add3A_225 = arith.addi %mul3A_223, %add3A_224 : i32
      %add3A_226 = arith.constant 1 : i32
      %add3A_227 = arith.addi %add3A_225, %add3A_226 : i32
      %lt3A_228 = arith.cmpi slt, %add3A_227, %add3A_4 : i32
      %convert_element_type3A_229 = arith.extui %lt3A_228 : i1 to i32
      %cond3A_230 = arith.constant 0 : i32
      %cond3A_231 = arith.cmpi ne, %convert_element_type3A_229, %cond3A_230 : i32
      scf.if %cond3A_231 {
        %add3A_382 = arith.constant 1 : i32
        %add3A_383 = arith.addi %add3A_225, %add3A_382 : i32
        %mul3A_384 = arith.constant 32 : i32
        %mul3A_385 = arith.muli %add3A_383, %mul3A_384 : i32
        %add3A_386 = arith.addi %add3A, %mul3A_385 : i32
        %mul3A_387 = arith.constant 128 : i32
        %mul3A_388 = arith.muli %add3A_386, %mul3A_387 : i32
        %dma_wait3A_389 = tpu.memref_slice %arg3[%mul3A_388] : memref<320000xi32, #tpu.memory_space<hbm>> -> memref<128xi32, #tpu.memory_space<hbm>>
        %dma_wait3A_390 = tpu.memref_slice %arg3[%mul3A_388] : memref<320000xi32, #tpu.memory_space<hbm>> -> memref<128xi32, #tpu.memory_space<hbm>>
        tpu.wait_dma2 semaphore(%arg17 : memref<!tpu.dma_semaphore, #tpu.memory_space<semaphore_mem>>) src(%dma_wait3A_390 : memref<128xi32, #tpu.memory_space<hbm>>) dst(%arg11 : memref<128xi32, #tpu.memory_space<vmem>>)
        %dma_wait3A_391 = tpu.memref_slice %arg4[%mul3A_388] : memref<320000xi32, #tpu.memory_space<hbm>> -> memref<128xi32, #tpu.memory_space<hbm>>
        %dma_wait3A_392 = tpu.memref_slice %arg4[%mul3A_388] : memref<320000xi32, #tpu.memory_space<hbm>> -> memref<128xi32, #tpu.memory_space<hbm>>
        tpu.wait_dma2 semaphore(%arg17 : memref<!tpu.dma_semaphore, #tpu.memory_space<semaphore_mem>>) src(%dma_wait3A_392 : memref<128xi32, #tpu.memory_space<hbm>>) dst(%arg13 : memref<128xi32, #tpu.memory_space<vmem>>)
        %add3A_393 = arith.constant 1 : i32
        %add3A_394 = arith.addi %add3A_225, %add3A_393 : i32
        %ge3A = arith.constant 2 : i32
        %ge3A_395 = arith.cmpi sge, %add3A_394, %ge3A : i32
        %convert_element_type3A_396 = arith.extui %ge3A_395 : i1 to i32
        %cond3A_397 = arith.constant 0 : i32
        %cond3A_398 = arith.cmpi ne, %convert_element_type3A_396, %cond3A_397 : i32
        scf.if %cond3A_398 {
          %dma_wait3A_402 = arith.constant 0 : i32
          %dma_wait3A_403 = arith.constant 0 : i32
          %dma_wait3A_404 = tpu.memref_slice %arg7[%dma_wait3A_402, %dma_wait3A_403] : memref<10000x128xf32, #tpu.memory_space<vmem_shared>> -> memref<10000x128xf32, #tpu.memory_space<vmem_shared>>
          tpu.wait_indirect_dma semaphore(%arg21 : memref<!tpu.dma_semaphore, #tpu.memory_space<semaphore_mem>>) src(%arg9 : memref<128x128xf32, #tpu.memory_space<vmem>>) dst(%dma_wait3A_404 : memref<10000x128xf32, #tpu.memory_space<vmem_shared>>)
          %dma_wait3A_405 = arith.constant 0 : i32
          %dma_wait3A_406 = tpu.memref_slice %arg23[%dma_wait3A_405] : memref<10000xf32, #tpu.memory_space<vmem_shared>> -> memref<10000xf32, #tpu.memory_space<vmem_shared>>
          tpu.wait_indirect_dma semaphore(%arg27 : memref<!tpu.dma_semaphore, #tpu.memory_space<semaphore_mem>>) src(%arg24 : memref<128xf32, #tpu.memory_space<vmem>>) dst(%dma_wait3A_406 : memref<10000xf32, #tpu.memory_space<vmem_shared>>)
        } else {
        }
        %dma_start3A_399 = arith.constant 0 : i32
        %dma_start3A_400 = arith.constant 0 : i32
        %dma_start3A_401 = tpu.memref_slice %arg2[%dma_start3A_399, %dma_start3A_400] : memref<10000x128xf32, #tpu.memory_space<hbm>> -> memref<10000x128xf32, #tpu.memory_space<hbm>>
        tpu.enqueue_indirect_dma source(%dma_start3A_401 : memref<10000x128xf32, #tpu.memory_space<hbm>>) target(%arg9 : memref<128x128xf32, #tpu.memory_space<vmem>>) offsets(%arg11 : memref<128xi32, #tpu.memory_space<vmem>>) semaphore(%arg19 : memref<!tpu.dma_semaphore, #tpu.memory_space<semaphore_mem>>)
      } else {
      }
      %dma_wait3A_232 = arith.constant 0 : i32
      %dma_wait3A_233 = arith.constant 0 : i32
      %dma_wait3A_234 = tpu.memref_slice %arg2[%dma_wait3A_232, %dma_wait3A_233] : memref<10000x128xf32, #tpu.memory_space<hbm>> -> memref<10000x128xf32, #tpu.memory_space<hbm>>
      tpu.wait_indirect_dma semaphore(%arg18 : memref<!tpu.dma_semaphore, #tpu.memory_space<semaphore_mem>>) src(%dma_wait3A_234 : memref<10000x128xf32, #tpu.memory_space<hbm>>) dst(%arg8 : memref<128x128xf32, #tpu.memory_space<vmem>>)
      %get3A = arith.constant 0 : index
      %get3A_235 = tpu.vector_load %arg12[%get3A] {strides = array<i32>} : memref<128xi32, #tpu.memory_space<vmem>>, vector<16xi32>,
      %get3A_236 = vector.shape_cast %get3A_235 : vector<16xi32> to vector<16xi32>
      %swap3A_237 = arith.constant 0 : index
      %swap3A_238 = tpu.vector_load %arg14[%swap3A_237] {strides = array<i32>} : memref<128xi32, #tpu.memory_space<vmem>>, vector<16xi32>,
      %swap3A_239 = vector.shape_cast %swap3A_238 : vector<16xi32> to vector<16xi32>
      %swap3A_240 = vector.shape_cast %get3A_236 : vector<16xi32> to vector<16xi32>
      tpu.vector_store %arg14[%swap3A_237], %swap3A_240 {strides = array<i32>} : memref<128xi32, #tpu.memory_space<vmem>>, vector<16xi32>,
      %get3A_241 = arith.constant 16 : index
      %get3A_242 = tpu.vector_load %arg12[%get3A_241] {strides = array<i32>} : memref<128xi32, #tpu.memory_space<vmem>>, vector<16xi32>,
      %get3A_243 = vector.shape_cast %get3A_242 : vector<16xi32> to vector<16xi32>
      %swap3A_244 = arith.constant 16 : index
      %swap3A_245 = tpu.vector_load %arg14[%swap3A_244] {strides = array<i32>} : memref<128xi32, #tpu.memory_space<vmem>>, vector<16xi32>,
      %swap3A_246 = vector.shape_cast %swap3A_245 : vector<16xi32> to vector<16xi32>
      %swap3A_247 = vector.shape_cast %get3A_243 : vector<16xi32> to vector<16xi32>
      tpu.vector_store %arg14[%swap3A_244], %swap3A_247 {strides = array<i32>} : memref<128xi32, #tpu.memory_space<vmem>>, vector<16xi32>,
      %get3A_248 = arith.constant 32 : index
      %get3A_249 = tpu.vector_load %arg12[%get3A_248] {strides = array<i32>} : memref<128xi32, #tpu.memory_space<vmem>>, vector<16xi32>,
      %get3A_250 = vector.shape_cast %get3A_249 : vector<16xi32> to vector<16xi32>
      %swap3A_251 = arith.constant 32 : index
      %swap3A_252 = tpu.vector_load %arg14[%swap3A_251] {strides = array<i32>} : memref<128xi32, #tpu.memory_space<vmem>>, vector<16xi32>,
      %swap3A_253 = vector.shape_cast %swap3A_252 : vector<16xi32> to vector<16xi32>
      %swap3A_254 = vector.shape_cast %get3A_250 : vector<16xi32> to vector<16xi32>
      tpu.vector_store %arg14[%swap3A_251], %swap3A_254 {strides = array<i32>} : memref<128xi32, #tpu.memory_space<vmem>>, vector<16xi32>,
      %get3A_255 = arith.constant 48 : index
      %get3A_256 = tpu.vector_load %arg12[%get3A_255] {strides = array<i32>} : memref<128xi32, #tpu.memory_space<vmem>>, vector<16xi32>,
      %get3A_257 = vector.shape_cast %get3A_256 : vector<16xi32> to vector<16xi32>
      %swap3A_258 = arith.constant 48 : index
      %swap3A_259 = tpu.vector_load %arg14[%swap3A_258] {strides = array<i32>} : memref<128xi32, #tpu.memory_space<vmem>>, vector<16xi32>,
      %swap3A_260 = vector.shape_cast %swap3A_259 : vector<16xi32> to vector<16xi32>
      %swap3A_261 = vector.shape_cast %get3A_257 : vector<16xi32> to vector<16xi32>
      tpu.vector_store %arg14[%swap3A_258], %swap3A_261 {strides = array<i32>} : memref<128xi32, #tpu.memory_space<vmem>>, vector<16xi32>,
      %get3A_262 = arith.constant 64 : index
      %get3A_263 = tpu.vector_load %arg12[%get3A_262] {strides = array<i32>} : memref<128xi32, #tpu.memory_space<vmem>>, vector<16xi32>,
      %get3A_264 = vector.shape_cast %get3A_263 : vector<16xi32> to vector<16xi32>
      %swap3A_265 = arith.constant 64 : index
      %swap3A_266 = tpu.vector_load %arg14[%swap3A_265] {strides = array<i32>} : memref<128xi32, #tpu.memory_space<vmem>>, vector<16xi32>,
      %swap3A_267 = vector.shape_cast %swap3A_266 : vector<16xi32> to vector<16xi32>
      %swap3A_268 = vector.shape_cast %get3A_264 : vector<16xi32> to vector<16xi32>
      tpu.vector_store %arg14[%swap3A_265], %swap3A_268 {strides = array<i32>} : memref<128xi32, #tpu.memory_space<vmem>>, vector<16xi32>,
      %get3A_269 = arith.constant 80 : index
      %get3A_270 = tpu.vector_load %arg12[%get3A_269] {strides = array<i32>} : memref<128xi32, #tpu.memory_space<vmem>>, vector<16xi32>,
      %get3A_271 = vector.shape_cast %get3A_270 : vector<16xi32> to vector<16xi32>
      %swap3A_272 = arith.constant 80 : index
      %swap3A_273 = tpu.vector_load %arg14[%swap3A_272] {strides = array<i32>} : memref<128xi32, #tpu.memory_space<vmem>>, vector<16xi32>,
      %swap3A_274 = vector.shape_cast %swap3A_273 : vector<16xi32> to vector<16xi32>
      %swap3A_275 = vector.shape_cast %get3A_271 : vector<16xi32> to vector<16xi32>
      tpu.vector_store %arg14[%swap3A_272], %swap3A_275 {strides = array<i32>} : memref<128xi32, #tpu.memory_space<vmem>>, vector<16xi32>,
      %get3A_276 = arith.constant 96 : index
      %get3A_277 = tpu.vector_load %arg12[%get3A_276] {strides = array<i32>} : memref<128xi32, #tpu.memory_space<vmem>>, vector<16xi32>,
      %get3A_278 = vector.shape_cast %get3A_277 : vector<16xi32> to vector<16xi32>
      %swap3A_279 = arith.constant 96 : index
      %swap3A_280 = tpu.vector_load %arg14[%swap3A_279] {strides = array<i32>} : memref<128xi32, #tpu.memory_space<vmem>>, vector<16xi32>,
      %swap3A_281 = vector.shape_cast %swap3A_280 : vector<16xi32> to vector<16xi32>
      %swap3A_282 = vector.shape_cast %get3A_278 : vector<16xi32> to vector<16xi32>
      tpu.vector_store %arg14[%swap3A_279], %swap3A_282 {strides = array<i32>} : memref<128xi32, #tpu.memory_space<vmem>>, vector<16xi32>,
      %get3A_283 = arith.constant 112 : index
      %get3A_284 = tpu.vector_load %arg12[%get3A_283] {strides = array<i32>} : memref<128xi32, #tpu.memory_space<vmem>>, vector<16xi32>,
      %get3A_285 = vector.shape_cast %get3A_284 : vector<16xi32> to vector<16xi32>
      %swap3A_286 = arith.constant 112 : index
      %swap3A_287 = tpu.vector_load %arg14[%swap3A_286] {strides = array<i32>} : memref<128xi32, #tpu.memory_space<vmem>>, vector<16xi32>,
      %swap3A_288 = vector.shape_cast %swap3A_287 : vector<16xi32> to vector<16xi32>
      %swap3A_289 = vector.shape_cast %get3A_285 : vector<16xi32> to vector<16xi32>
      tpu.vector_store %arg14[%swap3A_286], %swap3A_289 {strides = array<i32>} : memref<128xi32, #tpu.memory_space<vmem>>, vector<16xi32>,
      %dma_start3A_290 = arith.constant 0 : i32
      %dma_start3A_291 = arith.constant 0 : i32
      %dma_start3A_292 = tpu.memref_slice %arg7[%dma_start3A_290, %dma_start3A_291] : memref<10000x128xf32, #tpu.memory_space<vmem_shared>> -> memref<10000x128xf32, #tpu.memory_space<vmem_shared>>
      tpu.enqueue_indirect_dma source(%arg8 : memref<128x128xf32, #tpu.memory_space<vmem>>) target(%dma_start3A_292 : memref<10000x128xf32, #tpu.memory_space<vmem_shared>>) offsets(%arg14 : memref<128xi32, #tpu.memory_space<vmem>>) semaphore(%arg20 : memref<!tpu.dma_semaphore, #tpu.memory_space<semaphore_mem>>) {add = true}
      %dma_start3A_293 = arith.constant 0 : i32
      %dma_start3A_294 = tpu.memref_slice %arg23[%dma_start3A_293] : memref<10000xf32, #tpu.memory_space<vmem_shared>> -> memref<10000xf32, #tpu.memory_space<vmem_shared>>
      tpu.enqueue_indirect_dma source(%arg24 : memref<128xf32, #tpu.memory_space<vmem>>) target(%dma_start3A_294 : memref<10000xf32, #tpu.memory_space<vmem_shared>>) offsets(%arg14 : memref<128xi32, #tpu.memory_space<vmem>>) semaphore(%arg26 : memref<!tpu.dma_semaphore, #tpu.memory_space<semaphore_mem>>) {add = true}
      %add3A_295 = arith.constant 2 : i32
      %add3A_296 = arith.addi %add3A_225, %add3A_295 : i32
      %lt3A_297 = arith.cmpi slt, %add3A_296, %add3A_4 : i32
      %convert_element_type3A_298 = arith.extui %lt3A_297 : i1 to i32
      %cond3A_299 = arith.constant 0 : i32
      %cond3A_300 = arith.cmpi ne, %convert_element_type3A_298, %cond3A_299 : i32
      scf.if %cond3A_300 {
        %add3A_382 = arith.constant 2 : i32
        %add3A_383 = arith.addi %add3A_225, %add3A_382 : i32
        %mul3A_384 = arith.constant 32 : i32
        %mul3A_385 = arith.muli %add3A_383, %mul3A_384 : i32
        %add3A_386 = arith.addi %add3A, %mul3A_385 : i32
        %mul3A_387 = arith.constant 128 : i32
        %mul3A_388 = arith.muli %add3A_386, %mul3A_387 : i32
        %dma_start3A_389 = tpu.memref_slice %arg3[%mul3A_388] : memref<320000xi32, #tpu.memory_space<hbm>> -> memref<128xi32, #tpu.memory_space<hbm>>
        %dma_start3A_390 = tpu.memref_slice %arg3[%mul3A_388] : memref<320000xi32, #tpu.memory_space<hbm>> -> memref<128xi32, #tpu.memory_space<hbm>>
        tpu.enqueue_dma source(%dma_start3A_390 : memref<128xi32, #tpu.memory_space<hbm>>) target(%arg10 : memref<128xi32, #tpu.memory_space<vmem>>) target_semaphore(%arg16 : memref<!tpu.dma_semaphore, #tpu.memory_space<semaphore_mem>>)
        %dma_start3A_391 = tpu.memref_slice %arg4[%mul3A_388] : memref<320000xi32, #tpu.memory_space<hbm>> -> memref<128xi32, #tpu.memory_space<hbm>>
        %dma_start3A_392 = tpu.memref_slice %arg4[%mul3A_388] : memref<320000xi32, #tpu.memory_space<hbm>> -> memref<128xi32, #tpu.memory_space<hbm>>
        tpu.enqueue_dma source(%dma_start3A_392 : memref<128xi32, #tpu.memory_space<hbm>>) target(%arg12 : memref<128xi32, #tpu.memory_space<vmem>>) target_semaphore(%arg16 : memref<!tpu.dma_semaphore, #tpu.memory_space<semaphore_mem>>)
      } else {
      }
      %mul3A_301 = arith.constant 2 : i32
      %mul3A_302 = arith.muli %scan3A_220, %mul3A_301 : i32
      %add3A_303 = arith.constant 1 : i32
      %add3A_304 = arith.addi %mul3A_302, %add3A_303 : i32
      %add3A_305 = arith.constant 1 : i32
      %add3A_306 = arith.addi %add3A_304, %add3A_305 : i32
      %lt3A_307 = arith.cmpi slt, %add3A_306, %add3A_4 : i32
      %convert_element_type3A_308 = arith.extui %lt3A_307 : i1 to i32
      %cond3A_309 = arith.constant 0 : i32
      %cond3A_310 = arith.cmpi ne, %convert_element_type3A_308, %cond3A_309 : i32
      scf.if %cond3A_310 {
        %add3A_382 = arith.constant 1 : i32
        %add3A_383 = arith.addi %add3A_304, %add3A_382 : i32
        %mul3A_384 = arith.constant 32 : i32
        %mul3A_385 = arith.muli %add3A_383, %mul3A_384 : i32
        %add3A_386 = arith.addi %add3A, %mul3A_385 : i32
        %mul3A_387 = arith.constant 128 : i32
        %mul3A_388 = arith.muli %add3A_386, %mul3A_387 : i32
        %dma_wait3A_389 = tpu.memref_slice %arg3[%mul3A_388] : memref<320000xi32, #tpu.memory_space<hbm>> -> memref<128xi32, #tpu.memory_space<hbm>>
        %dma_wait3A_390 = tpu.memref_slice %arg3[%mul3A_388] : memref<320000xi32, #tpu.memory_space<hbm>> -> memref<128xi32, #tpu.memory_space<hbm>>
        tpu.wait_dma2 semaphore(%arg16 : memref<!tpu.dma_semaphore, #tpu.memory_space<semaphore_mem>>) src(%dma_wait3A_390 : memref<128xi32, #tpu.memory_space<hbm>>) dst(%arg10 : memref<128xi32, #tpu.memory_space<vmem>>)
        %dma_wait3A_391 = tpu.memref_slice %arg4[%mul3A_388] : memref<320000xi32, #tpu.memory_space<hbm>> -> memref<128xi32, #tpu.memory_space<hbm>>
        %dma_wait3A_392 = tpu.memref_slice %arg4[%mul3A_388] : memref<320000xi32, #tpu.memory_space<hbm>> -> memref<128xi32, #tpu.memory_space<hbm>>
        tpu.wait_dma2 semaphore(%arg16 : memref<!tpu.dma_semaphore, #tpu.memory_space<semaphore_mem>>) src(%dma_wait3A_392 : memref<128xi32, #tpu.memory_space<hbm>>) dst(%arg12 : memref<128xi32, #tpu.memory_space<vmem>>)
        %add3A_393 = arith.constant 1 : i32
        %add3A_394 = arith.addi %add3A_304, %add3A_393 : i32
        %ge3A = arith.constant 2 : i32
        %ge3A_395 = arith.cmpi sge, %add3A_394, %ge3A : i32
        %convert_element_type3A_396 = arith.extui %ge3A_395 : i1 to i32
        %cond3A_397 = arith.constant 0 : i32
        %cond3A_398 = arith.cmpi ne, %convert_element_type3A_396, %cond3A_397 : i32
        scf.if %cond3A_398 {
          %dma_wait3A_402 = arith.constant 0 : i32
          %dma_wait3A_403 = arith.constant 0 : i32
          %dma_wait3A_404 = tpu.memref_slice %arg7[%dma_wait3A_402, %dma_wait3A_403] : memref<10000x128xf32, #tpu.memory_space<vmem_shared>> -> memref<10000x128xf32, #tpu.memory_space<vmem_shared>>
          tpu.wait_indirect_dma semaphore(%arg20 : memref<!tpu.dma_semaphore, #tpu.memory_space<semaphore_mem>>) src(%arg8 : memref<128x128xf32, #tpu.memory_space<vmem>>) dst(%dma_wait3A_404 : memref<10000x128xf32, #tpu.memory_space<vmem_shared>>)
          %dma_wait3A_405 = arith.constant 0 : i32
          %dma_wait3A_406 = tpu.memref_slice %arg23[%dma_wait3A_405] : memref<10000xf32, #tpu.memory_space<vmem_shared>> -> memref<10000xf32, #tpu.memory_space<vmem_shared>>
          tpu.wait_indirect_dma semaphore(%arg26 : memref<!tpu.dma_semaphore, #tpu.memory_space<semaphore_mem>>) src(%arg24 : memref<128xf32, #tpu.memory_space<vmem>>) dst(%dma_wait3A_406 : memref<10000xf32, #tpu.memory_space<vmem_shared>>)
        } else {
        }
        %dma_start3A_399 = arith.constant 0 : i32
        %dma_start3A_400 = arith.constant 0 : i32
        %dma_start3A_401 = tpu.memref_slice %arg2[%dma_start3A_399, %dma_start3A_400] : memref<10000x128xf32, #tpu.memory_space<hbm>> -> memref<10000x128xf32, #tpu.memory_space<hbm>>
        tpu.enqueue_indirect_dma source(%dma_start3A_401 : memref<10000x128xf32, #tpu.memory_space<hbm>>) target(%arg8 : memref<128x128xf32, #tpu.memory_space<vmem>>) offsets(%arg10 : memref<128xi32, #tpu.memory_space<vmem>>) semaphore(%arg18 : memref<!tpu.dma_semaphore, #tpu.memory_space<semaphore_mem>>)
      } else {
      }
      %dma_wait3A_311 = arith.constant 0 : i32
      %dma_wait3A_312 = arith.constant 0 : i32
      %dma_wait3A_313 = tpu.memref_slice %arg2[%dma_wait3A_311, %dma_wait3A_312] : memref<10000x128xf32, #tpu.memory_space<hbm>> -> memref<10000x128xf32, #tpu.memory_space<hbm>>
      tpu.wait_indirect_dma semaphore(%arg19 : memref<!tpu.dma_semaphore, #tpu.memory_space<semaphore_mem>>) src(%dma_wait3A_313 : memref<10000x128xf32, #tpu.memory_space<hbm>>) dst(%arg9 : memref<128x128xf32, #tpu.memory_space<vmem>>)
      %get3A_314 = arith.constant 0 : index
      %get3A_315 = tpu.vector_load %arg13[%get3A_314] {strides = array<i32>} : memref<128xi32, #tpu.memory_space<vmem>>, vector<16xi32>,
      %get3A_316 = vector.shape_cast %get3A_315 : vector<16xi32> to vector<16xi32>
      %swap3A_317 = arith.constant 0 : index
      %swap3A_318 = tpu.vector_load %arg15[%swap3A_317] {strides = array<i32>} : memref<128xi32, #tpu.memory_space<vmem>>, vector<16xi32>,
      %swap3A_319 = vector.shape_cast %swap3A_318 : vector<16xi32> to vector<16xi32>
      %swap3A_320 = vector.shape_cast %get3A_316 : vector<16xi32> to vector<16xi32>
      tpu.vector_store %arg15[%swap3A_317], %swap3A_320 {strides = array<i32>} : memref<128xi32, #tpu.memory_space<vmem>>, vector<16xi32>,
      %get3A_321 = arith.constant 16 : index
      %get3A_322 = tpu.vector_load %arg13[%get3A_321] {strides = array<i32>} : memref<128xi32, #tpu.memory_space<vmem>>, vector<16xi32>,
      %get3A_323 = vector.shape_cast %get3A_322 : vector<16xi32> to vector<16xi32>
      %swap3A_324 = arith.constant 16 : index
      %swap3A_325 = tpu.vector_load %arg15[%swap3A_324] {strides = array<i32>} : memref<128xi32, #tpu.memory_space<vmem>>, vector<16xi32>,
      %swap3A_326 = vector.shape_cast %swap3A_325 : vector<16xi32> to vector<16xi32>
      %swap3A_327 = vector.shape_cast %get3A_323 : vector<16xi32> to vector<16xi32>
      tpu.vector_store %arg15[%swap3A_324], %swap3A_327 {strides = array<i32>} : memref<128xi32, #tpu.memory_space<vmem>>, vector<16xi32>,
      %get3A_328 = arith.constant 32 : index
      %get3A_329 = tpu.vector_load %arg13[%get3A_328] {strides = array<i32>} : memref<128xi32, #tpu.memory_space<vmem>>, vector<16xi32>,
      %get3A_330 = vector.shape_cast %get3A_329 : vector<16xi32> to vector<16xi32>
      %swap3A_331 = arith.constant 32 : index
      %swap3A_332 = tpu.vector_load %arg15[%swap3A_331] {strides = array<i32>} : memref<128xi32, #tpu.memory_space<vmem>>, vector<16xi32>,
      %swap3A_333 = vector.shape_cast %swap3A_332 : vector<16xi32> to vector<16xi32>
      %swap3A_334 = vector.shape_cast %get3A_330 : vector<16xi32> to vector<16xi32>
      tpu.vector_store %arg15[%swap3A_331], %swap3A_334 {strides = array<i32>} : memref<128xi32, #tpu.memory_space<vmem>>, vector<16xi32>,
      %get3A_335 = arith.constant 48 : index
      %get3A_336 = tpu.vector_load %arg13[%get3A_335] {strides = array<i32>} : memref<128xi32, #tpu.memory_space<vmem>>, vector<16xi32>,
      %get3A_337 = vector.shape_cast %get3A_336 : vector<16xi32> to vector<16xi32>
      %swap3A_338 = arith.constant 48 : index
      %swap3A_339 = tpu.vector_load %arg15[%swap3A_338] {strides = array<i32>} : memref<128xi32, #tpu.memory_space<vmem>>, vector<16xi32>,
      %swap3A_340 = vector.shape_cast %swap3A_339 : vector<16xi32> to vector<16xi32>
      %swap3A_341 = vector.shape_cast %get3A_337 : vector<16xi32> to vector<16xi32>
      tpu.vector_store %arg15[%swap3A_338], %swap3A_341 {strides = array<i32>} : memref<128xi32, #tpu.memory_space<vmem>>, vector<16xi32>,
      %get3A_342 = arith.constant 64 : index
      %get3A_343 = tpu.vector_load %arg13[%get3A_342] {strides = array<i32>} : memref<128xi32, #tpu.memory_space<vmem>>, vector<16xi32>,
      %get3A_344 = vector.shape_cast %get3A_343 : vector<16xi32> to vector<16xi32>
      %swap3A_345 = arith.constant 64 : index
      %swap3A_346 = tpu.vector_load %arg15[%swap3A_345] {strides = array<i32>} : memref<128xi32, #tpu.memory_space<vmem>>, vector<16xi32>,
      %swap3A_347 = vector.shape_cast %swap3A_346 : vector<16xi32> to vector<16xi32>
      %swap3A_348 = vector.shape_cast %get3A_344 : vector<16xi32> to vector<16xi32>
      tpu.vector_store %arg15[%swap3A_345], %swap3A_348 {strides = array<i32>} : memref<128xi32, #tpu.memory_space<vmem>>, vector<16xi32>,
      %get3A_349 = arith.constant 80 : index
      %get3A_350 = tpu.vector_load %arg13[%get3A_349] {strides = array<i32>} : memref<128xi32, #tpu.memory_space<vmem>>, vector<16xi32>,
      %get3A_351 = vector.shape_cast %get3A_350 : vector<16xi32> to vector<16xi32>
      %swap3A_352 = arith.constant 80 : index
      %swap3A_353 = tpu.vector_load %arg15[%swap3A_352] {strides = array<i32>} : memref<128xi32, #tpu.memory_space<vmem>>, vector<16xi32>,
      %swap3A_354 = vector.shape_cast %swap3A_353 : vector<16xi32> to vector<16xi32>
      %swap3A_355 = vector.shape_cast %get3A_351 : vector<16xi32> to vector<16xi32>
      tpu.vector_store %arg15[%swap3A_352], %swap3A_355 {strides = array<i32>} : memref<128xi32, #tpu.memory_space<vmem>>, vector<16xi32>,
      %get3A_356 = arith.constant 96 : index
      %get3A_357 = tpu.vector_load %arg13[%get3A_356] {strides = array<i32>} : memref<128xi32, #tpu.memory_space<vmem>>, vector<16xi32>,
      %get3A_358 = vector.shape_cast %get3A_357 : vector<16xi32> to vector<16xi32>
      %swap3A_359 = arith.constant 96 : index
      %swap3A_360 = tpu.vector_load %arg15[%swap3A_359] {strides = array<i32>} : memref<128xi32, #tpu.memory_space<vmem>>, vector<16xi32>,
      %swap3A_361 = vector.shape_cast %swap3A_360 : vector<16xi32> to vector<16xi32>
      %swap3A_362 = vector.shape_cast %get3A_358 : vector<16xi32> to vector<16xi32>
      tpu.vector_store %arg15[%swap3A_359], %swap3A_362 {strides = array<i32>} : memref<128xi32, #tpu.memory_space<vmem>>, vector<16xi32>,
      %get3A_363 = arith.constant 112 : index
      %get3A_364 = tpu.vector_load %arg13[%get3A_363] {strides = array<i32>} : memref<128xi32, #tpu.memory_space<vmem>>, vector<16xi32>,
      %get3A_365 = vector.shape_cast %get3A_364 : vector<16xi32> to vector<16xi32>
      %swap3A_366 = arith.constant 112 : index
      %swap3A_367 = tpu.vector_load %arg15[%swap3A_366] {strides = array<i32>} : memref<128xi32, #tpu.memory_space<vmem>>, vector<16xi32>,
      %swap3A_368 = vector.shape_cast %swap3A_367 : vector<16xi32> to vector<16xi32>
      %swap3A_369 = vector.shape_cast %get3A_365 : vector<16xi32> to vector<16xi32>
      tpu.vector_store %arg15[%swap3A_366], %swap3A_369 {strides = array<i32>} : memref<128xi32, #tpu.memory_space<vmem>>, vector<16xi32>,
      %dma_start3A_370 = arith.constant 0 : i32
      %dma_start3A_371 = arith.constant 0 : i32
      %dma_start3A_372 = tpu.memref_slice %arg7[%dma_start3A_370, %dma_start3A_371] : memref<10000x128xf32, #tpu.memory_space<vmem_shared>> -> memref<10000x128xf32, #tpu.memory_space<vmem_shared>>
      tpu.enqueue_indirect_dma source(%arg9 : memref<128x128xf32, #tpu.memory_space<vmem>>) target(%dma_start3A_372 : memref<10000x128xf32, #tpu.memory_space<vmem_shared>>) offsets(%arg15 : memref<128xi32, #tpu.memory_space<vmem>>) semaphore(%arg21 : memref<!tpu.dma_semaphore, #tpu.memory_space<semaphore_mem>>) {add = true}
      %dma_start3A_373 = arith.constant 0 : i32
      %dma_start3A_374 = tpu.memref_slice %arg23[%dma_start3A_373] : memref<10000xf32, #tpu.memory_space<vmem_shared>> -> memref<10000xf32, #tpu.memory_space<vmem_shared>>
      tpu.enqueue_indirect_dma source(%arg24 : memref<128xf32, #tpu.memory_space<vmem>>) target(%dma_start3A_374 : memref<10000xf32, #tpu.memory_space<vmem_shared>>) offsets(%arg15 : memref<128xi32, #tpu.memory_space<vmem>>) semaphore(%arg27 : memref<!tpu.dma_semaphore, #tpu.memory_space<semaphore_mem>>) {add = true}
      %add3A_375 = arith.constant 2 : i32
      %add3A_376 = arith.addi %add3A_304, %add3A_375 : i32
      %lt3A_377 = arith.cmpi slt, %add3A_376, %add3A_4 : i32
      %convert_element_type3A_378 = arith.extui %lt3A_377 : i1 to i32
      %cond3A_379 = arith.constant 0 : i32
      %cond3A_380 = arith.cmpi ne, %convert_element_type3A_378, %cond3A_379 : i32
      scf.if %cond3A_380 {
        %add3A_382 = arith.constant 2 : i32
        %add3A_383 = arith.addi %add3A_304, %add3A_382 : i32
        %mul3A_384 = arith.constant 32 : i32
        %mul3A_385 = arith.muli %add3A_383, %mul3A_384 : i32
        %add3A_386 = arith.addi %add3A, %mul3A_385 : i32
        %mul3A_387 = arith.constant 128 : i32
        %mul3A_388 = arith.muli %add3A_386, %mul3A_387 : i32
        %dma_start3A_389 = tpu.memref_slice %arg3[%mul3A_388] : memref<320000xi32, #tpu.memory_space<hbm>> -> memref<128xi32, #tpu.memory_space<hbm>>
        %dma_start3A_390 = tpu.memref_slice %arg3[%mul3A_388] : memref<320000xi32, #tpu.memory_space<hbm>> -> memref<128xi32, #tpu.memory_space<hbm>>
        tpu.enqueue_dma source(%dma_start3A_390 : memref<128xi32, #tpu.memory_space<hbm>>) target(%arg11 : memref<128xi32, #tpu.memory_space<vmem>>) target_semaphore(%arg17 : memref<!tpu.dma_semaphore, #tpu.memory_space<semaphore_mem>>)
        %dma_start3A_391 = tpu.memref_slice %arg4[%mul3A_388] : memref<320000xi32, #tpu.memory_space<hbm>> -> memref<128xi32, #tpu.memory_space<hbm>>
        %dma_start3A_392 = tpu.memref_slice %arg4[%mul3A_388] : memref<320000xi32, #tpu.memory_space<hbm>> -> memref<128xi32, #tpu.memory_space<hbm>>
        tpu.enqueue_dma source(%dma_start3A_392 : memref<128xi32, #tpu.memory_space<hbm>>) target(%arg13 : memref<128xi32, #tpu.memory_space<vmem>>) target_semaphore(%arg17 : memref<!tpu.dma_semaphore, #tpu.memory_space<semaphore_mem>>)
      } else {
      }
      %scan3A_381 = arith.constant 0 : i32
      scf.yield %scan3A_381 : i32
    }
    %scan3A_169 = arith.constant 39 : i32
    %lt3A_170 = arith.constant 4 : i32
    %lt3A_171 = arith.cmpi slt, %add3A, %lt3A_170 : i32
    %convert_element_type3A = arith.extui %lt3A_171 : i1 to i32
    %cond3A = arith.constant 0 : i32
    %cond3A_172 = arith.cmpi ne, %convert_element_type3A, %cond3A : i32
    scf.if %cond3A_172 {
      %dma_wait3A_220 = arith.constant 0 : i32
      %dma_wait3A_221 = arith.constant 0 : i32
      %dma_wait3A_222 = tpu.memref_slice %arg2[%dma_wait3A_220, %dma_wait3A_221] : memref<10000x128xf32, #tpu.memory_space<hbm>> -> memref<10000x128xf32, #tpu.memory_space<hbm>>
      tpu.wait_indirect_dma semaphore(%arg18 : memref<!tpu.dma_semaphore, #tpu.memory_space<semaphore_mem>>) src(%dma_wait3A_222 : memref<10000x128xf32, #tpu.memory_space<hbm>>) dst(%arg8 : memref<128x128xf32, #tpu.memory_space<vmem>>)
      %get3A = arith.constant 0 : index
      %get3A_223 = tpu.vector_load %arg12[%get3A] {strides = array<i32>} : memref<128xi32, #tpu.memory_space<vmem>>, vector<16xi32>,
      %get3A_224 = vector.shape_cast %get3A_223 : vector<16xi32> to vector<16xi32>
      %swap3A_225 = arith.constant 0 : index
      %swap3A_226 = tpu.vector_load %arg14[%swap3A_225] {strides = array<i32>} : memref<128xi32, #tpu.memory_space<vmem>>, vector<16xi32>,
      %swap3A_227 = vector.shape_cast %swap3A_226 : vector<16xi32> to vector<16xi32>
      %swap3A_228 = vector.shape_cast %get3A_224 : vector<16xi32> to vector<16xi32>
      tpu.vector_store %arg14[%swap3A_225], %swap3A_228 {strides = array<i32>} : memref<128xi32, #tpu.memory_space<vmem>>, vector<16xi32>,
      %get3A_229 = arith.constant 16 : index
      %get3A_230 = tpu.vector_load %arg12[%get3A_229] {strides = array<i32>} : memref<128xi32, #tpu.memory_space<vmem>>, vector<16xi32>,
      %get3A_231 = vector.shape_cast %get3A_230 : vector<16xi32> to vector<16xi32>
      %swap3A_232 = arith.constant 16 : index
      %swap3A_233 = tpu.vector_load %arg14[%swap3A_232] {strides = array<i32>} : memref<128xi32, #tpu.memory_space<vmem>>, vector<16xi32>,
      %swap3A_234 = vector.shape_cast %swap3A_233 : vector<16xi32> to vector<16xi32>
      %swap3A_235 = vector.shape_cast %get3A_231 : vector<16xi32> to vector<16xi32>
      tpu.vector_store %arg14[%swap3A_232], %swap3A_235 {strides = array<i32>} : memref<128xi32, #tpu.memory_space<vmem>>, vector<16xi32>,
      %get3A_236 = arith.constant 32 : index
      %get3A_237 = tpu.vector_load %arg12[%get3A_236] {strides = array<i32>} : memref<128xi32, #tpu.memory_space<vmem>>, vector<16xi32>,
      %get3A_238 = vector.shape_cast %get3A_237 : vector<16xi32> to vector<16xi32>
      %swap3A_239 = arith.constant 32 : index
      %swap3A_240 = tpu.vector_load %arg14[%swap3A_239] {strides = array<i32>} : memref<128xi32, #tpu.memory_space<vmem>>, vector<16xi32>,
      %swap3A_241 = vector.shape_cast %swap3A_240 : vector<16xi32> to vector<16xi32>
      %swap3A_242 = vector.shape_cast %get3A_238 : vector<16xi32> to vector<16xi32>
      tpu.vector_store %arg14[%swap3A_239], %swap3A_242 {strides = array<i32>} : memref<128xi32, #tpu.memory_space<vmem>>, vector<16xi32>,
      %get3A_243 = arith.constant 48 : index
      %get3A_244 = tpu.vector_load %arg12[%get3A_243] {strides = array<i32>} : memref<128xi32, #tpu.memory_space<vmem>>, vector<16xi32>,
      %get3A_245 = vector.shape_cast %get3A_244 : vector<16xi32> to vector<16xi32>
      %swap3A_246 = arith.constant 48 : index
      %swap3A_247 = tpu.vector_load %arg14[%swap3A_246] {strides = array<i32>} : memref<128xi32, #tpu.memory_space<vmem>>, vector<16xi32>,
      %swap3A_248 = vector.shape_cast %swap3A_247 : vector<16xi32> to vector<16xi32>
      %swap3A_249 = vector.shape_cast %get3A_245 : vector<16xi32> to vector<16xi32>
      tpu.vector_store %arg14[%swap3A_246], %swap3A_249 {strides = array<i32>} : memref<128xi32, #tpu.memory_space<vmem>>, vector<16xi32>,
      %get3A_250 = arith.constant 64 : index
      %get3A_251 = tpu.vector_load %arg12[%get3A_250] {strides = array<i32>} : memref<128xi32, #tpu.memory_space<vmem>>, vector<16xi32>,
      %get3A_252 = vector.shape_cast %get3A_251 : vector<16xi32> to vector<16xi32>
      %swap3A_253 = arith.constant 64 : index
      %swap3A_254 = tpu.vector_load %arg14[%swap3A_253] {strides = array<i32>} : memref<128xi32, #tpu.memory_space<vmem>>, vector<16xi32>,
      %swap3A_255 = vector.shape_cast %swap3A_254 : vector<16xi32> to vector<16xi32>
      %swap3A_256 = vector.shape_cast %get3A_252 : vector<16xi32> to vector<16xi32>
      tpu.vector_store %arg14[%swap3A_253], %swap3A_256 {strides = array<i32>} : memref<128xi32, #tpu.memory_space<vmem>>, vector<16xi32>,
      %get3A_257 = arith.constant 80 : index
      %get3A_258 = tpu.vector_load %arg12[%get3A_257] {strides = array<i32>} : memref<128xi32, #tpu.memory_space<vmem>>, vector<16xi32>,
      %get3A_259 = vector.shape_cast %get3A_258 : vector<16xi32> to vector<16xi32>
      %swap3A_260 = arith.constant 80 : index
      %swap3A_261 = tpu.vector_load %arg14[%swap3A_260] {strides = array<i32>} : memref<128xi32, #tpu.memory_space<vmem>>, vector<16xi32>,
      %swap3A_262 = vector.shape_cast %swap3A_261 : vector<16xi32> to vector<16xi32>
      %swap3A_263 = vector.shape_cast %get3A_259 : vector<16xi32> to vector<16xi32>
      tpu.vector_store %arg14[%swap3A_260], %swap3A_263 {strides = array<i32>} : memref<128xi32, #tpu.memory_space<vmem>>, vector<16xi32>,
      %get3A_264 = arith.constant 96 : index
      %get3A_265 = tpu.vector_load %arg12[%get3A_264] {strides = array<i32>} : memref<128xi32, #tpu.memory_space<vmem>>, vector<16xi32>,
      %get3A_266 = vector.shape_cast %get3A_265 : vector<16xi32> to vector<16xi32>
      %swap3A_267 = arith.constant 96 : index
      %swap3A_268 = tpu.vector_load %arg14[%swap3A_267] {strides = array<i32>} : memref<128xi32, #tpu.memory_space<vmem>>, vector<16xi32>,
      %swap3A_269 = vector.shape_cast %swap3A_268 : vector<16xi32> to vector<16xi32>
      %swap3A_270 = vector.shape_cast %get3A_266 : vector<16xi32> to vector<16xi32>
      tpu.vector_store %arg14[%swap3A_267], %swap3A_270 {strides = array<i32>} : memref<128xi32, #tpu.memory_space<vmem>>, vector<16xi32>,
      %get3A_271 = arith.constant 112 : index
      %get3A_272 = tpu.vector_load %arg12[%get3A_271] {strides = array<i32>} : memref<128xi32, #tpu.memory_space<vmem>>, vector<16xi32>,
      %get3A_273 = vector.shape_cast %get3A_272 : vector<16xi32> to vector<16xi32>
      %swap3A_274 = arith.constant 112 : index
      %swap3A_275 = tpu.vector_load %arg14[%swap3A_274] {strides = array<i32>} : memref<128xi32, #tpu.memory_space<vmem>>, vector<16xi32>,
      %swap3A_276 = vector.shape_cast %swap3A_275 : vector<16xi32> to vector<16xi32>
      %swap3A_277 = vector.shape_cast %get3A_273 : vector<16xi32> to vector<16xi32>
      tpu.vector_store %arg14[%swap3A_274], %swap3A_277 {strides = array<i32>} : memref<128xi32, #tpu.memory_space<vmem>>, vector<16xi32>,
      %dma_start3A_278 = arith.constant 0 : i32
      %dma_start3A_279 = arith.constant 0 : i32
      %dma_start3A_280 = tpu.memref_slice %arg7[%dma_start3A_278, %dma_start3A_279] : memref<10000x128xf32, #tpu.memory_space<vmem_shared>> -> memref<10000x128xf32, #tpu.memory_space<vmem_shared>>
      tpu.enqueue_indirect_dma source(%arg8 : memref<128x128xf32, #tpu.memory_space<vmem>>) target(%dma_start3A_280 : memref<10000x128xf32, #tpu.memory_space<vmem_shared>>) offsets(%arg14 : memref<128xi32, #tpu.memory_space<vmem>>) semaphore(%arg20 : memref<!tpu.dma_semaphore, #tpu.memory_space<semaphore_mem>>) {add = true}
      %dma_start3A_281 = arith.constant 0 : i32
      %dma_start3A_282 = tpu.memref_slice %arg23[%dma_start3A_281] : memref<10000xf32, #tpu.memory_space<vmem_shared>> -> memref<10000xf32, #tpu.memory_space<vmem_shared>>
      tpu.enqueue_indirect_dma source(%arg24 : memref<128xf32, #tpu.memory_space<vmem>>) target(%dma_start3A_282 : memref<10000xf32, #tpu.memory_space<vmem_shared>>) offsets(%arg14 : memref<128xi32, #tpu.memory_space<vmem>>) semaphore(%arg26 : memref<!tpu.dma_semaphore, #tpu.memory_space<semaphore_mem>>) {add = true}
    } else {
    }
    %dma_wait3A_173 = arith.constant 0 : i32
    %dma_wait3A_174 = arith.constant 0 : i32
    %dma_wait3A_175 = tpu.memref_slice %arg7[%dma_wait3A_173, %dma_wait3A_174] : memref<10000x128xf32, #tpu.memory_space<vmem_shared>> -> memref<10000x128xf32, #tpu.memory_space<vmem_shared>>
    tpu.wait_indirect_dma semaphore(%arg20 : memref<!tpu.dma_semaphore, #tpu.memory_space<semaphore_mem>>) src(%arg8 : memref<128x128xf32, #tpu.memory_space<vmem>>) dst(%dma_wait3A_175 : memref<10000x128xf32, #tpu.memory_space<vmem_shared>>)
    %dma_wait3A_176 = arith.constant 0 : i32
    %dma_wait3A_177 = tpu.memref_slice %arg23[%dma_wait3A_176] : memref<10000xf32, #tpu.memory_space<vmem_shared>> -> memref<10000xf32, #tpu.memory_space<vmem_shared>>
    tpu.wait_indirect_dma semaphore(%arg26 : memref<!tpu.dma_semaphore, #tpu.memory_space<semaphore_mem>>) src(%arg24 : memref<128xf32, #tpu.memory_space<vmem>>) dst(%dma_wait3A_177 : memref<10000xf32, #tpu.memory_space<vmem_shared>>)
    %dma_wait3A_178 = arith.constant 0 : i32
    %dma_wait3A_179 = arith.constant 0 : i32
    %dma_wait3A_180 = tpu.memref_slice %arg7[%dma_wait3A_178, %dma_wait3A_179] : memref<10000x128xf32, #tpu.memory_space<vmem_shared>> -> memref<10000x128xf32, #tpu.memory_space<vmem_shared>>
    tpu.wait_indirect_dma semaphore(%arg21 : memref<!tpu.dma_semaphore, #tpu.memory_space<semaphore_mem>>) src(%arg9 : memref<128x128xf32, #tpu.memory_space<vmem>>) dst(%dma_wait3A_180 : memref<10000x128xf32, #tpu.memory_space<vmem_shared>>)
    %dma_wait3A_181 = arith.constant 0 : i32
    %dma_wait3A_182 = tpu.memref_slice %arg23[%dma_wait3A_181] : memref<10000xf32, #tpu.memory_space<vmem_shared>> -> memref<10000xf32, #tpu.memory_space<vmem_shared>>
    tpu.wait_indirect_dma semaphore(%arg27 : memref<!tpu.dma_semaphore, #tpu.memory_space<semaphore_mem>>) src(%arg24 : memref<128xf32, #tpu.memory_space<vmem>>) dst(%dma_wait3A_182 : memref<10000xf32, #tpu.memory_space<vmem_shared>>)
    %barrier3A_183 = arith.constant 0 : index
    tpu.barrier barrier_id(%barrier3A_183)
    %while3A_184 = arith.constant 0 : i32
    %while3A_185 = arith.constant 0 : i32
    %while3A_186 = arith.subi %select_n3A_50, %while3A_184 : i32
    %while3A_187 = arith.addi %while3A_184, %while3A_186 : i32
    %while3A_188 = arith.constant 1 : i32
    %while3A_189 = arith.divsi %while3A_186, %while3A_188 : i32
    %while3A_190 = arith.muli %while3A_189, %while3A_188 : i32
    %while3A_191 = arith.addi %while3A_184, %while3A_190 : i32
    %while3A_192 = arith.constant 1 : i32
    %while3A_193 = scf.for %while3A_220 = %while3A_184 to %while3A_191 step %while3A_192 iter_args(%while3A_221 = %while3A_185) -> (i32)  : i32 {
      %mul3A_222 = arith.constant 80 : i32
      %mul3A_223 = arith.muli %while3A_220, %mul3A_222 : i32
      %add3A_224 = arith.addi %mul3A_28, %mul3A_223 : i32
      %dma_start3A_225 = arith.constant 0 : i32
      %dma_start3A_226 = tpu.memref_slice %arg5[%arg0, %add3A_224, %dma_start3A_225] : memref<2x10000x128xf32, #tpu.memory_space<hbm>> -> memref<1x80x128xf32, #tpu.memory_space<hbm>>
      %dma_start3A_227 = tpu.memref_squeeze %dma_start3A_226 : memref<1x80x128xf32, #tpu.memory_space<hbm>> -> memref<80x128xf32, #tpu.memory_space<hbm>>
      %dma_start3A_228 = arith.constant 0 : i32
      %dma_start3A_229 = tpu.memref_slice %arg7[%add3A_224, %dma_start3A_228] : memref<10000x128xf32, #tpu.memory_space<vmem_shared>> -> memref<80x128xf32, #tpu.memory_space<vmem_shared>>
      tpu.enqueue_dma source(%dma_start3A_229 : memref<80x128xf32, #tpu.memory_space<vmem_shared>>) target(%dma_start3A_227 : memref<80x128xf32, #tpu.memory_space<hbm>>) target_semaphore(%arg20 : memref<!tpu.dma_semaphore, #tpu.memory_space<semaphore_mem>>)
      %while3A_230 = arith.constant 0 : i32
      scf.yield %while3A_230 : i32
    }
    %while3A_194 = arith.constant 1 : i32
    %while3A_195 = scf.for %while3A_220 = %while3A_191 to %while3A_187 step %while3A_194 iter_args(%while3A_221 = %while3A_193) -> (i32)  : i32 {
      %mul3A_222 = arith.constant 80 : i32
      %mul3A_223 = arith.muli %while3A_220, %mul3A_222 : i32
      %add3A_224 = arith.addi %mul3A_28, %mul3A_223 : i32
      %dma_start3A_225 = arith.constant 0 : i32
      %dma_start3A_226 = tpu.memref_slice %arg5[%arg0, %add3A_224, %dma_start3A_225] : memref<2x10000x128xf32, #tpu.memory_space<hbm>> -> memref<1x80x128xf32, #tpu.memory_space<hbm>>
      %dma_start3A_227 = tpu.memref_squeeze %dma_start3A_226 : memref<1x80x128xf32, #tpu.memory_space<hbm>> -> memref<80x128xf32, #tpu.memory_space<hbm>>
      %dma_start3A_228 = arith.constant 0 : i32
      %dma_start3A_229 = tpu.memref_slice %arg7[%add3A_224, %dma_start3A_228] : memref<10000x128xf32, #tpu.memory_space<vmem_shared>> -> memref<80x128xf32, #tpu.memory_space<vmem_shared>>
      tpu.enqueue_dma source(%dma_start3A_229 : memref<80x128xf32, #tpu.memory_space<vmem_shared>>) target(%dma_start3A_227 : memref<80x128xf32, #tpu.memory_space<hbm>>) target_semaphore(%arg20 : memref<!tpu.dma_semaphore, #tpu.memory_space<semaphore_mem>>)
      %while3A_230 = arith.constant 0 : i32
      scf.yield %while3A_230 : i32
    }
    %while3A_196 = arith.constant 0 : i32
    %while3A_197 = arith.constant 0 : i32
    %while3A_198 = arith.subi %select_n3A_50, %while3A_196 : i32
    %while3A_199 = arith.addi %while3A_196, %while3A_198 : i32
    %while3A_200 = arith.constant 1 : i32
    %while3A_201 = arith.divsi %while3A_198, %while3A_200 : i32
    %while3A_202 = arith.muli %while3A_201, %while3A_200 : i32
    %while3A_203 = arith.addi %while3A_196, %while3A_202 : i32
    %while3A_204 = arith.constant 1 : i32
    %while3A_205 = scf.for %while3A_220 = %while3A_196 to %while3A_203 step %while3A_204 iter_args(%while3A_221 = %while3A_197) -> (i32)  : i32 {
      %add3A_222 = arith.constant 0 : i32
      %add3A_223 = arith.addi %mul3A_28, %add3A_222 : i32
      %dma_wait3A_224 = arith.constant 0 : i32
      %dma_wait3A_225 = tpu.memref_slice %arg5[%arg0, %add3A_223, %dma_wait3A_224] : memref<2x10000x128xf32, #tpu.memory_space<hbm>> -> memref<1x80x128xf32, #tpu.memory_space<hbm>>
      %dma_wait3A_226 = tpu.memref_squeeze %dma_wait3A_225 : memref<1x80x128xf32, #tpu.memory_space<hbm>> -> memref<80x128xf32, #tpu.memory_space<hbm>>
      %dma_wait3A_227 = arith.constant 0 : i32
      %dma_wait3A_228 = tpu.memref_slice %arg7[%add3A_223, %dma_wait3A_227] : memref<10000x128xf32, #tpu.memory_space<vmem_shared>> -> memref<80x128xf32, #tpu.memory_space<vmem_shared>>
      tpu.wait_dma2 semaphore(%arg20 : memref<!tpu.dma_semaphore, #tpu.memory_space<semaphore_mem>>) src(%dma_wait3A_228 : memref<80x128xf32, #tpu.memory_space<vmem_shared>>) dst(%dma_wait3A_226 : memref<80x128xf32, #tpu.memory_space<hbm>>)
      %while3A_229 = arith.constant 0 : i32
      scf.yield %while3A_229 : i32
    }
    %while3A_206 = arith.constant 1 : i32
    %while3A_207 = scf.for %while3A_220 = %while3A_203 to %while3A_199 step %while3A_206 iter_args(%while3A_221 = %while3A_205) -> (i32)  : i32 {
      %add3A_222 = arith.constant 0 : i32
      %add3A_223 = arith.addi %mul3A_28, %add3A_222 : i32
      %dma_wait3A_224 = arith.constant 0 : i32
      %dma_wait3A_225 = tpu.memref_slice %arg5[%arg0, %add3A_223, %dma_wait3A_224] : memref<2x10000x128xf32, #tpu.memory_space<hbm>> -> memref<1x80x128xf32, #tpu.memory_space<hbm>>
      %dma_wait3A_226 = tpu.memref_squeeze %dma_wait3A_225 : memref<1x80x128xf32, #tpu.memory_space<hbm>> -> memref<80x128xf32, #tpu.memory_space<hbm>>
      %dma_wait3A_227 = arith.constant 0 : i32
      %dma_wait3A_228 = tpu.memref_slice %arg7[%add3A_223, %dma_wait3A_227] : memref<10000x128xf32, #tpu.memory_space<vmem_shared>> -> memref<80x128xf32, #tpu.memory_space<vmem_shared>>
      tpu.wait_dma2 semaphore(%arg20 : memref<!tpu.dma_semaphore, #tpu.memory_space<semaphore_mem>>) src(%dma_wait3A_228 : memref<80x128xf32, #tpu.memory_space<vmem_shared>>) dst(%dma_wait3A_226 : memref<80x128xf32, #tpu.memory_space<hbm>>)
      %while3A_229 = arith.constant 0 : i32
      scf.yield %while3A_229 : i32
    }
    %while3A_208 = arith.constant 0 : i32
    %while3A_209 = arith.constant 0 : i32
    %while3A_210 = arith.subi %select_n3A_50, %while3A_208 : i32
    %while3A_211 = arith.addi %while3A_208, %while3A_210 : i32
    %while3A_212 = arith.constant 1 : i32
    %while3A_213 = arith.divsi %while3A_210, %while3A_212 : i32
    %while3A_214 = arith.muli %while3A_213, %while3A_212 : i32
    %while3A_215 = arith.addi %while3A_208, %while3A_214 : i32
    %while3A_216 = arith.constant 1 : i32
    %while3A_217 = scf.for %while3A_220 = %while3A_208 to %while3A_215 step %while3A_216 iter_args(%while3A_221 = %while3A_209) -> (i32)  : i32 {
      %mul3A_222 = arith.constant 80 : i32
      %mul3A_223 = arith.muli %while3A_220, %mul3A_222 : i32
      %add3A_224 = arith.addi %mul3A_28, %mul3A_223 : i32
      "tpu.region"() ({
        %run_scoped3A = tpu.sem_alloc : memref<!tpu.dma_semaphore, #tpu.memory_space<semaphore_mem>>
        %dma_start3A_229 = tpu.memref_slice %arg23[%add3A_224] : memref<10000xf32, #tpu.memory_space<vmem_shared>> -> memref<80xf32, #tpu.memory_space<vmem_shared>>
        %dma_start3A_230 = tpu.memref_slice %arg23[%add3A_224] : memref<10000xf32, #tpu.memory_space<vmem_shared>> -> memref<80xf32, #tpu.memory_space<vmem_shared>>
        tpu.enqueue_dma source(%dma_start3A_230 : memref<80xf32, #tpu.memory_space<vmem_shared>>) target(%arg25 : memref<80xf32, #tpu.memory_space<vmem>>) target_semaphore(%run_scoped3A : memref<!tpu.dma_semaphore, #tpu.memory_space<semaphore_mem>>)
        %dma_wait3A_231 = tpu.memref_slice %arg23[%add3A_224] : memref<10000xf32, #tpu.memory_space<vmem_shared>> -> memref<80xf32, #tpu.memory_space<vmem_shared>>
        %dma_wait3A_232 = tpu.memref_slice %arg23[%add3A_224] : memref<10000xf32, #tpu.memory_space<vmem_shared>> -> memref<80xf32, #tpu.memory_space<vmem_shared>>
        tpu.wait_dma2 semaphore(%run_scoped3A : memref<!tpu.dma_semaphore, #tpu.memory_space<semaphore_mem>>) src(%dma_wait3A_232 : memref<80xf32, #tpu.memory_space<vmem_shared>>) dst(%arg25 : memref<80xf32, #tpu.memory_space<vmem>>)
        tpu.yield
      }) : () -> ()
      %mul3A_225 = arith.constant 10000 : i32
      %mul3A_226 = arith.muli %arg0, %mul3A_225 : i32
      %add3A_227 = arith.addi %mul3A_226, %add3A_224 : i32
      "tpu.region"() ({
        %run_scoped3A = tpu.sem_alloc : memref<!tpu.dma_semaphore, #tpu.memory_space<semaphore_mem>>
        %dma_start3A_229 = tpu.memref_slice %arg6[%add3A_227] : memref<20000xf32, #tpu.memory_space<hbm>> -> memref<80xf32, #tpu.memory_space<hbm>>
        %dma_start3A_230 = tpu.memref_slice %arg6[%add3A_227] : memref<20000xf32, #tpu.memory_space<hbm>> -> memref<80xf32, #tpu.memory_space<hbm>>
        tpu.enqueue_dma source(%arg25 : memref<80xf32, #tpu.memory_space<vmem>>) target(%dma_start3A_230 : memref<80xf32, #tpu.memory_space<hbm>>) target_semaphore(%run_scoped3A : memref<!tpu.dma_semaphore, #tpu.memory_space<semaphore_mem>>)
        %dma_wait3A_231 = tpu.memref_slice %arg6[%add3A_227] : memref<20000xf32, #tpu.memory_space<hbm>> -> memref<80xf32, #tpu.memory_space<hbm>>
        %dma_wait3A_232 = tpu.memref_slice %arg6[%add3A_227] : memref<20000xf32, #tpu.memory_space<hbm>> -> memref<80xf32, #tpu.memory_space<hbm>>
        tpu.wait_dma2 semaphore(%run_scoped3A : memref<!tpu.dma_semaphore, #tpu.memory_space<semaphore_mem>>) src(%arg25 : memref<80xf32, #tpu.memory_space<vmem>>) dst(%dma_wait3A_232 : memref<80xf32, #tpu.memory_space<hbm>>)
        tpu.yield
      }) : () -> ()
      %while3A_228 = arith.constant 0 : i32
      scf.yield %while3A_228 : i32
    }
    %while3A_218 = arith.constant 1 : i32
    %while3A_219 = scf.for %while3A_220 = %while3A_215 to %while3A_211 step %while3A_218 iter_args(%while3A_221 = %while3A_217) -> (i32)  : i32 {
      %mul3A_222 = arith.constant 80 : i32
      %mul3A_223 = arith.muli %while3A_220, %mul3A_222 : i32
      %add3A_224 = arith.addi %mul3A_28, %mul3A_223 : i32
      "tpu.region"() ({
        %run_scoped3A = tpu.sem_alloc : memref<!tpu.dma_semaphore, #tpu.memory_space<semaphore_mem>>
        %dma_start3A_229 = tpu.memref_slice %arg23[%add3A_224] : memref<10000xf32, #tpu.memory_space<vmem_shared>> -> memref<80xf32, #tpu.memory_space<vmem_shared>>
        %dma_start3A_230 = tpu.memref_slice %arg23[%add3A_224] : memref<10000xf32, #tpu.memory_space<vmem_shared>> -> memref<80xf32, #tpu.memory_space<vmem_shared>>
        tpu.enqueue_dma source(%dma_start3A_230 : memref<80xf32, #tpu.memory_space<vmem_shared>>) target(%arg25 : memref<80xf32, #tpu.memory_space<vmem>>) target_semaphore(%run_scoped3A : memref<!tpu.dma_semaphore, #tpu.memory_space<semaphore_mem>>)
        %dma_wait3A_231 = tpu.memref_slice %arg23[%add3A_224] : memref<10000xf32, #tpu.memory_space<vmem_shared>> -> memref<80xf32, #tpu.memory_space<vmem_shared>>
        %dma_wait3A_232 = tpu.memref_slice %arg23[%add3A_224] : memref<10000xf32, #tpu.memory_space<vmem_shared>> -> memref<80xf32, #tpu.memory_space<vmem_shared>>
        tpu.wait_dma2 semaphore(%run_scoped3A : memref<!tpu.dma_semaphore, #tpu.memory_space<semaphore_mem>>) src(%dma_wait3A_232 : memref<80xf32, #tpu.memory_space<vmem_shared>>) dst(%arg25 : memref<80xf32, #tpu.memory_space<vmem>>)
        tpu.yield
      }) : () -> ()
      %mul3A_225 = arith.constant 10000 : i32
      %mul3A_226 = arith.muli %arg0, %mul3A_225 : i32
      %add3A_227 = arith.addi %mul3A_226, %add3A_224 : i32
      "tpu.region"() ({
        %run_scoped3A = tpu.sem_alloc : memref<!tpu.dma_semaphore, #tpu.memory_space<semaphore_mem>>
        %dma_start3A_229 = tpu.memref_slice %arg6[%add3A_227] : memref<20000xf32, #tpu.memory_space<hbm>> -> memref<80xf32, #tpu.memory_space<hbm>>
        %dma_start3A_230 = tpu.memref_slice %arg6[%add3A_227] : memref<20000xf32, #tpu.memory_space<hbm>> -> memref<80xf32, #tpu.memory_space<hbm>>
        tpu.enqueue_dma source(%arg25 : memref<80xf32, #tpu.memory_space<vmem>>) target(%dma_start3A_230 : memref<80xf32, #tpu.memory_space<hbm>>) target_semaphore(%run_scoped3A : memref<!tpu.dma_semaphore, #tpu.memory_space<semaphore_mem>>)
        %dma_wait3A_231 = tpu.memref_slice %arg6[%add3A_227] : memref<20000xf32, #tpu.memory_space<hbm>> -> memref<80xf32, #tpu.memory_space<hbm>>
        %dma_wait3A_232 = tpu.memref_slice %arg6[%add3A_227] : memref<20000xf32, #tpu.memory_space<hbm>> -> memref<80xf32, #tpu.memory_space<hbm>>
        tpu.wait_dma2 semaphore(%run_scoped3A : memref<!tpu.dma_semaphore, #tpu.memory_space<semaphore_mem>>) src(%arg25 : memref<80xf32, #tpu.memory_space<vmem>>) dst(%dma_wait3A_232 : memref<80xf32, #tpu.memory_space<hbm>>)
        tpu.yield
      }) : () -> ()
      %while3A_228 = arith.constant 0 : i32
      scf.yield %while3A_228 : i32
    }
    return
  }
}

#map = affine_map<(d0, d1) -> (0, 0)>
#map1 = affine_map<(d0, d1) -> (0)>
#map2 = affine_map<(d0, d1) -> (0, 0, 0)>
module attributes {stable_mosaic.version = 14 : i64} {
  func.func @sc_agg(%arg0: i32, %arg1: i32, %arg2: memref<10000x64xf32, #tpu.memory_space<hbm>>, %arg3: memref<320000xi32, #tpu.memory_space<hbm>>, %arg4: memref<320000xi32, #tpu.memory_space<hbm>>, %arg5: memref<2x10000x64xf32, #tpu.memory_space<hbm>>, %arg6: memref<10000x64xf32, #tpu.memory_space<vmem_shared>>, %arg7: memref<128x64xf32, #tpu.memory_space<vmem>>, %arg8: memref<128x64xf32, #tpu.memory_space<vmem>>, %arg9: memref<128x64xf32, #tpu.memory_space<vmem>>, %arg10: memref<128x64xf32, #tpu.memory_space<vmem>>, %arg11: memref<128x64xf32, #tpu.memory_space<vmem>>, %arg12: memref<128x64xf32, #tpu.memory_space<vmem>>, %arg13: memref<128xi32, #tpu.memory_space<vmem>>, %arg14: memref<128xi32, #tpu.memory_space<vmem>>, %arg15: memref<128xi32, #tpu.memory_space<vmem>>, %arg16: memref<128xi32, #tpu.memory_space<vmem>>, %arg17: memref<128xi32, #tpu.memory_space<vmem>>, %arg18: memref<128xi32, #tpu.memory_space<vmem>>, %arg19: memref<128xi32, #tpu.memory_space<vmem>>, %arg20: memref<128xi32, #tpu.memory_space<vmem>>, %arg21: memref<128xi32, #tpu.memory_space<vmem>>, %arg22: memref<128xi32, #tpu.memory_space<vmem>>, %arg23: memref<128xi32, #tpu.memory_space<vmem>>, %arg24: memref<128xi32, #tpu.memory_space<vmem>>, %arg25: memref<128xi32, #tpu.memory_space<vmem>>, %arg26: memref<128xi32, #tpu.memory_space<vmem>>, %arg27: memref<128xi32, #tpu.memory_space<vmem>>, %arg28: memref<128xi32, #tpu.memory_space<vmem>>, %arg29: memref<128xi32, #tpu.memory_space<vmem>>, %arg30: memref<128xi32, #tpu.memory_space<vmem>>, %arg31: memref<!tpu.dma_semaphore, #tpu.memory_space<semaphore_mem>>, %arg32: memref<!tpu.dma_semaphore, #tpu.memory_space<semaphore_mem>>, %arg33: memref<!tpu.dma_semaphore, #tpu.memory_space<semaphore_mem>>, %arg34: memref<!tpu.dma_semaphore, #tpu.memory_space<semaphore_mem>>, %arg35: memref<!tpu.dma_semaphore, #tpu.memory_space<semaphore_mem>>, %arg36: memref<!tpu.dma_semaphore, #tpu.memory_space<semaphore_mem>>, %arg37: memref<!tpu.dma_semaphore, #tpu.memory_space<semaphore_mem>>, %arg38: memref<!tpu.dma_semaphore, #tpu.memory_space<semaphore_mem>>, %arg39: memref<!tpu.dma_semaphore, #tpu.memory_space<semaphore_mem>>, %arg40: memref<!tpu.dma_semaphore, #tpu.memory_space<semaphore_mem>>, %arg41: memref<!tpu.dma_semaphore, #tpu.memory_space<semaphore_mem>>, %arg42: memref<!tpu.dma_semaphore, #tpu.memory_space<semaphore_mem>>, %arg43: memref<!tpu.dma_semaphore, #tpu.memory_space<semaphore_mem>>, %arg44: memref<!tpu.dma_semaphore, #tpu.memory_space<semaphore_mem>>, %arg45: memref<!tpu.dma_semaphore, #tpu.memory_space<semaphore_mem>>, %arg46: memref<!tpu.dma_semaphore, #tpu.memory_space<semaphore_mem>>, %arg47: memref<!tpu.dma_semaphore, #tpu.memory_space<semaphore_mem>>, %arg48: memref<!tpu.dma_semaphore, #tpu.memory_space<semaphore_mem>>, %arg49: memref<80x64xf32, #tpu.memory_space<vmem>>) attributes {dimension_semantics = [#tpu.dimension_semantics<core_parallel>, #tpu.dimension_semantics<subcore_parallel>], iteration_bounds = array<i64: 2, 16>, scalar_prefetch = 0 : i64, scratch_operands = 44 : i64, tpu.core_type = #tpu.core_type<sc_vector_subcore>, window_params = [{transform_indices = #map}, {transform_indices = #map1}, {transform_indices = #map1}, {transform_indices = #map2}]} {
    %mul3A = arith.constant 16 : i32
    %mul3A_0 = arith.muli %arg0, %mul3A : i32
    %add3A = arith.addi %mul3A_0, %arg1 : i32
    %lt3A = arith.constant 4 : i32
    %lt3A_1 = arith.cmpi slt, %add3A, %lt3A : i32
    %jit3A = arith.constant 1 : i32
    %jit3A_2 = arith.constant 0 : i32
    %select_n3A = arith.select %lt3A_1, %jit3A, %jit3A_2 : i32
    %add3A_3 = arith.constant 78 : i32
    %add3A_4 = arith.addi %add3A_3, %select_n3A : i32
    %add3A_5 = arith.constant 0 : i32
    %add3A_6 = arith.addi %add3A, %add3A_5 : i32
    %mul3A_7 = arith.constant 128 : i32
    %mul3A_8 = arith.muli %add3A_6, %mul3A_7 : i32
    %dma_start3A = tpu.memref_slice %arg3[%mul3A_8] : memref<320000xi32, #tpu.memory_space<hbm>> -> memref<128xi32, #tpu.memory_space<hbm>>
    %dma_start3A_9 = tpu.memref_slice %arg3[%mul3A_8] : memref<320000xi32, #tpu.memory_space<hbm>> -> memref<128xi32, #tpu.memory_space<hbm>>
    tpu.enqueue_dma source(%dma_start3A_9 : memref<128xi32, #tpu.memory_space<hbm>>) target(%arg13 : memref<128xi32, #tpu.memory_space<vmem>>) target_semaphore(%arg31 : memref<!tpu.dma_semaphore, #tpu.memory_space<semaphore_mem>>)
    %dma_start3A_10 = tpu.memref_slice %arg4[%mul3A_8] : memref<320000xi32, #tpu.memory_space<hbm>> -> memref<128xi32, #tpu.memory_space<hbm>>
    %dma_start3A_11 = tpu.memref_slice %arg4[%mul3A_8] : memref<320000xi32, #tpu.memory_space<hbm>> -> memref<128xi32, #tpu.memory_space<hbm>>
    tpu.enqueue_dma source(%dma_start3A_11 : memref<128xi32, #tpu.memory_space<hbm>>) target(%arg19 : memref<128xi32, #tpu.memory_space<vmem>>) target_semaphore(%arg31 : memref<!tpu.dma_semaphore, #tpu.memory_space<semaphore_mem>>)
    %add3A_12 = arith.constant 32 : i32
    %add3A_13 = arith.addi %add3A, %add3A_12 : i32
    %mul3A_14 = arith.constant 128 : i32
    %mul3A_15 = arith.muli %add3A_13, %mul3A_14 : i32
    %dma_start3A_16 = tpu.memref_slice %arg3[%mul3A_15] : memref<320000xi32, #tpu.memory_space<hbm>> -> memref<128xi32, #tpu.memory_space<hbm>>
    %dma_start3A_17 = tpu.memref_slice %arg3[%mul3A_15] : memref<320000xi32, #tpu.memory_space<hbm>> -> memref<128xi32, #tpu.memory_space<hbm>>
    tpu.enqueue_dma source(%dma_start3A_17 : memref<128xi32, #tpu.memory_space<hbm>>) target(%arg14 : memref<128xi32, #tpu.memory_space<vmem>>) target_semaphore(%arg32 : memref<!tpu.dma_semaphore, #tpu.memory_space<semaphore_mem>>)
    %dma_start3A_18 = tpu.memref_slice %arg4[%mul3A_15] : memref<320000xi32, #tpu.memory_space<hbm>> -> memref<128xi32, #tpu.memory_space<hbm>>
    %dma_start3A_19 = tpu.memref_slice %arg4[%mul3A_15] : memref<320000xi32, #tpu.memory_space<hbm>> -> memref<128xi32, #tpu.memory_space<hbm>>
    tpu.enqueue_dma source(%dma_start3A_19 : memref<128xi32, #tpu.memory_space<hbm>>) target(%arg20 : memref<128xi32, #tpu.memory_space<vmem>>) target_semaphore(%arg32 : memref<!tpu.dma_semaphore, #tpu.memory_space<semaphore_mem>>)
    %add3A_20 = arith.constant 64 : i32
    %add3A_21 = arith.addi %add3A, %add3A_20 : i32
    %mul3A_22 = arith.constant 128 : i32
    %mul3A_23 = arith.muli %add3A_21, %mul3A_22 : i32
    %dma_start3A_24 = tpu.memref_slice %arg3[%mul3A_23] : memref<320000xi32, #tpu.memory_space<hbm>> -> memref<128xi32, #tpu.memory_space<hbm>>
    %dma_start3A_25 = tpu.memref_slice %arg3[%mul3A_23] : memref<320000xi32, #tpu.memory_space<hbm>> -> memref<128xi32, #tpu.memory_space<hbm>>
    tpu.enqueue_dma source(%dma_start3A_25 : memref<128xi32, #tpu.memory_space<hbm>>) target(%arg15 : memref<128xi32, #tpu.memory_space<vmem>>) target_semaphore(%arg33 : memref<!tpu.dma_semaphore, #tpu.memory_space<semaphore_mem>>)
    %dma_start3A_26 = tpu.memref_slice %arg4[%mul3A_23] : memref<320000xi32, #tpu.memory_space<hbm>> -> memref<128xi32, #tpu.memory_space<hbm>>
    %dma_start3A_27 = tpu.memref_slice %arg4[%mul3A_23] : memref<320000xi32, #tpu.memory_space<hbm>> -> memref<128xi32, #tpu.memory_space<hbm>>
    tpu.enqueue_dma source(%dma_start3A_27 : memref<128xi32, #tpu.memory_space<hbm>>) target(%arg21 : memref<128xi32, #tpu.memory_space<vmem>>) target_semaphore(%arg33 : memref<!tpu.dma_semaphore, #tpu.memory_space<semaphore_mem>>)
    %add3A_28 = arith.constant 96 : i32
    %add3A_29 = arith.addi %add3A, %add3A_28 : i32
    %mul3A_30 = arith.constant 128 : i32
    %mul3A_31 = arith.muli %add3A_29, %mul3A_30 : i32
    %dma_start3A_32 = tpu.memref_slice %arg3[%mul3A_31] : memref<320000xi32, #tpu.memory_space<hbm>> -> memref<128xi32, #tpu.memory_space<hbm>>
    %dma_start3A_33 = tpu.memref_slice %arg3[%mul3A_31] : memref<320000xi32, #tpu.memory_space<hbm>> -> memref<128xi32, #tpu.memory_space<hbm>>
    tpu.enqueue_dma source(%dma_start3A_33 : memref<128xi32, #tpu.memory_space<hbm>>) target(%arg16 : memref<128xi32, #tpu.memory_space<vmem>>) target_semaphore(%arg34 : memref<!tpu.dma_semaphore, #tpu.memory_space<semaphore_mem>>)
    %dma_start3A_34 = tpu.memref_slice %arg4[%mul3A_31] : memref<320000xi32, #tpu.memory_space<hbm>> -> memref<128xi32, #tpu.memory_space<hbm>>
    %dma_start3A_35 = tpu.memref_slice %arg4[%mul3A_31] : memref<320000xi32, #tpu.memory_space<hbm>> -> memref<128xi32, #tpu.memory_space<hbm>>
    tpu.enqueue_dma source(%dma_start3A_35 : memref<128xi32, #tpu.memory_space<hbm>>) target(%arg22 : memref<128xi32, #tpu.memory_space<vmem>>) target_semaphore(%arg34 : memref<!tpu.dma_semaphore, #tpu.memory_space<semaphore_mem>>)
    %add3A_36 = arith.constant 128 : i32
    %add3A_37 = arith.addi %add3A, %add3A_36 : i32
    %mul3A_38 = arith.constant 128 : i32
    %mul3A_39 = arith.muli %add3A_37, %mul3A_38 : i32
    %dma_start3A_40 = tpu.memref_slice %arg3[%mul3A_39] : memref<320000xi32, #tpu.memory_space<hbm>> -> memref<128xi32, #tpu.memory_space<hbm>>
    %dma_start3A_41 = tpu.memref_slice %arg3[%mul3A_39] : memref<320000xi32, #tpu.memory_space<hbm>> -> memref<128xi32, #tpu.memory_space<hbm>>
    tpu.enqueue_dma source(%dma_start3A_41 : memref<128xi32, #tpu.memory_space<hbm>>) target(%arg17 : memref<128xi32, #tpu.memory_space<vmem>>) target_semaphore(%arg35 : memref<!tpu.dma_semaphore, #tpu.memory_space<semaphore_mem>>)
    %dma_start3A_42 = tpu.memref_slice %arg4[%mul3A_39] : memref<320000xi32, #tpu.memory_space<hbm>> -> memref<128xi32, #tpu.memory_space<hbm>>
    %dma_start3A_43 = tpu.memref_slice %arg4[%mul3A_39] : memref<320000xi32, #tpu.memory_space<hbm>> -> memref<128xi32, #tpu.memory_space<hbm>>
    tpu.enqueue_dma source(%dma_start3A_43 : memref<128xi32, #tpu.memory_space<hbm>>) target(%arg23 : memref<128xi32, #tpu.memory_space<vmem>>) target_semaphore(%arg35 : memref<!tpu.dma_semaphore, #tpu.memory_space<semaphore_mem>>)
    %add3A_44 = arith.constant 160 : i32
    %add3A_45 = arith.addi %add3A, %add3A_44 : i32
    %mul3A_46 = arith.constant 128 : i32
    %mul3A_47 = arith.muli %add3A_45, %mul3A_46 : i32
    %dma_start3A_48 = tpu.memref_slice %arg3[%mul3A_47] : memref<320000xi32, #tpu.memory_space<hbm>> -> memref<128xi32, #tpu.memory_space<hbm>>
    %dma_start3A_49 = tpu.memref_slice %arg3[%mul3A_47] : memref<320000xi32, #tpu.memory_space<hbm>> -> memref<128xi32, #tpu.memory_space<hbm>>
    tpu.enqueue_dma source(%dma_start3A_49 : memref<128xi32, #tpu.memory_space<hbm>>) target(%arg18 : memref<128xi32, #tpu.memory_space<vmem>>) target_semaphore(%arg36 : memref<!tpu.dma_semaphore, #tpu.memory_space<semaphore_mem>>)
    %dma_start3A_50 = tpu.memref_slice %arg4[%mul3A_47] : memref<320000xi32, #tpu.memory_space<hbm>> -> memref<128xi32, #tpu.memory_space<hbm>>
    %dma_start3A_51 = tpu.memref_slice %arg4[%mul3A_47] : memref<320000xi32, #tpu.memory_space<hbm>> -> memref<128xi32, #tpu.memory_space<hbm>>
    tpu.enqueue_dma source(%dma_start3A_51 : memref<128xi32, #tpu.memory_space<hbm>>) target(%arg24 : memref<128xi32, #tpu.memory_space<vmem>>) target_semaphore(%arg36 : memref<!tpu.dma_semaphore, #tpu.memory_space<semaphore_mem>>)
    %broadcast_in_dim3A = arith.constant 0.000000e+00 : f32
    %broadcast_in_dim3A_52 = vector.broadcast %broadcast_in_dim3A : f32 to vector<16xf32>
    %scan3A = arith.constant 0 : i32
    %scan3A_53 = arith.constant 0 : i32
    %scan3A_54 = arith.constant 320 : i32
    %scan3A_55 = arith.addi %scan3A_53, %scan3A_54 : i32
    %scan3A_56 = arith.constant 1 : i32
    %scan3A_57 = scf.for %scan3A_169 = %scan3A_53 to %scan3A_55 step %scan3A_56 iter_args(%scan3A_170 = %scan3A) -> (i32)  : i32 {
      %jit3A_171 = arith.constant 4 : i32
      %div3A_172 = arith.divsi %scan3A_169, %jit3A_171 : i32
      %sign3A_173 = arith.constant 0 : i32
      %sign3A_174 = arith.cmpi sgt, %scan3A_169, %sign3A_173 : i32
      %sign3A_175 = arith.extui %sign3A_174 : i1 to i32
      %sign3A_176 = arith.constant 0 : i32
      %sign3A_177 = arith.cmpi slt, %scan3A_169, %sign3A_176 : i32
      %sign3A_178 = arith.extui %sign3A_177 : i1 to i32
      %sign3A_179 = arith.subi %sign3A_175, %sign3A_178 : i32
      %sign3A_180 = arith.constant 0 : i32
      %sign3A_181 = arith.cmpi sgt, %jit3A_171, %sign3A_180 : i32
      %sign3A_182 = arith.extui %sign3A_181 : i1 to i32
      %sign3A_183 = arith.constant 0 : i32
      %sign3A_184 = arith.cmpi slt, %jit3A_171, %sign3A_183 : i32
      %sign3A_185 = arith.extui %sign3A_184 : i1 to i32
      %sign3A_186 = arith.subi %sign3A_182, %sign3A_185 : i32
      %ne3A_187 = arith.cmpi ne, %sign3A_179, %sign3A_186 : i32
      %rem3A_188 = arith.remsi %scan3A_169, %jit3A_171 : i32
      %ne3A_189 = arith.constant 0 : i32
      %ne3A_190 = arith.cmpi ne, %rem3A_188, %ne3A_189 : i32
      %and3A_191 = arith.andi %ne3A_187, %ne3A_190 : i1
      %sub3A_192 = arith.constant 1 : i32
      %sub3A_193 = arith.subi %div3A_172, %sub3A_192 : i32
      %select_n3A_194 = arith.select %and3A_191, %sub3A_193, %div3A_172 : i32
      %jit3A_195 = arith.constant 4 : i32
      %eq3A = arith.constant 0 : i32
      %eq3A_196 = arith.cmpi eq, %jit3A_195, %eq3A : i32
      %jit3A_197 = arith.constant 1 : i32
      %select_n3A_198 = arith.select %eq3A_196, %jit3A_197, %jit3A_195 : i32
      %rem3A_199 = arith.remsi %scan3A_169, %select_n3A_198 : i32
      %ne3A_200 = arith.constant 0 : i32
      %ne3A_201 = arith.cmpi ne, %rem3A_199, %ne3A_200 : i32
      %lt3A_202 = arith.constant 0 : i32
      %lt3A_203 = arith.cmpi slt, %rem3A_199, %lt3A_202 : i32
      %lt3A_204 = arith.constant 0 : i32
      %lt3A_205 = arith.cmpi slt, %select_n3A_198, %lt3A_204 : i32
      %ne3A_206 = arith.xori %lt3A_203, %lt3A_205 : i1
      %and3A_207 = arith.andi %ne3A_206, %ne3A_201 : i1
      %add3A_208 = arith.addi %rem3A_199, %select_n3A_198 : i32
      %select_n3A_209 = arith.select %and3A_207, %add3A_208, %rem3A_199 : i32
      %mul3A_210 = arith.constant 16 : i32
      %mul3A_211 = arith.muli %select_n3A_209, %mul3A_210 : i32
      %swap3A = arith.index_cast %select_n3A_194 : i32 to index
      %swap3A_212 = arith.index_cast %mul3A_211 : i32 to index
      %swap3A_213 = tpu.vector_load %arg49[%swap3A, %swap3A_212] {strides = array<i32>} : memref<80x64xf32, #tpu.memory_space<vmem>>, vector<1x16xf32>,
      %swap3A_214 = vector.shape_cast %swap3A_213 : vector<1x16xf32> to vector<16xf32>
      %swap3A_215 = vector.shape_cast %broadcast_in_dim3A_52 : vector<16xf32> to vector<1x16xf32>
      tpu.vector_store %arg49[%swap3A, %swap3A_212], %swap3A_215 {strides = array<i32>} : memref<80x64xf32, #tpu.memory_space<vmem>>, vector<1x16xf32>,
      %scan3A_216 = arith.constant 0 : i32
      scf.yield %scan3A_216 : i32
    }
    %scan3A_58 = arith.constant 320 : i32
    %mul3A_59 = arith.constant 640 : i32
    %mul3A_60 = arith.muli %arg1, %mul3A_59 : i32
    %sub3A = arith.constant 10000 : i32
    %sub3A_61 = arith.subi %sub3A, %mul3A_60 : i32
    %jit3A_62 = arith.constant 0 : i32
    %jit3A_63 = arith.constant 640 : i32
    %max3A = arith.maxsi %jit3A_62, %sub3A_61 : i32
    %min3A = arith.minsi %jit3A_63, %max3A : i32
    %jit3A_64 = arith.constant 80 : i32
    %div3A = arith.divsi %min3A, %jit3A_64 : i32
    %sign3A = arith.constant 0 : i32
    %sign3A_65 = arith.cmpi sgt, %min3A, %sign3A : i32
    %sign3A_66 = arith.extui %sign3A_65 : i1 to i32
    %sign3A_67 = arith.constant 0 : i32
    %sign3A_68 = arith.cmpi slt, %min3A, %sign3A_67 : i32
    %sign3A_69 = arith.extui %sign3A_68 : i1 to i32
    %sign3A_70 = arith.subi %sign3A_66, %sign3A_69 : i32
    %sign3A_71 = arith.constant 0 : i32
    %sign3A_72 = arith.cmpi sgt, %jit3A_64, %sign3A_71 : i32
    %sign3A_73 = arith.extui %sign3A_72 : i1 to i32
    %sign3A_74 = arith.constant 0 : i32
    %sign3A_75 = arith.cmpi slt, %jit3A_64, %sign3A_74 : i32
    %sign3A_76 = arith.extui %sign3A_75 : i1 to i32
    %sign3A_77 = arith.subi %sign3A_73, %sign3A_76 : i32
    %ne3A = arith.cmpi ne, %sign3A_70, %sign3A_77 : i32
    %rem3A = arith.remsi %min3A, %jit3A_64 : i32
    %ne3A_78 = arith.constant 0 : i32
    %ne3A_79 = arith.cmpi ne, %rem3A, %ne3A_78 : i32
    %and3A = arith.andi %ne3A, %ne3A_79 : i1
    %sub3A_80 = arith.constant 1 : i32
    %sub3A_81 = arith.subi %div3A, %sub3A_80 : i32
    %select_n3A_82 = arith.select %and3A, %sub3A_81, %div3A : i32
    %while3A = arith.constant 0 : i32
    %while3A_83 = arith.constant 0 : i32
    %while3A_84 = arith.subi %select_n3A_82, %while3A : i32
    %while3A_85 = arith.addi %while3A, %while3A_84 : i32
    %while3A_86 = arith.constant 1 : i32
    %while3A_87 = arith.divsi %while3A_84, %while3A_86 : i32
    %while3A_88 = arith.muli %while3A_87, %while3A_86 : i32
    %while3A_89 = arith.addi %while3A, %while3A_88 : i32
    %while3A_90 = arith.constant 1 : i32
    %while3A_91 = scf.for %while3A_169 = %while3A to %while3A_89 step %while3A_90 iter_args(%while3A_170 = %while3A_83) -> (i32)  : i32 {
      %mul3A_171 = arith.constant 80 : i32
      %mul3A_172 = arith.muli %while3A_169, %mul3A_171 : i32
      %add3A_173 = arith.addi %mul3A_60, %mul3A_172 : i32
      %dma_start3A_174 = arith.constant 0 : i32
      %dma_start3A_175 = tpu.memref_slice %arg6[%add3A_173, %dma_start3A_174] : memref<10000x64xf32, #tpu.memory_space<vmem_shared>> -> memref<80x64xf32, #tpu.memory_space<vmem_shared>>
      %dma_start3A_176 = arith.constant 0 : i32
      %dma_start3A_177 = tpu.memref_slice %arg6[%add3A_173, %dma_start3A_176] : memref<10000x64xf32, #tpu.memory_space<vmem_shared>> -> memref<80x64xf32, #tpu.memory_space<vmem_shared>>
      tpu.enqueue_dma source(%arg49 : memref<80x64xf32, #tpu.memory_space<vmem>>) target(%dma_start3A_177 : memref<80x64xf32, #tpu.memory_space<vmem_shared>>) target_semaphore(%arg43 : memref<!tpu.dma_semaphore, #tpu.memory_space<semaphore_mem>>)
      %while3A_178 = arith.constant 0 : i32
      scf.yield %while3A_178 : i32
    }
    %while3A_92 = arith.constant 1 : i32
    %while3A_93 = scf.for %while3A_169 = %while3A_89 to %while3A_85 step %while3A_92 iter_args(%while3A_170 = %while3A_91) -> (i32)  : i32 {
      %mul3A_171 = arith.constant 80 : i32
      %mul3A_172 = arith.muli %while3A_169, %mul3A_171 : i32
      %add3A_173 = arith.addi %mul3A_60, %mul3A_172 : i32
      %dma_start3A_174 = arith.constant 0 : i32
      %dma_start3A_175 = tpu.memref_slice %arg6[%add3A_173, %dma_start3A_174] : memref<10000x64xf32, #tpu.memory_space<vmem_shared>> -> memref<80x64xf32, #tpu.memory_space<vmem_shared>>
      %dma_start3A_176 = arith.constant 0 : i32
      %dma_start3A_177 = tpu.memref_slice %arg6[%add3A_173, %dma_start3A_176] : memref<10000x64xf32, #tpu.memory_space<vmem_shared>> -> memref<80x64xf32, #tpu.memory_space<vmem_shared>>
      tpu.enqueue_dma source(%arg49 : memref<80x64xf32, #tpu.memory_space<vmem>>) target(%dma_start3A_177 : memref<80x64xf32, #tpu.memory_space<vmem_shared>>) target_semaphore(%arg43 : memref<!tpu.dma_semaphore, #tpu.memory_space<semaphore_mem>>)
      %while3A_178 = arith.constant 0 : i32
      scf.yield %while3A_178 : i32
    }
    %add3A_94 = arith.constant 0 : i32
    %add3A_95 = arith.addi %add3A, %add3A_94 : i32
    %mul3A_96 = arith.constant 128 : i32
    %mul3A_97 = arith.muli %add3A_95, %mul3A_96 : i32
    %dma_wait3A = tpu.memref_slice %arg3[%mul3A_97] : memref<320000xi32, #tpu.memory_space<hbm>> -> memref<128xi32, #tpu.memory_space<hbm>>
    %dma_wait3A_98 = tpu.memref_slice %arg3[%mul3A_97] : memref<320000xi32, #tpu.memory_space<hbm>> -> memref<128xi32, #tpu.memory_space<hbm>>
    tpu.wait_dma2 semaphore(%arg31 : memref<!tpu.dma_semaphore, #tpu.memory_space<semaphore_mem>>) src(%dma_wait3A_98 : memref<128xi32, #tpu.memory_space<hbm>>) dst(%arg13 : memref<128xi32, #tpu.memory_space<vmem>>)
    %dma_wait3A_99 = tpu.memref_slice %arg4[%mul3A_97] : memref<320000xi32, #tpu.memory_space<hbm>> -> memref<128xi32, #tpu.memory_space<hbm>>
    %dma_wait3A_100 = tpu.memref_slice %arg4[%mul3A_97] : memref<320000xi32, #tpu.memory_space<hbm>> -> memref<128xi32, #tpu.memory_space<hbm>>
    tpu.wait_dma2 semaphore(%arg31 : memref<!tpu.dma_semaphore, #tpu.memory_space<semaphore_mem>>) src(%dma_wait3A_100 : memref<128xi32, #tpu.memory_space<hbm>>) dst(%arg19 : memref<128xi32, #tpu.memory_space<vmem>>)
    %dma_start3A_101 = arith.constant 0 : i32
    %dma_start3A_102 = arith.constant 0 : i32
    %dma_start3A_103 = tpu.memref_slice %arg2[%dma_start3A_101, %dma_start3A_102] : memref<10000x64xf32, #tpu.memory_space<hbm>> -> memref<10000x64xf32, #tpu.memory_space<hbm>>
    tpu.enqueue_indirect_dma source(%dma_start3A_103 : memref<10000x64xf32, #tpu.memory_space<hbm>>) target(%arg7 : memref<128x64xf32, #tpu.memory_space<vmem>>) offsets(%arg13 : memref<128xi32, #tpu.memory_space<vmem>>) semaphore(%arg37 : memref<!tpu.dma_semaphore, #tpu.memory_space<semaphore_mem>>)
    %while3A_104 = arith.constant 0 : i32
    %while3A_105 = arith.constant 0 : i32
    %while3A_106 = arith.subi %select_n3A_82, %while3A_104 : i32
    %while3A_107 = arith.addi %while3A_104, %while3A_106 : i32
    %while3A_108 = arith.constant 1 : i32
    %while3A_109 = arith.divsi %while3A_106, %while3A_108 : i32
    %while3A_110 = arith.muli %while3A_109, %while3A_108 : i32
    %while3A_111 = arith.addi %while3A_104, %while3A_110 : i32
    %while3A_112 = arith.constant 1 : i32
    %while3A_113 = scf.for %while3A_169 = %while3A_104 to %while3A_111 step %while3A_112 iter_args(%while3A_170 = %while3A_105) -> (i32)  : i32 {
      %add3A_171 = arith.constant 0 : i32
      %add3A_172 = arith.addi %mul3A_60, %add3A_171 : i32
      %dma_wait3A_173 = arith.constant 0 : i32
      %dma_wait3A_174 = tpu.memref_slice %arg6[%add3A_172, %dma_wait3A_173] : memref<10000x64xf32, #tpu.memory_space<vmem_shared>> -> memref<80x64xf32, #tpu.memory_space<vmem_shared>>
      %dma_wait3A_175 = arith.constant 0 : i32
      %dma_wait3A_176 = tpu.memref_slice %arg6[%add3A_172, %dma_wait3A_175] : memref<10000x64xf32, #tpu.memory_space<vmem_shared>> -> memref<80x64xf32, #tpu.memory_space<vmem_shared>>
      tpu.wait_dma2 semaphore(%arg43 : memref<!tpu.dma_semaphore, #tpu.memory_space<semaphore_mem>>) src(%arg49 : memref<80x64xf32, #tpu.memory_space<vmem>>) dst(%dma_wait3A_176 : memref<80x64xf32, #tpu.memory_space<vmem_shared>>)
      %while3A_177 = arith.constant 0 : i32
      scf.yield %while3A_177 : i32
    }
    %while3A_114 = arith.constant 1 : i32
    %while3A_115 = scf.for %while3A_169 = %while3A_111 to %while3A_107 step %while3A_114 iter_args(%while3A_170 = %while3A_113) -> (i32)  : i32 {
      %add3A_171 = arith.constant 0 : i32
      %add3A_172 = arith.addi %mul3A_60, %add3A_171 : i32
      %dma_wait3A_173 = arith.constant 0 : i32
      %dma_wait3A_174 = tpu.memref_slice %arg6[%add3A_172, %dma_wait3A_173] : memref<10000x64xf32, #tpu.memory_space<vmem_shared>> -> memref<80x64xf32, #tpu.memory_space<vmem_shared>>
      %dma_wait3A_175 = arith.constant 0 : i32
      %dma_wait3A_176 = tpu.memref_slice %arg6[%add3A_172, %dma_wait3A_175] : memref<10000x64xf32, #tpu.memory_space<vmem_shared>> -> memref<80x64xf32, #tpu.memory_space<vmem_shared>>
      tpu.wait_dma2 semaphore(%arg43 : memref<!tpu.dma_semaphore, #tpu.memory_space<semaphore_mem>>) src(%arg49 : memref<80x64xf32, #tpu.memory_space<vmem>>) dst(%dma_wait3A_176 : memref<80x64xf32, #tpu.memory_space<vmem_shared>>)
      %while3A_177 = arith.constant 0 : i32
      scf.yield %while3A_177 : i32
    }
    %barrier3A = arith.constant 0 : index
    tpu.barrier barrier_id(%barrier3A)
    %scan3A_116 = arith.constant 0 : i32
    %scan3A_117 = arith.constant 0 : i32
    %scan3A_118 = arith.constant 13 : i32
    %scan3A_119 = arith.addi %scan3A_117, %scan3A_118 : i32
    %scan3A_120 = arith.constant 1 : i32
    %scan3A_121 = scf.for %scan3A_169 = %scan3A_117 to %scan3A_119 step %scan3A_120 iter_args(%scan3A_170 = %scan3A_116) -> (i32)  : i32 {
      %mul3A_171 = arith.constant 6 : i32
      %mul3A_172 = arith.muli %scan3A_169, %mul3A_171 : i32
      %add3A_173 = arith.constant 0 : i32
      %add3A_174 = arith.addi %mul3A_172, %add3A_173 : i32
      %add3A_175 = arith.constant 1 : i32
      %add3A_176 = arith.addi %add3A_174, %add3A_175 : i32
      %lt3A_177 = arith.cmpi slt, %add3A_176, %add3A_4 : i32
      %convert_element_type3A_178 = arith.extui %lt3A_177 : i1 to i32
      %cond3A_179 = arith.constant 0 : i32
      %cond3A_180 = arith.cmpi ne, %convert_element_type3A_178, %cond3A_179 : i32
      scf.if %cond3A_180 {
        %add3A_638 = arith.constant 1 : i32
        %add3A_639 = arith.addi %add3A_174, %add3A_638 : i32
        %mul3A_640 = arith.constant 32 : i32
        %mul3A_641 = arith.muli %add3A_639, %mul3A_640 : i32
        %add3A_642 = arith.addi %add3A, %mul3A_641 : i32
        %mul3A_643 = arith.constant 128 : i32
        %mul3A_644 = arith.muli %add3A_642, %mul3A_643 : i32
        %dma_wait3A_645 = tpu.memref_slice %arg3[%mul3A_644] : memref<320000xi32, #tpu.memory_space<hbm>> -> memref<128xi32, #tpu.memory_space<hbm>>
        %dma_wait3A_646 = tpu.memref_slice %arg3[%mul3A_644] : memref<320000xi32, #tpu.memory_space<hbm>> -> memref<128xi32, #tpu.memory_space<hbm>>
        tpu.wait_dma2 semaphore(%arg32 : memref<!tpu.dma_semaphore, #tpu.memory_space<semaphore_mem>>) src(%dma_wait3A_646 : memref<128xi32, #tpu.memory_space<hbm>>) dst(%arg14 : memref<128xi32, #tpu.memory_space<vmem>>)
        %dma_wait3A_647 = tpu.memref_slice %arg4[%mul3A_644] : memref<320000xi32, #tpu.memory_space<hbm>> -> memref<128xi32, #tpu.memory_space<hbm>>
        %dma_wait3A_648 = tpu.memref_slice %arg4[%mul3A_644] : memref<320000xi32, #tpu.memory_space<hbm>> -> memref<128xi32, #tpu.memory_space<hbm>>
        tpu.wait_dma2 semaphore(%arg32 : memref<!tpu.dma_semaphore, #tpu.memory_space<semaphore_mem>>) src(%dma_wait3A_648 : memref<128xi32, #tpu.memory_space<hbm>>) dst(%arg20 : memref<128xi32, #tpu.memory_space<vmem>>)
        %add3A_649 = arith.constant 1 : i32
        %add3A_650 = arith.addi %add3A_174, %add3A_649 : i32
        %ge3A = arith.constant 6 : i32
        %ge3A_651 = arith.cmpi sge, %add3A_650, %ge3A : i32
        %convert_element_type3A_652 = arith.extui %ge3A_651 : i1 to i32
        %cond3A_653 = arith.constant 0 : i32
        %cond3A_654 = arith.cmpi ne, %convert_element_type3A_652, %cond3A_653 : i32
        scf.if %cond3A_654 {
          %dma_wait3A_658 = arith.constant 0 : i32
          %dma_wait3A_659 = arith.constant 0 : i32
          %dma_wait3A_660 = tpu.memref_slice %arg6[%dma_wait3A_658, %dma_wait3A_659] : memref<10000x64xf32, #tpu.memory_space<vmem_shared>> -> memref<10000x64xf32, #tpu.memory_space<vmem_shared>>
          tpu.wait_indirect_dma semaphore(%arg44 : memref<!tpu.dma_semaphore, #tpu.memory_space<semaphore_mem>>) src(%arg8 : memref<128x64xf32, #tpu.memory_space<vmem>>) dst(%dma_wait3A_660 : memref<10000x64xf32, #tpu.memory_space<vmem_shared>>)
        } else {
        }
        %dma_start3A_655 = arith.constant 0 : i32
        %dma_start3A_656 = arith.constant 0 : i32
        %dma_start3A_657 = tpu.memref_slice %arg2[%dma_start3A_655, %dma_start3A_656] : memref<10000x64xf32, #tpu.memory_space<hbm>> -> memref<10000x64xf32, #tpu.memory_space<hbm>>
        tpu.enqueue_indirect_dma source(%dma_start3A_657 : memref<10000x64xf32, #tpu.memory_space<hbm>>) target(%arg8 : memref<128x64xf32, #tpu.memory_space<vmem>>) offsets(%arg14 : memref<128xi32, #tpu.memory_space<vmem>>) semaphore(%arg38 : memref<!tpu.dma_semaphore, #tpu.memory_space<semaphore_mem>>)
      } else {
      }
      %dma_wait3A_181 = arith.constant 0 : i32
      %dma_wait3A_182 = arith.constant 0 : i32
      %dma_wait3A_183 = tpu.memref_slice %arg2[%dma_wait3A_181, %dma_wait3A_182] : memref<10000x64xf32, #tpu.memory_space<hbm>> -> memref<10000x64xf32, #tpu.memory_space<hbm>>
      tpu.wait_indirect_dma semaphore(%arg37 : memref<!tpu.dma_semaphore, #tpu.memory_space<semaphore_mem>>) src(%dma_wait3A_183 : memref<10000x64xf32, #tpu.memory_space<hbm>>) dst(%arg7 : memref<128x64xf32, #tpu.memory_space<vmem>>)
      %get3A = arith.constant 0 : index
      %get3A_184 = tpu.vector_load %arg19[%get3A] {strides = array<i32>} : memref<128xi32, #tpu.memory_space<vmem>>, vector<16xi32>,
      %get3A_185 = vector.shape_cast %get3A_184 : vector<16xi32> to vector<16xi32>
      %swap3A = arith.constant 0 : index
      %swap3A_186 = tpu.vector_load %arg25[%swap3A] {strides = array<i32>} : memref<128xi32, #tpu.memory_space<vmem>>, vector<16xi32>,
      %swap3A_187 = vector.shape_cast %swap3A_186 : vector<16xi32> to vector<16xi32>
      %swap3A_188 = vector.shape_cast %get3A_185 : vector<16xi32> to vector<16xi32>
      tpu.vector_store %arg25[%swap3A], %swap3A_188 {strides = array<i32>} : memref<128xi32, #tpu.memory_space<vmem>>, vector<16xi32>,
      %get3A_189 = arith.constant 16 : index
      %get3A_190 = tpu.vector_load %arg19[%get3A_189] {strides = array<i32>} : memref<128xi32, #tpu.memory_space<vmem>>, vector<16xi32>,
      %get3A_191 = vector.shape_cast %get3A_190 : vector<16xi32> to vector<16xi32>
      %swap3A_192 = arith.constant 16 : index
      %swap3A_193 = tpu.vector_load %arg25[%swap3A_192] {strides = array<i32>} : memref<128xi32, #tpu.memory_space<vmem>>, vector<16xi32>,
      %swap3A_194 = vector.shape_cast %swap3A_193 : vector<16xi32> to vector<16xi32>
      %swap3A_195 = vector.shape_cast %get3A_191 : vector<16xi32> to vector<16xi32>
      tpu.vector_store %arg25[%swap3A_192], %swap3A_195 {strides = array<i32>} : memref<128xi32, #tpu.memory_space<vmem>>, vector<16xi32>,
      %get3A_196 = arith.constant 32 : index
      %get3A_197 = tpu.vector_load %arg19[%get3A_196] {strides = array<i32>} : memref<128xi32, #tpu.memory_space<vmem>>, vector<16xi32>,
      %get3A_198 = vector.shape_cast %get3A_197 : vector<16xi32> to vector<16xi32>
      %swap3A_199 = arith.constant 32 : index
      %swap3A_200 = tpu.vector_load %arg25[%swap3A_199] {strides = array<i32>} : memref<128xi32, #tpu.memory_space<vmem>>, vector<16xi32>,
      %swap3A_201 = vector.shape_cast %swap3A_200 : vector<16xi32> to vector<16xi32>
      %swap3A_202 = vector.shape_cast %get3A_198 : vector<16xi32> to vector<16xi32>
      tpu.vector_store %arg25[%swap3A_199], %swap3A_202 {strides = array<i32>} : memref<128xi32, #tpu.memory_space<vmem>>, vector<16xi32>,
      %get3A_203 = arith.constant 48 : index
      %get3A_204 = tpu.vector_load %arg19[%get3A_203] {strides = array<i32>} : memref<128xi32, #tpu.memory_space<vmem>>, vector<16xi32>,
      %get3A_205 = vector.shape_cast %get3A_204 : vector<16xi32> to vector<16xi32>
      %swap3A_206 = arith.constant 48 : index
      %swap3A_207 = tpu.vector_load %arg25[%swap3A_206] {strides = array<i32>} : memref<128xi32, #tpu.memory_space<vmem>>, vector<16xi32>,
      %swap3A_208 = vector.shape_cast %swap3A_207 : vector<16xi32> to vector<16xi32>
      %swap3A_209 = vector.shape_cast %get3A_205 : vector<16xi32> to vector<16xi32>
      tpu.vector_store %arg25[%swap3A_206], %swap3A_209 {strides = array<i32>} : memref<128xi32, #tpu.memory_space<vmem>>, vector<16xi32>,
      %get3A_210 = arith.constant 64 : index
      %get3A_211 = tpu.vector_load %arg19[%get3A_210] {strides = array<i32>} : memref<128xi32, #tpu.memory_space<vmem>>, vector<16xi32>,
      %get3A_212 = vector.shape_cast %get3A_211 : vector<16xi32> to vector<16xi32>
      %swap3A_213 = arith.constant 64 : index
      %swap3A_214 = tpu.vector_load %arg25[%swap3A_213] {strides = array<i32>} : memref<128xi32, #tpu.memory_space<vmem>>, vector<16xi32>,
      %swap3A_215 = vector.shape_cast %swap3A_214 : vector<16xi32> to vector<16xi32>
      %swap3A_216 = vector.shape_cast %get3A_212 : vector<16xi32> to vector<16xi32>
      tpu.vector_store %arg25[%swap3A_213], %swap3A_216 {strides = array<i32>} : memref<128xi32, #tpu.memory_space<vmem>>, vector<16xi32>,
      %get3A_217 = arith.constant 80 : index
      %get3A_218 = tpu.vector_load %arg19[%get3A_217] {strides = array<i32>} : memref<128xi32, #tpu.memory_space<vmem>>, vector<16xi32>,
      %get3A_219 = vector.shape_cast %get3A_218 : vector<16xi32> to vector<16xi32>
      %swap3A_220 = arith.constant 80 : index
      %swap3A_221 = tpu.vector_load %arg25[%swap3A_220] {strides = array<i32>} : memref<128xi32, #tpu.memory_space<vmem>>, vector<16xi32>,
      %swap3A_222 = vector.shape_cast %swap3A_221 : vector<16xi32> to vector<16xi32>
      %swap3A_223 = vector.shape_cast %get3A_219 : vector<16xi32> to vector<16xi32>
      tpu.vector_store %arg25[%swap3A_220], %swap3A_223 {strides = array<i32>} : memref<128xi32, #tpu.memory_space<vmem>>, vector<16xi32>,
      %get3A_224 = arith.constant 96 : index
      %get3A_225 = tpu.vector_load %arg19[%get3A_224] {strides = array<i32>} : memref<128xi32, #tpu.memory_space<vmem>>, vector<16xi32>,
      %get3A_226 = vector.shape_cast %get3A_225 : vector<16xi32> to vector<16xi32>
      %swap3A_227 = arith.constant 96 : index
      %swap3A_228 = tpu.vector_load %arg25[%swap3A_227] {strides = array<i32>} : memref<128xi32, #tpu.memory_space<vmem>>, vector<16xi32>,
      %swap3A_229 = vector.shape_cast %swap3A_228 : vector<16xi32> to vector<16xi32>
      %swap3A_230 = vector.shape_cast %get3A_226 : vector<16xi32> to vector<16xi32>
      tpu.vector_store %arg25[%swap3A_227], %swap3A_230 {strides = array<i32>} : memref<128xi32, #tpu.memory_space<vmem>>, vector<16xi32>,
      %get3A_231 = arith.constant 112 : index
      %get3A_232 = tpu.vector_load %arg19[%get3A_231] {strides = array<i32>} : memref<128xi32, #tpu.memory_space<vmem>>, vector<16xi32>,
      %get3A_233 = vector.shape_cast %get3A_232 : vector<16xi32> to vector<16xi32>
      %swap3A_234 = arith.constant 112 : index
      %swap3A_235 = tpu.vector_load %arg25[%swap3A_234] {strides = array<i32>} : memref<128xi32, #tpu.memory_space<vmem>>, vector<16xi32>,
      %swap3A_236 = vector.shape_cast %swap3A_235 : vector<16xi32> to vector<16xi32>
      %swap3A_237 = vector.shape_cast %get3A_233 : vector<16xi32> to vector<16xi32>
      tpu.vector_store %arg25[%swap3A_234], %swap3A_237 {strides = array<i32>} : memref<128xi32, #tpu.memory_space<vmem>>, vector<16xi32>,
      %dma_start3A_238 = arith.constant 0 : i32
      %dma_start3A_239 = arith.constant 0 : i32
      %dma_start3A_240 = tpu.memref_slice %arg6[%dma_start3A_238, %dma_start3A_239] : memref<10000x64xf32, #tpu.memory_space<vmem_shared>> -> memref<10000x64xf32, #tpu.memory_space<vmem_shared>>
      tpu.enqueue_indirect_dma source(%arg7 : memref<128x64xf32, #tpu.memory_space<vmem>>) target(%dma_start3A_240 : memref<10000x64xf32, #tpu.memory_space<vmem_shared>>) offsets(%arg25 : memref<128xi32, #tpu.memory_space<vmem>>) semaphore(%arg43 : memref<!tpu.dma_semaphore, #tpu.memory_space<semaphore_mem>>) {add = true}
      %add3A_241 = arith.constant 6 : i32
      %add3A_242 = arith.addi %add3A_174, %add3A_241 : i32
      %lt3A_243 = arith.cmpi slt, %add3A_242, %add3A_4 : i32
      %convert_element_type3A_244 = arith.extui %lt3A_243 : i1 to i32
      %cond3A_245 = arith.constant 0 : i32
      %cond3A_246 = arith.cmpi ne, %convert_element_type3A_244, %cond3A_245 : i32
      scf.if %cond3A_246 {
        %add3A_638 = arith.constant 6 : i32
        %add3A_639 = arith.addi %add3A_174, %add3A_638 : i32
        %mul3A_640 = arith.constant 32 : i32
        %mul3A_641 = arith.muli %add3A_639, %mul3A_640 : i32
        %add3A_642 = arith.addi %add3A, %mul3A_641 : i32
        %mul3A_643 = arith.constant 128 : i32
        %mul3A_644 = arith.muli %add3A_642, %mul3A_643 : i32
        %dma_start3A_645 = tpu.memref_slice %arg3[%mul3A_644] : memref<320000xi32, #tpu.memory_space<hbm>> -> memref<128xi32, #tpu.memory_space<hbm>>
        %dma_start3A_646 = tpu.memref_slice %arg3[%mul3A_644] : memref<320000xi32, #tpu.memory_space<hbm>> -> memref<128xi32, #tpu.memory_space<hbm>>
        tpu.enqueue_dma source(%dma_start3A_646 : memref<128xi32, #tpu.memory_space<hbm>>) target(%arg13 : memref<128xi32, #tpu.memory_space<vmem>>) target_semaphore(%arg31 : memref<!tpu.dma_semaphore, #tpu.memory_space<semaphore_mem>>)
        %dma_start3A_647 = tpu.memref_slice %arg4[%mul3A_644] : memref<320000xi32, #tpu.memory_space<hbm>> -> memref<128xi32, #tpu.memory_space<hbm>>
        %dma_start3A_648 = tpu.memref_slice %arg4[%mul3A_644] : memref<320000xi32, #tpu.memory_space<hbm>> -> memref<128xi32, #tpu.memory_space<hbm>>
        tpu.enqueue_dma source(%dma_start3A_648 : memref<128xi32, #tpu.memory_space<hbm>>) target(%arg19 : memref<128xi32, #tpu.memory_space<vmem>>) target_semaphore(%arg31 : memref<!tpu.dma_semaphore, #tpu.memory_space<semaphore_mem>>)
      } else {
      }
      %mul3A_247 = arith.constant 6 : i32
      %mul3A_248 = arith.muli %scan3A_169, %mul3A_247 : i32
      %add3A_249 = arith.constant 1 : i32
      %add3A_250 = arith.addi %mul3A_248, %add3A_249 : i32
      %add3A_251 = arith.constant 1 : i32
      %add3A_252 = arith.addi %add3A_250, %add3A_251 : i32
      %lt3A_253 = arith.cmpi slt, %add3A_252, %add3A_4 : i32
      %convert_element_type3A_254 = arith.extui %lt3A_253 : i1 to i32
      %cond3A_255 = arith.constant 0 : i32
      %cond3A_256 = arith.cmpi ne, %convert_element_type3A_254, %cond3A_255 : i32
      scf.if %cond3A_256 {
        %add3A_638 = arith.constant 1 : i32
        %add3A_639 = arith.addi %add3A_250, %add3A_638 : i32
        %mul3A_640 = arith.constant 32 : i32
        %mul3A_641 = arith.muli %add3A_639, %mul3A_640 : i32
        %add3A_642 = arith.addi %add3A, %mul3A_641 : i32
        %mul3A_643 = arith.constant 128 : i32
        %mul3A_644 = arith.muli %add3A_642, %mul3A_643 : i32
        %dma_wait3A_645 = tpu.memref_slice %arg3[%mul3A_644] : memref<320000xi32, #tpu.memory_space<hbm>> -> memref<128xi32, #tpu.memory_space<hbm>>
        %dma_wait3A_646 = tpu.memref_slice %arg3[%mul3A_644] : memref<320000xi32, #tpu.memory_space<hbm>> -> memref<128xi32, #tpu.memory_space<hbm>>
        tpu.wait_dma2 semaphore(%arg33 : memref<!tpu.dma_semaphore, #tpu.memory_space<semaphore_mem>>) src(%dma_wait3A_646 : memref<128xi32, #tpu.memory_space<hbm>>) dst(%arg15 : memref<128xi32, #tpu.memory_space<vmem>>)
        %dma_wait3A_647 = tpu.memref_slice %arg4[%mul3A_644] : memref<320000xi32, #tpu.memory_space<hbm>> -> memref<128xi32, #tpu.memory_space<hbm>>
        %dma_wait3A_648 = tpu.memref_slice %arg4[%mul3A_644] : memref<320000xi32, #tpu.memory_space<hbm>> -> memref<128xi32, #tpu.memory_space<hbm>>
        tpu.wait_dma2 semaphore(%arg33 : memref<!tpu.dma_semaphore, #tpu.memory_space<semaphore_mem>>) src(%dma_wait3A_648 : memref<128xi32, #tpu.memory_space<hbm>>) dst(%arg21 : memref<128xi32, #tpu.memory_space<vmem>>)
        %add3A_649 = arith.constant 1 : i32
        %add3A_650 = arith.addi %add3A_250, %add3A_649 : i32
        %ge3A = arith.constant 6 : i32
        %ge3A_651 = arith.cmpi sge, %add3A_650, %ge3A : i32
        %convert_element_type3A_652 = arith.extui %ge3A_651 : i1 to i32
        %cond3A_653 = arith.constant 0 : i32
        %cond3A_654 = arith.cmpi ne, %convert_element_type3A_652, %cond3A_653 : i32
        scf.if %cond3A_654 {
          %dma_wait3A_658 = arith.constant 0 : i32
          %dma_wait3A_659 = arith.constant 0 : i32
          %dma_wait3A_660 = tpu.memref_slice %arg6[%dma_wait3A_658, %dma_wait3A_659] : memref<10000x64xf32, #tpu.memory_space<vmem_shared>> -> memref<10000x64xf32, #tpu.memory_space<vmem_shared>>
          tpu.wait_indirect_dma semaphore(%arg45 : memref<!tpu.dma_semaphore, #tpu.memory_space<semaphore_mem>>) src(%arg9 : memref<128x64xf32, #tpu.memory_space<vmem>>) dst(%dma_wait3A_660 : memref<10000x64xf32, #tpu.memory_space<vmem_shared>>)
        } else {
        }
        %dma_start3A_655 = arith.constant 0 : i32
        %dma_start3A_656 = arith.constant 0 : i32
        %dma_start3A_657 = tpu.memref_slice %arg2[%dma_start3A_655, %dma_start3A_656] : memref<10000x64xf32, #tpu.memory_space<hbm>> -> memref<10000x64xf32, #tpu.memory_space<hbm>>
        tpu.enqueue_indirect_dma source(%dma_start3A_657 : memref<10000x64xf32, #tpu.memory_space<hbm>>) target(%arg9 : memref<128x64xf32, #tpu.memory_space<vmem>>) offsets(%arg15 : memref<128xi32, #tpu.memory_space<vmem>>) semaphore(%arg39 : memref<!tpu.dma_semaphore, #tpu.memory_space<semaphore_mem>>)
      } else {
      }
      %dma_wait3A_257 = arith.constant 0 : i32
      %dma_wait3A_258 = arith.constant 0 : i32
      %dma_wait3A_259 = tpu.memref_slice %arg2[%dma_wait3A_257, %dma_wait3A_258] : memref<10000x64xf32, #tpu.memory_space<hbm>> -> memref<10000x64xf32, #tpu.memory_space<hbm>>
      tpu.wait_indirect_dma semaphore(%arg38 : memref<!tpu.dma_semaphore, #tpu.memory_space<semaphore_mem>>) src(%dma_wait3A_259 : memref<10000x64xf32, #tpu.memory_space<hbm>>) dst(%arg8 : memref<128x64xf32, #tpu.memory_space<vmem>>)
      %get3A_260 = arith.constant 0 : index
      %get3A_261 = tpu.vector_load %arg20[%get3A_260] {strides = array<i32>} : memref<128xi32, #tpu.memory_space<vmem>>, vector<16xi32>,
      %get3A_262 = vector.shape_cast %get3A_261 : vector<16xi32> to vector<16xi32>
      %swap3A_263 = arith.constant 0 : index
      %swap3A_264 = tpu.vector_load %arg26[%swap3A_263] {strides = array<i32>} : memref<128xi32, #tpu.memory_space<vmem>>, vector<16xi32>,
      %swap3A_265 = vector.shape_cast %swap3A_264 : vector<16xi32> to vector<16xi32>
      %swap3A_266 = vector.shape_cast %get3A_262 : vector<16xi32> to vector<16xi32>
      tpu.vector_store %arg26[%swap3A_263], %swap3A_266 {strides = array<i32>} : memref<128xi32, #tpu.memory_space<vmem>>, vector<16xi32>,
      %get3A_267 = arith.constant 16 : index
      %get3A_268 = tpu.vector_load %arg20[%get3A_267] {strides = array<i32>} : memref<128xi32, #tpu.memory_space<vmem>>, vector<16xi32>,
      %get3A_269 = vector.shape_cast %get3A_268 : vector<16xi32> to vector<16xi32>
      %swap3A_270 = arith.constant 16 : index
      %swap3A_271 = tpu.vector_load %arg26[%swap3A_270] {strides = array<i32>} : memref<128xi32, #tpu.memory_space<vmem>>, vector<16xi32>,
      %swap3A_272 = vector.shape_cast %swap3A_271 : vector<16xi32> to vector<16xi32>
      %swap3A_273 = vector.shape_cast %get3A_269 : vector<16xi32> to vector<16xi32>
      tpu.vector_store %arg26[%swap3A_270], %swap3A_273 {strides = array<i32>} : memref<128xi32, #tpu.memory_space<vmem>>, vector<16xi32>,
      %get3A_274 = arith.constant 32 : index
      %get3A_275 = tpu.vector_load %arg20[%get3A_274] {strides = array<i32>} : memref<128xi32, #tpu.memory_space<vmem>>, vector<16xi32>,
      %get3A_276 = vector.shape_cast %get3A_275 : vector<16xi32> to vector<16xi32>
      %swap3A_277 = arith.constant 32 : index
      %swap3A_278 = tpu.vector_load %arg26[%swap3A_277] {strides = array<i32>} : memref<128xi32, #tpu.memory_space<vmem>>, vector<16xi32>,
      %swap3A_279 = vector.shape_cast %swap3A_278 : vector<16xi32> to vector<16xi32>
      %swap3A_280 = vector.shape_cast %get3A_276 : vector<16xi32> to vector<16xi32>
      tpu.vector_store %arg26[%swap3A_277], %swap3A_280 {strides = array<i32>} : memref<128xi32, #tpu.memory_space<vmem>>, vector<16xi32>,
      %get3A_281 = arith.constant 48 : index
      %get3A_282 = tpu.vector_load %arg20[%get3A_281] {strides = array<i32>} : memref<128xi32, #tpu.memory_space<vmem>>, vector<16xi32>,
      %get3A_283 = vector.shape_cast %get3A_282 : vector<16xi32> to vector<16xi32>
      %swap3A_284 = arith.constant 48 : index
      %swap3A_285 = tpu.vector_load %arg26[%swap3A_284] {strides = array<i32>} : memref<128xi32, #tpu.memory_space<vmem>>, vector<16xi32>,
      %swap3A_286 = vector.shape_cast %swap3A_285 : vector<16xi32> to vector<16xi32>
      %swap3A_287 = vector.shape_cast %get3A_283 : vector<16xi32> to vector<16xi32>
      tpu.vector_store %arg26[%swap3A_284], %swap3A_287 {strides = array<i32>} : memref<128xi32, #tpu.memory_space<vmem>>, vector<16xi32>,
      %get3A_288 = arith.constant 64 : index
      %get3A_289 = tpu.vector_load %arg20[%get3A_288] {strides = array<i32>} : memref<128xi32, #tpu.memory_space<vmem>>, vector<16xi32>,
      %get3A_290 = vector.shape_cast %get3A_289 : vector<16xi32> to vector<16xi32>
      %swap3A_291 = arith.constant 64 : index
      %swap3A_292 = tpu.vector_load %arg26[%swap3A_291] {strides = array<i32>} : memref<128xi32, #tpu.memory_space<vmem>>, vector<16xi32>,
      %swap3A_293 = vector.shape_cast %swap3A_292 : vector<16xi32> to vector<16xi32>
      %swap3A_294 = vector.shape_cast %get3A_290 : vector<16xi32> to vector<16xi32>
      tpu.vector_store %arg26[%swap3A_291], %swap3A_294 {strides = array<i32>} : memref<128xi32, #tpu.memory_space<vmem>>, vector<16xi32>,
      %get3A_295 = arith.constant 80 : index
      %get3A_296 = tpu.vector_load %arg20[%get3A_295] {strides = array<i32>} : memref<128xi32, #tpu.memory_space<vmem>>, vector<16xi32>,
      %get3A_297 = vector.shape_cast %get3A_296 : vector<16xi32> to vector<16xi32>
      %swap3A_298 = arith.constant 80 : index
      %swap3A_299 = tpu.vector_load %arg26[%swap3A_298] {strides = array<i32>} : memref<128xi32, #tpu.memory_space<vmem>>, vector<16xi32>,
      %swap3A_300 = vector.shape_cast %swap3A_299 : vector<16xi32> to vector<16xi32>
      %swap3A_301 = vector.shape_cast %get3A_297 : vector<16xi32> to vector<16xi32>
      tpu.vector_store %arg26[%swap3A_298], %swap3A_301 {strides = array<i32>} : memref<128xi32, #tpu.memory_space<vmem>>, vector<16xi32>,
      %get3A_302 = arith.constant 96 : index
      %get3A_303 = tpu.vector_load %arg20[%get3A_302] {strides = array<i32>} : memref<128xi32, #tpu.memory_space<vmem>>, vector<16xi32>,
      %get3A_304 = vector.shape_cast %get3A_303 : vector<16xi32> to vector<16xi32>
      %swap3A_305 = arith.constant 96 : index
      %swap3A_306 = tpu.vector_load %arg26[%swap3A_305] {strides = array<i32>} : memref<128xi32, #tpu.memory_space<vmem>>, vector<16xi32>,
      %swap3A_307 = vector.shape_cast %swap3A_306 : vector<16xi32> to vector<16xi32>
      %swap3A_308 = vector.shape_cast %get3A_304 : vector<16xi32> to vector<16xi32>
      tpu.vector_store %arg26[%swap3A_305], %swap3A_308 {strides = array<i32>} : memref<128xi32, #tpu.memory_space<vmem>>, vector<16xi32>,
      %get3A_309 = arith.constant 112 : index
      %get3A_310 = tpu.vector_load %arg20[%get3A_309] {strides = array<i32>} : memref<128xi32, #tpu.memory_space<vmem>>, vector<16xi32>,
      %get3A_311 = vector.shape_cast %get3A_310 : vector<16xi32> to vector<16xi32>
      %swap3A_312 = arith.constant 112 : index
      %swap3A_313 = tpu.vector_load %arg26[%swap3A_312] {strides = array<i32>} : memref<128xi32, #tpu.memory_space<vmem>>, vector<16xi32>,
      %swap3A_314 = vector.shape_cast %swap3A_313 : vector<16xi32> to vector<16xi32>
      %swap3A_315 = vector.shape_cast %get3A_311 : vector<16xi32> to vector<16xi32>
      tpu.vector_store %arg26[%swap3A_312], %swap3A_315 {strides = array<i32>} : memref<128xi32, #tpu.memory_space<vmem>>, vector<16xi32>,
      %dma_start3A_316 = arith.constant 0 : i32
      %dma_start3A_317 = arith.constant 0 : i32
      %dma_start3A_318 = tpu.memref_slice %arg6[%dma_start3A_316, %dma_start3A_317] : memref<10000x64xf32, #tpu.memory_space<vmem_shared>> -> memref<10000x64xf32, #tpu.memory_space<vmem_shared>>
      tpu.enqueue_indirect_dma source(%arg8 : memref<128x64xf32, #tpu.memory_space<vmem>>) target(%dma_start3A_318 : memref<10000x64xf32, #tpu.memory_space<vmem_shared>>) offsets(%arg26 : memref<128xi32, #tpu.memory_space<vmem>>) semaphore(%arg44 : memref<!tpu.dma_semaphore, #tpu.memory_space<semaphore_mem>>) {add = true}
      %add3A_319 = arith.constant 6 : i32
      %add3A_320 = arith.addi %add3A_250, %add3A_319 : i32
      %lt3A_321 = arith.cmpi slt, %add3A_320, %add3A_4 : i32
      %convert_element_type3A_322 = arith.extui %lt3A_321 : i1 to i32
      %cond3A_323 = arith.constant 0 : i32
      %cond3A_324 = arith.cmpi ne, %convert_element_type3A_322, %cond3A_323 : i32
      scf.if %cond3A_324 {
        %add3A_638 = arith.constant 6 : i32
        %add3A_639 = arith.addi %add3A_250, %add3A_638 : i32
        %mul3A_640 = arith.constant 32 : i32
        %mul3A_641 = arith.muli %add3A_639, %mul3A_640 : i32
        %add3A_642 = arith.addi %add3A, %mul3A_641 : i32
        %mul3A_643 = arith.constant 128 : i32
        %mul3A_644 = arith.muli %add3A_642, %mul3A_643 : i32
        %dma_start3A_645 = tpu.memref_slice %arg3[%mul3A_644] : memref<320000xi32, #tpu.memory_space<hbm>> -> memref<128xi32, #tpu.memory_space<hbm>>
        %dma_start3A_646 = tpu.memref_slice %arg3[%mul3A_644] : memref<320000xi32, #tpu.memory_space<hbm>> -> memref<128xi32, #tpu.memory_space<hbm>>
        tpu.enqueue_dma source(%dma_start3A_646 : memref<128xi32, #tpu.memory_space<hbm>>) target(%arg14 : memref<128xi32, #tpu.memory_space<vmem>>) target_semaphore(%arg32 : memref<!tpu.dma_semaphore, #tpu.memory_space<semaphore_mem>>)
        %dma_start3A_647 = tpu.memref_slice %arg4[%mul3A_644] : memref<320000xi32, #tpu.memory_space<hbm>> -> memref<128xi32, #tpu.memory_space<hbm>>
        %dma_start3A_648 = tpu.memref_slice %arg4[%mul3A_644] : memref<320000xi32, #tpu.memory_space<hbm>> -> memref<128xi32, #tpu.memory_space<hbm>>
        tpu.enqueue_dma source(%dma_start3A_648 : memref<128xi32, #tpu.memory_space<hbm>>) target(%arg20 : memref<128xi32, #tpu.memory_space<vmem>>) target_semaphore(%arg32 : memref<!tpu.dma_semaphore, #tpu.memory_space<semaphore_mem>>)
      } else {
      }
      %mul3A_325 = arith.constant 6 : i32
      %mul3A_326 = arith.muli %scan3A_169, %mul3A_325 : i32
      %add3A_327 = arith.constant 2 : i32
      %add3A_328 = arith.addi %mul3A_326, %add3A_327 : i32
      %add3A_329 = arith.constant 1 : i32
      %add3A_330 = arith.addi %add3A_328, %add3A_329 : i32
      %lt3A_331 = arith.cmpi slt, %add3A_330, %add3A_4 : i32
      %convert_element_type3A_332 = arith.extui %lt3A_331 : i1 to i32
      %cond3A_333 = arith.constant 0 : i32
      %cond3A_334 = arith.cmpi ne, %convert_element_type3A_332, %cond3A_333 : i32
      scf.if %cond3A_334 {
        %add3A_638 = arith.constant 1 : i32
        %add3A_639 = arith.addi %add3A_328, %add3A_638 : i32
        %mul3A_640 = arith.constant 32 : i32
        %mul3A_641 = arith.muli %add3A_639, %mul3A_640 : i32
        %add3A_642 = arith.addi %add3A, %mul3A_641 : i32
        %mul3A_643 = arith.constant 128 : i32
        %mul3A_644 = arith.muli %add3A_642, %mul3A_643 : i32
        %dma_wait3A_645 = tpu.memref_slice %arg3[%mul3A_644] : memref<320000xi32, #tpu.memory_space<hbm>> -> memref<128xi32, #tpu.memory_space<hbm>>
        %dma_wait3A_646 = tpu.memref_slice %arg3[%mul3A_644] : memref<320000xi32, #tpu.memory_space<hbm>> -> memref<128xi32, #tpu.memory_space<hbm>>
        tpu.wait_dma2 semaphore(%arg34 : memref<!tpu.dma_semaphore, #tpu.memory_space<semaphore_mem>>) src(%dma_wait3A_646 : memref<128xi32, #tpu.memory_space<hbm>>) dst(%arg16 : memref<128xi32, #tpu.memory_space<vmem>>)
        %dma_wait3A_647 = tpu.memref_slice %arg4[%mul3A_644] : memref<320000xi32, #tpu.memory_space<hbm>> -> memref<128xi32, #tpu.memory_space<hbm>>
        %dma_wait3A_648 = tpu.memref_slice %arg4[%mul3A_644] : memref<320000xi32, #tpu.memory_space<hbm>> -> memref<128xi32, #tpu.memory_space<hbm>>
        tpu.wait_dma2 semaphore(%arg34 : memref<!tpu.dma_semaphore, #tpu.memory_space<semaphore_mem>>) src(%dma_wait3A_648 : memref<128xi32, #tpu.memory_space<hbm>>) dst(%arg22 : memref<128xi32, #tpu.memory_space<vmem>>)
        %add3A_649 = arith.constant 1 : i32
        %add3A_650 = arith.addi %add3A_328, %add3A_649 : i32
        %ge3A = arith.constant 6 : i32
        %ge3A_651 = arith.cmpi sge, %add3A_650, %ge3A : i32
        %convert_element_type3A_652 = arith.extui %ge3A_651 : i1 to i32
        %cond3A_653 = arith.constant 0 : i32
        %cond3A_654 = arith.cmpi ne, %convert_element_type3A_652, %cond3A_653 : i32
        scf.if %cond3A_654 {
          %dma_wait3A_658 = arith.constant 0 : i32
          %dma_wait3A_659 = arith.constant 0 : i32
          %dma_wait3A_660 = tpu.memref_slice %arg6[%dma_wait3A_658, %dma_wait3A_659] : memref<10000x64xf32, #tpu.memory_space<vmem_shared>> -> memref<10000x64xf32, #tpu.memory_space<vmem_shared>>
          tpu.wait_indirect_dma semaphore(%arg46 : memref<!tpu.dma_semaphore, #tpu.memory_space<semaphore_mem>>) src(%arg10 : memref<128x64xf32, #tpu.memory_space<vmem>>) dst(%dma_wait3A_660 : memref<10000x64xf32, #tpu.memory_space<vmem_shared>>)
        } else {
        }
        %dma_start3A_655 = arith.constant 0 : i32
        %dma_start3A_656 = arith.constant 0 : i32
        %dma_start3A_657 = tpu.memref_slice %arg2[%dma_start3A_655, %dma_start3A_656] : memref<10000x64xf32, #tpu.memory_space<hbm>> -> memref<10000x64xf32, #tpu.memory_space<hbm>>
        tpu.enqueue_indirect_dma source(%dma_start3A_657 : memref<10000x64xf32, #tpu.memory_space<hbm>>) target(%arg10 : memref<128x64xf32, #tpu.memory_space<vmem>>) offsets(%arg16 : memref<128xi32, #tpu.memory_space<vmem>>) semaphore(%arg40 : memref<!tpu.dma_semaphore, #tpu.memory_space<semaphore_mem>>)
      } else {
      }
      %dma_wait3A_335 = arith.constant 0 : i32
      %dma_wait3A_336 = arith.constant 0 : i32
      %dma_wait3A_337 = tpu.memref_slice %arg2[%dma_wait3A_335, %dma_wait3A_336] : memref<10000x64xf32, #tpu.memory_space<hbm>> -> memref<10000x64xf32, #tpu.memory_space<hbm>>
      tpu.wait_indirect_dma semaphore(%arg39 : memref<!tpu.dma_semaphore, #tpu.memory_space<semaphore_mem>>) src(%dma_wait3A_337 : memref<10000x64xf32, #tpu.memory_space<hbm>>) dst(%arg9 : memref<128x64xf32, #tpu.memory_space<vmem>>)
      %get3A_338 = arith.constant 0 : index
      %get3A_339 = tpu.vector_load %arg21[%get3A_338] {strides = array<i32>} : memref<128xi32, #tpu.memory_space<vmem>>, vector<16xi32>,
      %get3A_340 = vector.shape_cast %get3A_339 : vector<16xi32> to vector<16xi32>
      %swap3A_341 = arith.constant 0 : index
      %swap3A_342 = tpu.vector_load %arg27[%swap3A_341] {strides = array<i32>} : memref<128xi32, #tpu.memory_space<vmem>>, vector<16xi32>,
      %swap3A_343 = vector.shape_cast %swap3A_342 : vector<16xi32> to vector<16xi32>
      %swap3A_344 = vector.shape_cast %get3A_340 : vector<16xi32> to vector<16xi32>
      tpu.vector_store %arg27[%swap3A_341], %swap3A_344 {strides = array<i32>} : memref<128xi32, #tpu.memory_space<vmem>>, vector<16xi32>,
      %get3A_345 = arith.constant 16 : index
      %get3A_346 = tpu.vector_load %arg21[%get3A_345] {strides = array<i32>} : memref<128xi32, #tpu.memory_space<vmem>>, vector<16xi32>,
      %get3A_347 = vector.shape_cast %get3A_346 : vector<16xi32> to vector<16xi32>
      %swap3A_348 = arith.constant 16 : index
      %swap3A_349 = tpu.vector_load %arg27[%swap3A_348] {strides = array<i32>} : memref<128xi32, #tpu.memory_space<vmem>>, vector<16xi32>,
      %swap3A_350 = vector.shape_cast %swap3A_349 : vector<16xi32> to vector<16xi32>
      %swap3A_351 = vector.shape_cast %get3A_347 : vector<16xi32> to vector<16xi32>
      tpu.vector_store %arg27[%swap3A_348], %swap3A_351 {strides = array<i32>} : memref<128xi32, #tpu.memory_space<vmem>>, vector<16xi32>,
      %get3A_352 = arith.constant 32 : index
      %get3A_353 = tpu.vector_load %arg21[%get3A_352] {strides = array<i32>} : memref<128xi32, #tpu.memory_space<vmem>>, vector<16xi32>,
      %get3A_354 = vector.shape_cast %get3A_353 : vector<16xi32> to vector<16xi32>
      %swap3A_355 = arith.constant 32 : index
      %swap3A_356 = tpu.vector_load %arg27[%swap3A_355] {strides = array<i32>} : memref<128xi32, #tpu.memory_space<vmem>>, vector<16xi32>,
      %swap3A_357 = vector.shape_cast %swap3A_356 : vector<16xi32> to vector<16xi32>
      %swap3A_358 = vector.shape_cast %get3A_354 : vector<16xi32> to vector<16xi32>
      tpu.vector_store %arg27[%swap3A_355], %swap3A_358 {strides = array<i32>} : memref<128xi32, #tpu.memory_space<vmem>>, vector<16xi32>,
      %get3A_359 = arith.constant 48 : index
      %get3A_360 = tpu.vector_load %arg21[%get3A_359] {strides = array<i32>} : memref<128xi32, #tpu.memory_space<vmem>>, vector<16xi32>,
      %get3A_361 = vector.shape_cast %get3A_360 : vector<16xi32> to vector<16xi32>
      %swap3A_362 = arith.constant 48 : index
      %swap3A_363 = tpu.vector_load %arg27[%swap3A_362] {strides = array<i32>} : memref<128xi32, #tpu.memory_space<vmem>>, vector<16xi32>,
      %swap3A_364 = vector.shape_cast %swap3A_363 : vector<16xi32> to vector<16xi32>
      %swap3A_365 = vector.shape_cast %get3A_361 : vector<16xi32> to vector<16xi32>
      tpu.vector_store %arg27[%swap3A_362], %swap3A_365 {strides = array<i32>} : memref<128xi32, #tpu.memory_space<vmem>>, vector<16xi32>,
      %get3A_366 = arith.constant 64 : index
      %get3A_367 = tpu.vector_load %arg21[%get3A_366] {strides = array<i32>} : memref<128xi32, #tpu.memory_space<vmem>>, vector<16xi32>,
      %get3A_368 = vector.shape_cast %get3A_367 : vector<16xi32> to vector<16xi32>
      %swap3A_369 = arith.constant 64 : index
      %swap3A_370 = tpu.vector_load %arg27[%swap3A_369] {strides = array<i32>} : memref<128xi32, #tpu.memory_space<vmem>>, vector<16xi32>,
      %swap3A_371 = vector.shape_cast %swap3A_370 : vector<16xi32> to vector<16xi32>
      %swap3A_372 = vector.shape_cast %get3A_368 : vector<16xi32> to vector<16xi32>
      tpu.vector_store %arg27[%swap3A_369], %swap3A_372 {strides = array<i32>} : memref<128xi32, #tpu.memory_space<vmem>>, vector<16xi32>,
      %get3A_373 = arith.constant 80 : index
      %get3A_374 = tpu.vector_load %arg21[%get3A_373] {strides = array<i32>} : memref<128xi32, #tpu.memory_space<vmem>>, vector<16xi32>,
      %get3A_375 = vector.shape_cast %get3A_374 : vector<16xi32> to vector<16xi32>
      %swap3A_376 = arith.constant 80 : index
      %swap3A_377 = tpu.vector_load %arg27[%swap3A_376] {strides = array<i32>} : memref<128xi32, #tpu.memory_space<vmem>>, vector<16xi32>,
      %swap3A_378 = vector.shape_cast %swap3A_377 : vector<16xi32> to vector<16xi32>
      %swap3A_379 = vector.shape_cast %get3A_375 : vector<16xi32> to vector<16xi32>
      tpu.vector_store %arg27[%swap3A_376], %swap3A_379 {strides = array<i32>} : memref<128xi32, #tpu.memory_space<vmem>>, vector<16xi32>,
      %get3A_380 = arith.constant 96 : index
      %get3A_381 = tpu.vector_load %arg21[%get3A_380] {strides = array<i32>} : memref<128xi32, #tpu.memory_space<vmem>>, vector<16xi32>,
      %get3A_382 = vector.shape_cast %get3A_381 : vector<16xi32> to vector<16xi32>
      %swap3A_383 = arith.constant 96 : index
      %swap3A_384 = tpu.vector_load %arg27[%swap3A_383] {strides = array<i32>} : memref<128xi32, #tpu.memory_space<vmem>>, vector<16xi32>,
      %swap3A_385 = vector.shape_cast %swap3A_384 : vector<16xi32> to vector<16xi32>
      %swap3A_386 = vector.shape_cast %get3A_382 : vector<16xi32> to vector<16xi32>
      tpu.vector_store %arg27[%swap3A_383], %swap3A_386 {strides = array<i32>} : memref<128xi32, #tpu.memory_space<vmem>>, vector<16xi32>,
      %get3A_387 = arith.constant 112 : index
      %get3A_388 = tpu.vector_load %arg21[%get3A_387] {strides = array<i32>} : memref<128xi32, #tpu.memory_space<vmem>>, vector<16xi32>,
      %get3A_389 = vector.shape_cast %get3A_388 : vector<16xi32> to vector<16xi32>
      %swap3A_390 = arith.constant 112 : index
      %swap3A_391 = tpu.vector_load %arg27[%swap3A_390] {strides = array<i32>} : memref<128xi32, #tpu.memory_space<vmem>>, vector<16xi32>,
      %swap3A_392 = vector.shape_cast %swap3A_391 : vector<16xi32> to vector<16xi32>
      %swap3A_393 = vector.shape_cast %get3A_389 : vector<16xi32> to vector<16xi32>
      tpu.vector_store %arg27[%swap3A_390], %swap3A_393 {strides = array<i32>} : memref<128xi32, #tpu.memory_space<vmem>>, vector<16xi32>,
      %dma_start3A_394 = arith.constant 0 : i32
      %dma_start3A_395 = arith.constant 0 : i32
      %dma_start3A_396 = tpu.memref_slice %arg6[%dma_start3A_394, %dma_start3A_395] : memref<10000x64xf32, #tpu.memory_space<vmem_shared>> -> memref<10000x64xf32, #tpu.memory_space<vmem_shared>>
      tpu.enqueue_indirect_dma source(%arg9 : memref<128x64xf32, #tpu.memory_space<vmem>>) target(%dma_start3A_396 : memref<10000x64xf32, #tpu.memory_space<vmem_shared>>) offsets(%arg27 : memref<128xi32, #tpu.memory_space<vmem>>) semaphore(%arg45 : memref<!tpu.dma_semaphore, #tpu.memory_space<semaphore_mem>>) {add = true}
      %add3A_397 = arith.constant 6 : i32
      %add3A_398 = arith.addi %add3A_328, %add3A_397 : i32
      %lt3A_399 = arith.cmpi slt, %add3A_398, %add3A_4 : i32
      %convert_element_type3A_400 = arith.extui %lt3A_399 : i1 to i32
      %cond3A_401 = arith.constant 0 : i32
      %cond3A_402 = arith.cmpi ne, %convert_element_type3A_400, %cond3A_401 : i32
      scf.if %cond3A_402 {
        %add3A_638 = arith.constant 6 : i32
        %add3A_639 = arith.addi %add3A_328, %add3A_638 : i32
        %mul3A_640 = arith.constant 32 : i32
        %mul3A_641 = arith.muli %add3A_639, %mul3A_640 : i32
        %add3A_642 = arith.addi %add3A, %mul3A_641 : i32
        %mul3A_643 = arith.constant 128 : i32
        %mul3A_644 = arith.muli %add3A_642, %mul3A_643 : i32
        %dma_start3A_645 = tpu.memref_slice %arg3[%mul3A_644] : memref<320000xi32, #tpu.memory_space<hbm>> -> memref<128xi32, #tpu.memory_space<hbm>>
        %dma_start3A_646 = tpu.memref_slice %arg3[%mul3A_644] : memref<320000xi32, #tpu.memory_space<hbm>> -> memref<128xi32, #tpu.memory_space<hbm>>
        tpu.enqueue_dma source(%dma_start3A_646 : memref<128xi32, #tpu.memory_space<hbm>>) target(%arg15 : memref<128xi32, #tpu.memory_space<vmem>>) target_semaphore(%arg33 : memref<!tpu.dma_semaphore, #tpu.memory_space<semaphore_mem>>)
        %dma_start3A_647 = tpu.memref_slice %arg4[%mul3A_644] : memref<320000xi32, #tpu.memory_space<hbm>> -> memref<128xi32, #tpu.memory_space<hbm>>
        %dma_start3A_648 = tpu.memref_slice %arg4[%mul3A_644] : memref<320000xi32, #tpu.memory_space<hbm>> -> memref<128xi32, #tpu.memory_space<hbm>>
        tpu.enqueue_dma source(%dma_start3A_648 : memref<128xi32, #tpu.memory_space<hbm>>) target(%arg21 : memref<128xi32, #tpu.memory_space<vmem>>) target_semaphore(%arg33 : memref<!tpu.dma_semaphore, #tpu.memory_space<semaphore_mem>>)
      } else {
      }
      %mul3A_403 = arith.constant 6 : i32
      %mul3A_404 = arith.muli %scan3A_169, %mul3A_403 : i32
      %add3A_405 = arith.constant 3 : i32
      %add3A_406 = arith.addi %mul3A_404, %add3A_405 : i32
      %add3A_407 = arith.constant 1 : i32
      %add3A_408 = arith.addi %add3A_406, %add3A_407 : i32
      %lt3A_409 = arith.cmpi slt, %add3A_408, %add3A_4 : i32
      %convert_element_type3A_410 = arith.extui %lt3A_409 : i1 to i32
      %cond3A_411 = arith.constant 0 : i32
      %cond3A_412 = arith.cmpi ne, %convert_element_type3A_410, %cond3A_411 : i32
      scf.if %cond3A_412 {
        %add3A_638 = arith.constant 1 : i32
        %add3A_639 = arith.addi %add3A_406, %add3A_638 : i32
        %mul3A_640 = arith.constant 32 : i32
        %mul3A_641 = arith.muli %add3A_639, %mul3A_640 : i32
        %add3A_642 = arith.addi %add3A, %mul3A_641 : i32
        %mul3A_643 = arith.constant 128 : i32
        %mul3A_644 = arith.muli %add3A_642, %mul3A_643 : i32
        %dma_wait3A_645 = tpu.memref_slice %arg3[%mul3A_644] : memref<320000xi32, #tpu.memory_space<hbm>> -> memref<128xi32, #tpu.memory_space<hbm>>
        %dma_wait3A_646 = tpu.memref_slice %arg3[%mul3A_644] : memref<320000xi32, #tpu.memory_space<hbm>> -> memref<128xi32, #tpu.memory_space<hbm>>
        tpu.wait_dma2 semaphore(%arg35 : memref<!tpu.dma_semaphore, #tpu.memory_space<semaphore_mem>>) src(%dma_wait3A_646 : memref<128xi32, #tpu.memory_space<hbm>>) dst(%arg17 : memref<128xi32, #tpu.memory_space<vmem>>)
        %dma_wait3A_647 = tpu.memref_slice %arg4[%mul3A_644] : memref<320000xi32, #tpu.memory_space<hbm>> -> memref<128xi32, #tpu.memory_space<hbm>>
        %dma_wait3A_648 = tpu.memref_slice %arg4[%mul3A_644] : memref<320000xi32, #tpu.memory_space<hbm>> -> memref<128xi32, #tpu.memory_space<hbm>>
        tpu.wait_dma2 semaphore(%arg35 : memref<!tpu.dma_semaphore, #tpu.memory_space<semaphore_mem>>) src(%dma_wait3A_648 : memref<128xi32, #tpu.memory_space<hbm>>) dst(%arg23 : memref<128xi32, #tpu.memory_space<vmem>>)
        %add3A_649 = arith.constant 1 : i32
        %add3A_650 = arith.addi %add3A_406, %add3A_649 : i32
        %ge3A = arith.constant 6 : i32
        %ge3A_651 = arith.cmpi sge, %add3A_650, %ge3A : i32
        %convert_element_type3A_652 = arith.extui %ge3A_651 : i1 to i32
        %cond3A_653 = arith.constant 0 : i32
        %cond3A_654 = arith.cmpi ne, %convert_element_type3A_652, %cond3A_653 : i32
        scf.if %cond3A_654 {
          %dma_wait3A_658 = arith.constant 0 : i32
          %dma_wait3A_659 = arith.constant 0 : i32
          %dma_wait3A_660 = tpu.memref_slice %arg6[%dma_wait3A_658, %dma_wait3A_659] : memref<10000x64xf32, #tpu.memory_space<vmem_shared>> -> memref<10000x64xf32, #tpu.memory_space<vmem_shared>>
          tpu.wait_indirect_dma semaphore(%arg47 : memref<!tpu.dma_semaphore, #tpu.memory_space<semaphore_mem>>) src(%arg11 : memref<128x64xf32, #tpu.memory_space<vmem>>) dst(%dma_wait3A_660 : memref<10000x64xf32, #tpu.memory_space<vmem_shared>>)
        } else {
        }
        %dma_start3A_655 = arith.constant 0 : i32
        %dma_start3A_656 = arith.constant 0 : i32
        %dma_start3A_657 = tpu.memref_slice %arg2[%dma_start3A_655, %dma_start3A_656] : memref<10000x64xf32, #tpu.memory_space<hbm>> -> memref<10000x64xf32, #tpu.memory_space<hbm>>
        tpu.enqueue_indirect_dma source(%dma_start3A_657 : memref<10000x64xf32, #tpu.memory_space<hbm>>) target(%arg11 : memref<128x64xf32, #tpu.memory_space<vmem>>) offsets(%arg17 : memref<128xi32, #tpu.memory_space<vmem>>) semaphore(%arg41 : memref<!tpu.dma_semaphore, #tpu.memory_space<semaphore_mem>>)
      } else {
      }
      %dma_wait3A_413 = arith.constant 0 : i32
      %dma_wait3A_414 = arith.constant 0 : i32
      %dma_wait3A_415 = tpu.memref_slice %arg2[%dma_wait3A_413, %dma_wait3A_414] : memref<10000x64xf32, #tpu.memory_space<hbm>> -> memref<10000x64xf32, #tpu.memory_space<hbm>>
      tpu.wait_indirect_dma semaphore(%arg40 : memref<!tpu.dma_semaphore, #tpu.memory_space<semaphore_mem>>) src(%dma_wait3A_415 : memref<10000x64xf32, #tpu.memory_space<hbm>>) dst(%arg10 : memref<128x64xf32, #tpu.memory_space<vmem>>)
      %get3A_416 = arith.constant 0 : index
      %get3A_417 = tpu.vector_load %arg22[%get3A_416] {strides = array<i32>} : memref<128xi32, #tpu.memory_space<vmem>>, vector<16xi32>,
      %get3A_418 = vector.shape_cast %get3A_417 : vector<16xi32> to vector<16xi32>
      %swap3A_419 = arith.constant 0 : index
      %swap3A_420 = tpu.vector_load %arg28[%swap3A_419] {strides = array<i32>} : memref<128xi32, #tpu.memory_space<vmem>>, vector<16xi32>,
      %swap3A_421 = vector.shape_cast %swap3A_420 : vector<16xi32> to vector<16xi32>
      %swap3A_422 = vector.shape_cast %get3A_418 : vector<16xi32> to vector<16xi32>
      tpu.vector_store %arg28[%swap3A_419], %swap3A_422 {strides = array<i32>} : memref<128xi32, #tpu.memory_space<vmem>>, vector<16xi32>,
      %get3A_423 = arith.constant 16 : index
      %get3A_424 = tpu.vector_load %arg22[%get3A_423] {strides = array<i32>} : memref<128xi32, #tpu.memory_space<vmem>>, vector<16xi32>,
      %get3A_425 = vector.shape_cast %get3A_424 : vector<16xi32> to vector<16xi32>
      %swap3A_426 = arith.constant 16 : index
      %swap3A_427 = tpu.vector_load %arg28[%swap3A_426] {strides = array<i32>} : memref<128xi32, #tpu.memory_space<vmem>>, vector<16xi32>,
      %swap3A_428 = vector.shape_cast %swap3A_427 : vector<16xi32> to vector<16xi32>
      %swap3A_429 = vector.shape_cast %get3A_425 : vector<16xi32> to vector<16xi32>
      tpu.vector_store %arg28[%swap3A_426], %swap3A_429 {strides = array<i32>} : memref<128xi32, #tpu.memory_space<vmem>>, vector<16xi32>,
      %get3A_430 = arith.constant 32 : index
      %get3A_431 = tpu.vector_load %arg22[%get3A_430] {strides = array<i32>} : memref<128xi32, #tpu.memory_space<vmem>>, vector<16xi32>,
      %get3A_432 = vector.shape_cast %get3A_431 : vector<16xi32> to vector<16xi32>
      %swap3A_433 = arith.constant 32 : index
      %swap3A_434 = tpu.vector_load %arg28[%swap3A_433] {strides = array<i32>} : memref<128xi32, #tpu.memory_space<vmem>>, vector<16xi32>,
      %swap3A_435 = vector.shape_cast %swap3A_434 : vector<16xi32> to vector<16xi32>
      %swap3A_436 = vector.shape_cast %get3A_432 : vector<16xi32> to vector<16xi32>
      tpu.vector_store %arg28[%swap3A_433], %swap3A_436 {strides = array<i32>} : memref<128xi32, #tpu.memory_space<vmem>>, vector<16xi32>,
      %get3A_437 = arith.constant 48 : index
      %get3A_438 = tpu.vector_load %arg22[%get3A_437] {strides = array<i32>} : memref<128xi32, #tpu.memory_space<vmem>>, vector<16xi32>,
      %get3A_439 = vector.shape_cast %get3A_438 : vector<16xi32> to vector<16xi32>
      %swap3A_440 = arith.constant 48 : index
      %swap3A_441 = tpu.vector_load %arg28[%swap3A_440] {strides = array<i32>} : memref<128xi32, #tpu.memory_space<vmem>>, vector<16xi32>,
      %swap3A_442 = vector.shape_cast %swap3A_441 : vector<16xi32> to vector<16xi32>
      %swap3A_443 = vector.shape_cast %get3A_439 : vector<16xi32> to vector<16xi32>
      tpu.vector_store %arg28[%swap3A_440], %swap3A_443 {strides = array<i32>} : memref<128xi32, #tpu.memory_space<vmem>>, vector<16xi32>,
      %get3A_444 = arith.constant 64 : index
      %get3A_445 = tpu.vector_load %arg22[%get3A_444] {strides = array<i32>} : memref<128xi32, #tpu.memory_space<vmem>>, vector<16xi32>,
      %get3A_446 = vector.shape_cast %get3A_445 : vector<16xi32> to vector<16xi32>
      %swap3A_447 = arith.constant 64 : index
      %swap3A_448 = tpu.vector_load %arg28[%swap3A_447] {strides = array<i32>} : memref<128xi32, #tpu.memory_space<vmem>>, vector<16xi32>,
      %swap3A_449 = vector.shape_cast %swap3A_448 : vector<16xi32> to vector<16xi32>
      %swap3A_450 = vector.shape_cast %get3A_446 : vector<16xi32> to vector<16xi32>
      tpu.vector_store %arg28[%swap3A_447], %swap3A_450 {strides = array<i32>} : memref<128xi32, #tpu.memory_space<vmem>>, vector<16xi32>,
      %get3A_451 = arith.constant 80 : index
      %get3A_452 = tpu.vector_load %arg22[%get3A_451] {strides = array<i32>} : memref<128xi32, #tpu.memory_space<vmem>>, vector<16xi32>,
      %get3A_453 = vector.shape_cast %get3A_452 : vector<16xi32> to vector<16xi32>
      %swap3A_454 = arith.constant 80 : index
      %swap3A_455 = tpu.vector_load %arg28[%swap3A_454] {strides = array<i32>} : memref<128xi32, #tpu.memory_space<vmem>>, vector<16xi32>,
      %swap3A_456 = vector.shape_cast %swap3A_455 : vector<16xi32> to vector<16xi32>
      %swap3A_457 = vector.shape_cast %get3A_453 : vector<16xi32> to vector<16xi32>
      tpu.vector_store %arg28[%swap3A_454], %swap3A_457 {strides = array<i32>} : memref<128xi32, #tpu.memory_space<vmem>>, vector<16xi32>,
      %get3A_458 = arith.constant 96 : index
      %get3A_459 = tpu.vector_load %arg22[%get3A_458] {strides = array<i32>} : memref<128xi32, #tpu.memory_space<vmem>>, vector<16xi32>,
      %get3A_460 = vector.shape_cast %get3A_459 : vector<16xi32> to vector<16xi32>
      %swap3A_461 = arith.constant 96 : index
      %swap3A_462 = tpu.vector_load %arg28[%swap3A_461] {strides = array<i32>} : memref<128xi32, #tpu.memory_space<vmem>>, vector<16xi32>,
      %swap3A_463 = vector.shape_cast %swap3A_462 : vector<16xi32> to vector<16xi32>
      %swap3A_464 = vector.shape_cast %get3A_460 : vector<16xi32> to vector<16xi32>
      tpu.vector_store %arg28[%swap3A_461], %swap3A_464 {strides = array<i32>} : memref<128xi32, #tpu.memory_space<vmem>>, vector<16xi32>,
      %get3A_465 = arith.constant 112 : index
      %get3A_466 = tpu.vector_load %arg22[%get3A_465] {strides = array<i32>} : memref<128xi32, #tpu.memory_space<vmem>>, vector<16xi32>,
      %get3A_467 = vector.shape_cast %get3A_466 : vector<16xi32> to vector<16xi32>
      %swap3A_468 = arith.constant 112 : index
      %swap3A_469 = tpu.vector_load %arg28[%swap3A_468] {strides = array<i32>} : memref<128xi32, #tpu.memory_space<vmem>>, vector<16xi32>,
      %swap3A_470 = vector.shape_cast %swap3A_469 : vector<16xi32> to vector<16xi32>
      %swap3A_471 = vector.shape_cast %get3A_467 : vector<16xi32> to vector<16xi32>
      tpu.vector_store %arg28[%swap3A_468], %swap3A_471 {strides = array<i32>} : memref<128xi32, #tpu.memory_space<vmem>>, vector<16xi32>,
      %dma_start3A_472 = arith.constant 0 : i32
      %dma_start3A_473 = arith.constant 0 : i32
      %dma_start3A_474 = tpu.memref_slice %arg6[%dma_start3A_472, %dma_start3A_473] : memref<10000x64xf32, #tpu.memory_space<vmem_shared>> -> memref<10000x64xf32, #tpu.memory_space<vmem_shared>>
      tpu.enqueue_indirect_dma source(%arg10 : memref<128x64xf32, #tpu.memory_space<vmem>>) target(%dma_start3A_474 : memref<10000x64xf32, #tpu.memory_space<vmem_shared>>) offsets(%arg28 : memref<128xi32, #tpu.memory_space<vmem>>) semaphore(%arg46 : memref<!tpu.dma_semaphore, #tpu.memory_space<semaphore_mem>>) {add = true}
      %add3A_475 = arith.constant 6 : i32
      %add3A_476 = arith.addi %add3A_406, %add3A_475 : i32
      %lt3A_477 = arith.cmpi slt, %add3A_476, %add3A_4 : i32
      %convert_element_type3A_478 = arith.extui %lt3A_477 : i1 to i32
      %cond3A_479 = arith.constant 0 : i32
      %cond3A_480 = arith.cmpi ne, %convert_element_type3A_478, %cond3A_479 : i32
      scf.if %cond3A_480 {
        %add3A_638 = arith.constant 6 : i32
        %add3A_639 = arith.addi %add3A_406, %add3A_638 : i32
        %mul3A_640 = arith.constant 32 : i32
        %mul3A_641 = arith.muli %add3A_639, %mul3A_640 : i32
        %add3A_642 = arith.addi %add3A, %mul3A_641 : i32
        %mul3A_643 = arith.constant 128 : i32
        %mul3A_644 = arith.muli %add3A_642, %mul3A_643 : i32
        %dma_start3A_645 = tpu.memref_slice %arg3[%mul3A_644] : memref<320000xi32, #tpu.memory_space<hbm>> -> memref<128xi32, #tpu.memory_space<hbm>>
        %dma_start3A_646 = tpu.memref_slice %arg3[%mul3A_644] : memref<320000xi32, #tpu.memory_space<hbm>> -> memref<128xi32, #tpu.memory_space<hbm>>
        tpu.enqueue_dma source(%dma_start3A_646 : memref<128xi32, #tpu.memory_space<hbm>>) target(%arg16 : memref<128xi32, #tpu.memory_space<vmem>>) target_semaphore(%arg34 : memref<!tpu.dma_semaphore, #tpu.memory_space<semaphore_mem>>)
        %dma_start3A_647 = tpu.memref_slice %arg4[%mul3A_644] : memref<320000xi32, #tpu.memory_space<hbm>> -> memref<128xi32, #tpu.memory_space<hbm>>
        %dma_start3A_648 = tpu.memref_slice %arg4[%mul3A_644] : memref<320000xi32, #tpu.memory_space<hbm>> -> memref<128xi32, #tpu.memory_space<hbm>>
        tpu.enqueue_dma source(%dma_start3A_648 : memref<128xi32, #tpu.memory_space<hbm>>) target(%arg22 : memref<128xi32, #tpu.memory_space<vmem>>) target_semaphore(%arg34 : memref<!tpu.dma_semaphore, #tpu.memory_space<semaphore_mem>>)
      } else {
      }
      %mul3A_481 = arith.constant 6 : i32
      %mul3A_482 = arith.muli %scan3A_169, %mul3A_481 : i32
      %add3A_483 = arith.constant 4 : i32
      %add3A_484 = arith.addi %mul3A_482, %add3A_483 : i32
      %add3A_485 = arith.constant 1 : i32
      %add3A_486 = arith.addi %add3A_484, %add3A_485 : i32
      %lt3A_487 = arith.cmpi slt, %add3A_486, %add3A_4 : i32
      %convert_element_type3A_488 = arith.extui %lt3A_487 : i1 to i32
      %cond3A_489 = arith.constant 0 : i32
      %cond3A_490 = arith.cmpi ne, %convert_element_type3A_488, %cond3A_489 : i32
      scf.if %cond3A_490 {
        %add3A_638 = arith.constant 1 : i32
        %add3A_639 = arith.addi %add3A_484, %add3A_638 : i32
        %mul3A_640 = arith.constant 32 : i32
        %mul3A_641 = arith.muli %add3A_639, %mul3A_640 : i32
        %add3A_642 = arith.addi %add3A, %mul3A_641 : i32
        %mul3A_643 = arith.constant 128 : i32
        %mul3A_644 = arith.muli %add3A_642, %mul3A_643 : i32
        %dma_wait3A_645 = tpu.memref_slice %arg3[%mul3A_644] : memref<320000xi32, #tpu.memory_space<hbm>> -> memref<128xi32, #tpu.memory_space<hbm>>
        %dma_wait3A_646 = tpu.memref_slice %arg3[%mul3A_644] : memref<320000xi32, #tpu.memory_space<hbm>> -> memref<128xi32, #tpu.memory_space<hbm>>
        tpu.wait_dma2 semaphore(%arg36 : memref<!tpu.dma_semaphore, #tpu.memory_space<semaphore_mem>>) src(%dma_wait3A_646 : memref<128xi32, #tpu.memory_space<hbm>>) dst(%arg18 : memref<128xi32, #tpu.memory_space<vmem>>)
        %dma_wait3A_647 = tpu.memref_slice %arg4[%mul3A_644] : memref<320000xi32, #tpu.memory_space<hbm>> -> memref<128xi32, #tpu.memory_space<hbm>>
        %dma_wait3A_648 = tpu.memref_slice %arg4[%mul3A_644] : memref<320000xi32, #tpu.memory_space<hbm>> -> memref<128xi32, #tpu.memory_space<hbm>>
        tpu.wait_dma2 semaphore(%arg36 : memref<!tpu.dma_semaphore, #tpu.memory_space<semaphore_mem>>) src(%dma_wait3A_648 : memref<128xi32, #tpu.memory_space<hbm>>) dst(%arg24 : memref<128xi32, #tpu.memory_space<vmem>>)
        %add3A_649 = arith.constant 1 : i32
        %add3A_650 = arith.addi %add3A_484, %add3A_649 : i32
        %ge3A = arith.constant 6 : i32
        %ge3A_651 = arith.cmpi sge, %add3A_650, %ge3A : i32
        %convert_element_type3A_652 = arith.extui %ge3A_651 : i1 to i32
        %cond3A_653 = arith.constant 0 : i32
        %cond3A_654 = arith.cmpi ne, %convert_element_type3A_652, %cond3A_653 : i32
        scf.if %cond3A_654 {
          %dma_wait3A_658 = arith.constant 0 : i32
          %dma_wait3A_659 = arith.constant 0 : i32
          %dma_wait3A_660 = tpu.memref_slice %arg6[%dma_wait3A_658, %dma_wait3A_659] : memref<10000x64xf32, #tpu.memory_space<vmem_shared>> -> memref<10000x64xf32, #tpu.memory_space<vmem_shared>>
          tpu.wait_indirect_dma semaphore(%arg48 : memref<!tpu.dma_semaphore, #tpu.memory_space<semaphore_mem>>) src(%arg12 : memref<128x64xf32, #tpu.memory_space<vmem>>) dst(%dma_wait3A_660 : memref<10000x64xf32, #tpu.memory_space<vmem_shared>>)
        } else {
        }
        %dma_start3A_655 = arith.constant 0 : i32
        %dma_start3A_656 = arith.constant 0 : i32
        %dma_start3A_657 = tpu.memref_slice %arg2[%dma_start3A_655, %dma_start3A_656] : memref<10000x64xf32, #tpu.memory_space<hbm>> -> memref<10000x64xf32, #tpu.memory_space<hbm>>
        tpu.enqueue_indirect_dma source(%dma_start3A_657 : memref<10000x64xf32, #tpu.memory_space<hbm>>) target(%arg12 : memref<128x64xf32, #tpu.memory_space<vmem>>) offsets(%arg18 : memref<128xi32, #tpu.memory_space<vmem>>) semaphore(%arg42 : memref<!tpu.dma_semaphore, #tpu.memory_space<semaphore_mem>>)
      } else {
      }
      %dma_wait3A_491 = arith.constant 0 : i32
      %dma_wait3A_492 = arith.constant 0 : i32
      %dma_wait3A_493 = tpu.memref_slice %arg2[%dma_wait3A_491, %dma_wait3A_492] : memref<10000x64xf32, #tpu.memory_space<hbm>> -> memref<10000x64xf32, #tpu.memory_space<hbm>>
      tpu.wait_indirect_dma semaphore(%arg41 : memref<!tpu.dma_semaphore, #tpu.memory_space<semaphore_mem>>) src(%dma_wait3A_493 : memref<10000x64xf32, #tpu.memory_space<hbm>>) dst(%arg11 : memref<128x64xf32, #tpu.memory_space<vmem>>)
      %get3A_494 = arith.constant 0 : index
      %get3A_495 = tpu.vector_load %arg23[%get3A_494] {strides = array<i32>} : memref<128xi32, #tpu.memory_space<vmem>>, vector<16xi32>,
      %get3A_496 = vector.shape_cast %get3A_495 : vector<16xi32> to vector<16xi32>
      %swap3A_497 = arith.constant 0 : index
      %swap3A_498 = tpu.vector_load %arg29[%swap3A_497] {strides = array<i32>} : memref<128xi32, #tpu.memory_space<vmem>>, vector<16xi32>,
      %swap3A_499 = vector.shape_cast %swap3A_498 : vector<16xi32> to vector<16xi32>
      %swap3A_500 = vector.shape_cast %get3A_496 : vector<16xi32> to vector<16xi32>
      tpu.vector_store %arg29[%swap3A_497], %swap3A_500 {strides = array<i32>} : memref<128xi32, #tpu.memory_space<vmem>>, vector<16xi32>,
      %get3A_501 = arith.constant 16 : index
      %get3A_502 = tpu.vector_load %arg23[%get3A_501] {strides = array<i32>} : memref<128xi32, #tpu.memory_space<vmem>>, vector<16xi32>,
      %get3A_503 = vector.shape_cast %get3A_502 : vector<16xi32> to vector<16xi32>
      %swap3A_504 = arith.constant 16 : index
      %swap3A_505 = tpu.vector_load %arg29[%swap3A_504] {strides = array<i32>} : memref<128xi32, #tpu.memory_space<vmem>>, vector<16xi32>,
      %swap3A_506 = vector.shape_cast %swap3A_505 : vector<16xi32> to vector<16xi32>
      %swap3A_507 = vector.shape_cast %get3A_503 : vector<16xi32> to vector<16xi32>
      tpu.vector_store %arg29[%swap3A_504], %swap3A_507 {strides = array<i32>} : memref<128xi32, #tpu.memory_space<vmem>>, vector<16xi32>,
      %get3A_508 = arith.constant 32 : index
      %get3A_509 = tpu.vector_load %arg23[%get3A_508] {strides = array<i32>} : memref<128xi32, #tpu.memory_space<vmem>>, vector<16xi32>,
      %get3A_510 = vector.shape_cast %get3A_509 : vector<16xi32> to vector<16xi32>
      %swap3A_511 = arith.constant 32 : index
      %swap3A_512 = tpu.vector_load %arg29[%swap3A_511] {strides = array<i32>} : memref<128xi32, #tpu.memory_space<vmem>>, vector<16xi32>,
      %swap3A_513 = vector.shape_cast %swap3A_512 : vector<16xi32> to vector<16xi32>
      %swap3A_514 = vector.shape_cast %get3A_510 : vector<16xi32> to vector<16xi32>
      tpu.vector_store %arg29[%swap3A_511], %swap3A_514 {strides = array<i32>} : memref<128xi32, #tpu.memory_space<vmem>>, vector<16xi32>,
      %get3A_515 = arith.constant 48 : index
      %get3A_516 = tpu.vector_load %arg23[%get3A_515] {strides = array<i32>} : memref<128xi32, #tpu.memory_space<vmem>>, vector<16xi32>,
      %get3A_517 = vector.shape_cast %get3A_516 : vector<16xi32> to vector<16xi32>
      %swap3A_518 = arith.constant 48 : index
      %swap3A_519 = tpu.vector_load %arg29[%swap3A_518] {strides = array<i32>} : memref<128xi32, #tpu.memory_space<vmem>>, vector<16xi32>,
      %swap3A_520 = vector.shape_cast %swap3A_519 : vector<16xi32> to vector<16xi32>
      %swap3A_521 = vector.shape_cast %get3A_517 : vector<16xi32> to vector<16xi32>
      tpu.vector_store %arg29[%swap3A_518], %swap3A_521 {strides = array<i32>} : memref<128xi32, #tpu.memory_space<vmem>>, vector<16xi32>,
      %get3A_522 = arith.constant 64 : index
      %get3A_523 = tpu.vector_load %arg23[%get3A_522] {strides = array<i32>} : memref<128xi32, #tpu.memory_space<vmem>>, vector<16xi32>,
      %get3A_524 = vector.shape_cast %get3A_523 : vector<16xi32> to vector<16xi32>
      %swap3A_525 = arith.constant 64 : index
      %swap3A_526 = tpu.vector_load %arg29[%swap3A_525] {strides = array<i32>} : memref<128xi32, #tpu.memory_space<vmem>>, vector<16xi32>,
      %swap3A_527 = vector.shape_cast %swap3A_526 : vector<16xi32> to vector<16xi32>
      %swap3A_528 = vector.shape_cast %get3A_524 : vector<16xi32> to vector<16xi32>
      tpu.vector_store %arg29[%swap3A_525], %swap3A_528 {strides = array<i32>} : memref<128xi32, #tpu.memory_space<vmem>>, vector<16xi32>,
      %get3A_529 = arith.constant 80 : index
      %get3A_530 = tpu.vector_load %arg23[%get3A_529] {strides = array<i32>} : memref<128xi32, #tpu.memory_space<vmem>>, vector<16xi32>,
      %get3A_531 = vector.shape_cast %get3A_530 : vector<16xi32> to vector<16xi32>
      %swap3A_532 = arith.constant 80 : index
      %swap3A_533 = tpu.vector_load %arg29[%swap3A_532] {strides = array<i32>} : memref<128xi32, #tpu.memory_space<vmem>>, vector<16xi32>,
      %swap3A_534 = vector.shape_cast %swap3A_533 : vector<16xi32> to vector<16xi32>
      %swap3A_535 = vector.shape_cast %get3A_531 : vector<16xi32> to vector<16xi32>
      tpu.vector_store %arg29[%swap3A_532], %swap3A_535 {strides = array<i32>} : memref<128xi32, #tpu.memory_space<vmem>>, vector<16xi32>,
      %get3A_536 = arith.constant 96 : index
      %get3A_537 = tpu.vector_load %arg23[%get3A_536] {strides = array<i32>} : memref<128xi32, #tpu.memory_space<vmem>>, vector<16xi32>,
      %get3A_538 = vector.shape_cast %get3A_537 : vector<16xi32> to vector<16xi32>
      %swap3A_539 = arith.constant 96 : index
      %swap3A_540 = tpu.vector_load %arg29[%swap3A_539] {strides = array<i32>} : memref<128xi32, #tpu.memory_space<vmem>>, vector<16xi32>,
      %swap3A_541 = vector.shape_cast %swap3A_540 : vector<16xi32> to vector<16xi32>
      %swap3A_542 = vector.shape_cast %get3A_538 : vector<16xi32> to vector<16xi32>
      tpu.vector_store %arg29[%swap3A_539], %swap3A_542 {strides = array<i32>} : memref<128xi32, #tpu.memory_space<vmem>>, vector<16xi32>,
      %get3A_543 = arith.constant 112 : index
      %get3A_544 = tpu.vector_load %arg23[%get3A_543] {strides = array<i32>} : memref<128xi32, #tpu.memory_space<vmem>>, vector<16xi32>,
      %get3A_545 = vector.shape_cast %get3A_544 : vector<16xi32> to vector<16xi32>
      %swap3A_546 = arith.constant 112 : index
      %swap3A_547 = tpu.vector_load %arg29[%swap3A_546] {strides = array<i32>} : memref<128xi32, #tpu.memory_space<vmem>>, vector<16xi32>,
      %swap3A_548 = vector.shape_cast %swap3A_547 : vector<16xi32> to vector<16xi32>
      %swap3A_549 = vector.shape_cast %get3A_545 : vector<16xi32> to vector<16xi32>
      tpu.vector_store %arg29[%swap3A_546], %swap3A_549 {strides = array<i32>} : memref<128xi32, #tpu.memory_space<vmem>>, vector<16xi32>,
      %dma_start3A_550 = arith.constant 0 : i32
      %dma_start3A_551 = arith.constant 0 : i32
      %dma_start3A_552 = tpu.memref_slice %arg6[%dma_start3A_550, %dma_start3A_551] : memref<10000x64xf32, #tpu.memory_space<vmem_shared>> -> memref<10000x64xf32, #tpu.memory_space<vmem_shared>>
      tpu.enqueue_indirect_dma source(%arg11 : memref<128x64xf32, #tpu.memory_space<vmem>>) target(%dma_start3A_552 : memref<10000x64xf32, #tpu.memory_space<vmem_shared>>) offsets(%arg29 : memref<128xi32, #tpu.memory_space<vmem>>) semaphore(%arg47 : memref<!tpu.dma_semaphore, #tpu.memory_space<semaphore_mem>>) {add = true}
      %add3A_553 = arith.constant 6 : i32
      %add3A_554 = arith.addi %add3A_484, %add3A_553 : i32
      %lt3A_555 = arith.cmpi slt, %add3A_554, %add3A_4 : i32
      %convert_element_type3A_556 = arith.extui %lt3A_555 : i1 to i32
      %cond3A_557 = arith.constant 0 : i32
      %cond3A_558 = arith.cmpi ne, %convert_element_type3A_556, %cond3A_557 : i32
      scf.if %cond3A_558 {
        %add3A_638 = arith.constant 6 : i32
        %add3A_639 = arith.addi %add3A_484, %add3A_638 : i32
        %mul3A_640 = arith.constant 32 : i32
        %mul3A_641 = arith.muli %add3A_639, %mul3A_640 : i32
        %add3A_642 = arith.addi %add3A, %mul3A_641 : i32
        %mul3A_643 = arith.constant 128 : i32
        %mul3A_644 = arith.muli %add3A_642, %mul3A_643 : i32
        %dma_start3A_645 = tpu.memref_slice %arg3[%mul3A_644] : memref<320000xi32, #tpu.memory_space<hbm>> -> memref<128xi32, #tpu.memory_space<hbm>>
        %dma_start3A_646 = tpu.memref_slice %arg3[%mul3A_644] : memref<320000xi32, #tpu.memory_space<hbm>> -> memref<128xi32, #tpu.memory_space<hbm>>
        tpu.enqueue_dma source(%dma_start3A_646 : memref<128xi32, #tpu.memory_space<hbm>>) target(%arg17 : memref<128xi32, #tpu.memory_space<vmem>>) target_semaphore(%arg35 : memref<!tpu.dma_semaphore, #tpu.memory_space<semaphore_mem>>)
        %dma_start3A_647 = tpu.memref_slice %arg4[%mul3A_644] : memref<320000xi32, #tpu.memory_space<hbm>> -> memref<128xi32, #tpu.memory_space<hbm>>
        %dma_start3A_648 = tpu.memref_slice %arg4[%mul3A_644] : memref<320000xi32, #tpu.memory_space<hbm>> -> memref<128xi32, #tpu.memory_space<hbm>>
        tpu.enqueue_dma source(%dma_start3A_648 : memref<128xi32, #tpu.memory_space<hbm>>) target(%arg23 : memref<128xi32, #tpu.memory_space<vmem>>) target_semaphore(%arg35 : memref<!tpu.dma_semaphore, #tpu.memory_space<semaphore_mem>>)
      } else {
      }
      %mul3A_559 = arith.constant 6 : i32
      %mul3A_560 = arith.muli %scan3A_169, %mul3A_559 : i32
      %add3A_561 = arith.constant 5 : i32
      %add3A_562 = arith.addi %mul3A_560, %add3A_561 : i32
      %add3A_563 = arith.constant 1 : i32
      %add3A_564 = arith.addi %add3A_562, %add3A_563 : i32
      %lt3A_565 = arith.cmpi slt, %add3A_564, %add3A_4 : i32
      %convert_element_type3A_566 = arith.extui %lt3A_565 : i1 to i32
      %cond3A_567 = arith.constant 0 : i32
      %cond3A_568 = arith.cmpi ne, %convert_element_type3A_566, %cond3A_567 : i32
      scf.if %cond3A_568 {
        %add3A_638 = arith.constant 1 : i32
        %add3A_639 = arith.addi %add3A_562, %add3A_638 : i32
        %mul3A_640 = arith.constant 32 : i32
        %mul3A_641 = arith.muli %add3A_639, %mul3A_640 : i32
        %add3A_642 = arith.addi %add3A, %mul3A_641 : i32
        %mul3A_643 = arith.constant 128 : i32
        %mul3A_644 = arith.muli %add3A_642, %mul3A_643 : i32
        %dma_wait3A_645 = tpu.memref_slice %arg3[%mul3A_644] : memref<320000xi32, #tpu.memory_space<hbm>> -> memref<128xi32, #tpu.memory_space<hbm>>
        %dma_wait3A_646 = tpu.memref_slice %arg3[%mul3A_644] : memref<320000xi32, #tpu.memory_space<hbm>> -> memref<128xi32, #tpu.memory_space<hbm>>
        tpu.wait_dma2 semaphore(%arg31 : memref<!tpu.dma_semaphore, #tpu.memory_space<semaphore_mem>>) src(%dma_wait3A_646 : memref<128xi32, #tpu.memory_space<hbm>>) dst(%arg13 : memref<128xi32, #tpu.memory_space<vmem>>)
        %dma_wait3A_647 = tpu.memref_slice %arg4[%mul3A_644] : memref<320000xi32, #tpu.memory_space<hbm>> -> memref<128xi32, #tpu.memory_space<hbm>>
        %dma_wait3A_648 = tpu.memref_slice %arg4[%mul3A_644] : memref<320000xi32, #tpu.memory_space<hbm>> -> memref<128xi32, #tpu.memory_space<hbm>>
        tpu.wait_dma2 semaphore(%arg31 : memref<!tpu.dma_semaphore, #tpu.memory_space<semaphore_mem>>) src(%dma_wait3A_648 : memref<128xi32, #tpu.memory_space<hbm>>) dst(%arg19 : memref<128xi32, #tpu.memory_space<vmem>>)
        %add3A_649 = arith.constant 1 : i32
        %add3A_650 = arith.addi %add3A_562, %add3A_649 : i32
        %ge3A = arith.constant 6 : i32
        %ge3A_651 = arith.cmpi sge, %add3A_650, %ge3A : i32
        %convert_element_type3A_652 = arith.extui %ge3A_651 : i1 to i32
        %cond3A_653 = arith.constant 0 : i32
        %cond3A_654 = arith.cmpi ne, %convert_element_type3A_652, %cond3A_653 : i32
        scf.if %cond3A_654 {
          %dma_wait3A_658 = arith.constant 0 : i32
          %dma_wait3A_659 = arith.constant 0 : i32
          %dma_wait3A_660 = tpu.memref_slice %arg6[%dma_wait3A_658, %dma_wait3A_659] : memref<10000x64xf32, #tpu.memory_space<vmem_shared>> -> memref<10000x64xf32, #tpu.memory_space<vmem_shared>>
          tpu.wait_indirect_dma semaphore(%arg43 : memref<!tpu.dma_semaphore, #tpu.memory_space<semaphore_mem>>) src(%arg7 : memref<128x64xf32, #tpu.memory_space<vmem>>) dst(%dma_wait3A_660 : memref<10000x64xf32, #tpu.memory_space<vmem_shared>>)
        } else {
        }
        %dma_start3A_655 = arith.constant 0 : i32
        %dma_start3A_656 = arith.constant 0 : i32
        %dma_start3A_657 = tpu.memref_slice %arg2[%dma_start3A_655, %dma_start3A_656] : memref<10000x64xf32, #tpu.memory_space<hbm>> -> memref<10000x64xf32, #tpu.memory_space<hbm>>
        tpu.enqueue_indirect_dma source(%dma_start3A_657 : memref<10000x64xf32, #tpu.memory_space<hbm>>) target(%arg7 : memref<128x64xf32, #tpu.memory_space<vmem>>) offsets(%arg13 : memref<128xi32, #tpu.memory_space<vmem>>) semaphore(%arg37 : memref<!tpu.dma_semaphore, #tpu.memory_space<semaphore_mem>>)
      } else {
      }
      %dma_wait3A_569 = arith.constant 0 : i32
      %dma_wait3A_570 = arith.constant 0 : i32
      %dma_wait3A_571 = tpu.memref_slice %arg2[%dma_wait3A_569, %dma_wait3A_570] : memref<10000x64xf32, #tpu.memory_space<hbm>> -> memref<10000x64xf32, #tpu.memory_space<hbm>>
      tpu.wait_indirect_dma semaphore(%arg42 : memref<!tpu.dma_semaphore, #tpu.memory_space<semaphore_mem>>) src(%dma_wait3A_571 : memref<10000x64xf32, #tpu.memory_space<hbm>>) dst(%arg12 : memref<128x64xf32, #tpu.memory_space<vmem>>)
      %get3A_572 = arith.constant 0 : index
      %get3A_573 = tpu.vector_load %arg24[%get3A_572] {strides = array<i32>} : memref<128xi32, #tpu.memory_space<vmem>>, vector<16xi32>,
      %get3A_574 = vector.shape_cast %get3A_573 : vector<16xi32> to vector<16xi32>
      %swap3A_575 = arith.constant 0 : index
      %swap3A_576 = tpu.vector_load %arg30[%swap3A_575] {strides = array<i32>} : memref<128xi32, #tpu.memory_space<vmem>>, vector<16xi32>,
      %swap3A_577 = vector.shape_cast %swap3A_576 : vector<16xi32> to vector<16xi32>
      %swap3A_578 = vector.shape_cast %get3A_574 : vector<16xi32> to vector<16xi32>
      tpu.vector_store %arg30[%swap3A_575], %swap3A_578 {strides = array<i32>} : memref<128xi32, #tpu.memory_space<vmem>>, vector<16xi32>,
      %get3A_579 = arith.constant 16 : index
      %get3A_580 = tpu.vector_load %arg24[%get3A_579] {strides = array<i32>} : memref<128xi32, #tpu.memory_space<vmem>>, vector<16xi32>,
      %get3A_581 = vector.shape_cast %get3A_580 : vector<16xi32> to vector<16xi32>
      %swap3A_582 = arith.constant 16 : index
      %swap3A_583 = tpu.vector_load %arg30[%swap3A_582] {strides = array<i32>} : memref<128xi32, #tpu.memory_space<vmem>>, vector<16xi32>,
      %swap3A_584 = vector.shape_cast %swap3A_583 : vector<16xi32> to vector<16xi32>
      %swap3A_585 = vector.shape_cast %get3A_581 : vector<16xi32> to vector<16xi32>
      tpu.vector_store %arg30[%swap3A_582], %swap3A_585 {strides = array<i32>} : memref<128xi32, #tpu.memory_space<vmem>>, vector<16xi32>,
      %get3A_586 = arith.constant 32 : index
      %get3A_587 = tpu.vector_load %arg24[%get3A_586] {strides = array<i32>} : memref<128xi32, #tpu.memory_space<vmem>>, vector<16xi32>,
      %get3A_588 = vector.shape_cast %get3A_587 : vector<16xi32> to vector<16xi32>
      %swap3A_589 = arith.constant 32 : index
      %swap3A_590 = tpu.vector_load %arg30[%swap3A_589] {strides = array<i32>} : memref<128xi32, #tpu.memory_space<vmem>>, vector<16xi32>,
      %swap3A_591 = vector.shape_cast %swap3A_590 : vector<16xi32> to vector<16xi32>
      %swap3A_592 = vector.shape_cast %get3A_588 : vector<16xi32> to vector<16xi32>
      tpu.vector_store %arg30[%swap3A_589], %swap3A_592 {strides = array<i32>} : memref<128xi32, #tpu.memory_space<vmem>>, vector<16xi32>,
      %get3A_593 = arith.constant 48 : index
      %get3A_594 = tpu.vector_load %arg24[%get3A_593] {strides = array<i32>} : memref<128xi32, #tpu.memory_space<vmem>>, vector<16xi32>,
      %get3A_595 = vector.shape_cast %get3A_594 : vector<16xi32> to vector<16xi32>
      %swap3A_596 = arith.constant 48 : index
      %swap3A_597 = tpu.vector_load %arg30[%swap3A_596] {strides = array<i32>} : memref<128xi32, #tpu.memory_space<vmem>>, vector<16xi32>,
      %swap3A_598 = vector.shape_cast %swap3A_597 : vector<16xi32> to vector<16xi32>
      %swap3A_599 = vector.shape_cast %get3A_595 : vector<16xi32> to vector<16xi32>
      tpu.vector_store %arg30[%swap3A_596], %swap3A_599 {strides = array<i32>} : memref<128xi32, #tpu.memory_space<vmem>>, vector<16xi32>,
      %get3A_600 = arith.constant 64 : index
      %get3A_601 = tpu.vector_load %arg24[%get3A_600] {strides = array<i32>} : memref<128xi32, #tpu.memory_space<vmem>>, vector<16xi32>,
      %get3A_602 = vector.shape_cast %get3A_601 : vector<16xi32> to vector<16xi32>
      %swap3A_603 = arith.constant 64 : index
      %swap3A_604 = tpu.vector_load %arg30[%swap3A_603] {strides = array<i32>} : memref<128xi32, #tpu.memory_space<vmem>>, vector<16xi32>,
      %swap3A_605 = vector.shape_cast %swap3A_604 : vector<16xi32> to vector<16xi32>
      %swap3A_606 = vector.shape_cast %get3A_602 : vector<16xi32> to vector<16xi32>
      tpu.vector_store %arg30[%swap3A_603], %swap3A_606 {strides = array<i32>} : memref<128xi32, #tpu.memory_space<vmem>>, vector<16xi32>,
      %get3A_607 = arith.constant 80 : index
      %get3A_608 = tpu.vector_load %arg24[%get3A_607] {strides = array<i32>} : memref<128xi32, #tpu.memory_space<vmem>>, vector<16xi32>,
      %get3A_609 = vector.shape_cast %get3A_608 : vector<16xi32> to vector<16xi32>
      %swap3A_610 = arith.constant 80 : index
      %swap3A_611 = tpu.vector_load %arg30[%swap3A_610] {strides = array<i32>} : memref<128xi32, #tpu.memory_space<vmem>>, vector<16xi32>,
      %swap3A_612 = vector.shape_cast %swap3A_611 : vector<16xi32> to vector<16xi32>
      %swap3A_613 = vector.shape_cast %get3A_609 : vector<16xi32> to vector<16xi32>
      tpu.vector_store %arg30[%swap3A_610], %swap3A_613 {strides = array<i32>} : memref<128xi32, #tpu.memory_space<vmem>>, vector<16xi32>,
      %get3A_614 = arith.constant 96 : index
      %get3A_615 = tpu.vector_load %arg24[%get3A_614] {strides = array<i32>} : memref<128xi32, #tpu.memory_space<vmem>>, vector<16xi32>,
      %get3A_616 = vector.shape_cast %get3A_615 : vector<16xi32> to vector<16xi32>
      %swap3A_617 = arith.constant 96 : index
      %swap3A_618 = tpu.vector_load %arg30[%swap3A_617] {strides = array<i32>} : memref<128xi32, #tpu.memory_space<vmem>>, vector<16xi32>,
      %swap3A_619 = vector.shape_cast %swap3A_618 : vector<16xi32> to vector<16xi32>
      %swap3A_620 = vector.shape_cast %get3A_616 : vector<16xi32> to vector<16xi32>
      tpu.vector_store %arg30[%swap3A_617], %swap3A_620 {strides = array<i32>} : memref<128xi32, #tpu.memory_space<vmem>>, vector<16xi32>,
      %get3A_621 = arith.constant 112 : index
      %get3A_622 = tpu.vector_load %arg24[%get3A_621] {strides = array<i32>} : memref<128xi32, #tpu.memory_space<vmem>>, vector<16xi32>,
      %get3A_623 = vector.shape_cast %get3A_622 : vector<16xi32> to vector<16xi32>
      %swap3A_624 = arith.constant 112 : index
      %swap3A_625 = tpu.vector_load %arg30[%swap3A_624] {strides = array<i32>} : memref<128xi32, #tpu.memory_space<vmem>>, vector<16xi32>,
      %swap3A_626 = vector.shape_cast %swap3A_625 : vector<16xi32> to vector<16xi32>
      %swap3A_627 = vector.shape_cast %get3A_623 : vector<16xi32> to vector<16xi32>
      tpu.vector_store %arg30[%swap3A_624], %swap3A_627 {strides = array<i32>} : memref<128xi32, #tpu.memory_space<vmem>>, vector<16xi32>,
      %dma_start3A_628 = arith.constant 0 : i32
      %dma_start3A_629 = arith.constant 0 : i32
      %dma_start3A_630 = tpu.memref_slice %arg6[%dma_start3A_628, %dma_start3A_629] : memref<10000x64xf32, #tpu.memory_space<vmem_shared>> -> memref<10000x64xf32, #tpu.memory_space<vmem_shared>>
      tpu.enqueue_indirect_dma source(%arg12 : memref<128x64xf32, #tpu.memory_space<vmem>>) target(%dma_start3A_630 : memref<10000x64xf32, #tpu.memory_space<vmem_shared>>) offsets(%arg30 : memref<128xi32, #tpu.memory_space<vmem>>) semaphore(%arg48 : memref<!tpu.dma_semaphore, #tpu.memory_space<semaphore_mem>>) {add = true}
      %add3A_631 = arith.constant 6 : i32
      %add3A_632 = arith.addi %add3A_562, %add3A_631 : i32
      %lt3A_633 = arith.cmpi slt, %add3A_632, %add3A_4 : i32
      %convert_element_type3A_634 = arith.extui %lt3A_633 : i1 to i32
      %cond3A_635 = arith.constant 0 : i32
      %cond3A_636 = arith.cmpi ne, %convert_element_type3A_634, %cond3A_635 : i32
      scf.if %cond3A_636 {
        %add3A_638 = arith.constant 6 : i32
        %add3A_639 = arith.addi %add3A_562, %add3A_638 : i32
        %mul3A_640 = arith.constant 32 : i32
        %mul3A_641 = arith.muli %add3A_639, %mul3A_640 : i32
        %add3A_642 = arith.addi %add3A, %mul3A_641 : i32
        %mul3A_643 = arith.constant 128 : i32
        %mul3A_644 = arith.muli %add3A_642, %mul3A_643 : i32
        %dma_start3A_645 = tpu.memref_slice %arg3[%mul3A_644] : memref<320000xi32, #tpu.memory_space<hbm>> -> memref<128xi32, #tpu.memory_space<hbm>>
        %dma_start3A_646 = tpu.memref_slice %arg3[%mul3A_644] : memref<320000xi32, #tpu.memory_space<hbm>> -> memref<128xi32, #tpu.memory_space<hbm>>
        tpu.enqueue_dma source(%dma_start3A_646 : memref<128xi32, #tpu.memory_space<hbm>>) target(%arg18 : memref<128xi32, #tpu.memory_space<vmem>>) target_semaphore(%arg36 : memref<!tpu.dma_semaphore, #tpu.memory_space<semaphore_mem>>)
        %dma_start3A_647 = tpu.memref_slice %arg4[%mul3A_644] : memref<320000xi32, #tpu.memory_space<hbm>> -> memref<128xi32, #tpu.memory_space<hbm>>
        %dma_start3A_648 = tpu.memref_slice %arg4[%mul3A_644] : memref<320000xi32, #tpu.memory_space<hbm>> -> memref<128xi32, #tpu.memory_space<hbm>>
        tpu.enqueue_dma source(%dma_start3A_648 : memref<128xi32, #tpu.memory_space<hbm>>) target(%arg24 : memref<128xi32, #tpu.memory_space<vmem>>) target_semaphore(%arg36 : memref<!tpu.dma_semaphore, #tpu.memory_space<semaphore_mem>>)
      } else {
      }
      %scan3A_637 = arith.constant 0 : i32
      scf.yield %scan3A_637 : i32
    }
    %scan3A_122 = arith.constant 13 : i32
    %lt3A_123 = arith.constant 4 : i32
    %lt3A_124 = arith.cmpi slt, %add3A, %lt3A_123 : i32
    %convert_element_type3A = arith.extui %lt3A_124 : i1 to i32
    %cond3A = arith.constant 0 : i32
    %cond3A_125 = arith.cmpi ne, %convert_element_type3A, %cond3A : i32
    scf.if %cond3A_125 {
      %dma_wait3A_169 = arith.constant 0 : i32
      %dma_wait3A_170 = arith.constant 0 : i32
      %dma_wait3A_171 = tpu.memref_slice %arg2[%dma_wait3A_169, %dma_wait3A_170] : memref<10000x64xf32, #tpu.memory_space<hbm>> -> memref<10000x64xf32, #tpu.memory_space<hbm>>
      tpu.wait_indirect_dma semaphore(%arg37 : memref<!tpu.dma_semaphore, #tpu.memory_space<semaphore_mem>>) src(%dma_wait3A_171 : memref<10000x64xf32, #tpu.memory_space<hbm>>) dst(%arg7 : memref<128x64xf32, #tpu.memory_space<vmem>>)
      %get3A = arith.constant 0 : index
      %get3A_172 = tpu.vector_load %arg19[%get3A] {strides = array<i32>} : memref<128xi32, #tpu.memory_space<vmem>>, vector<16xi32>,
      %get3A_173 = vector.shape_cast %get3A_172 : vector<16xi32> to vector<16xi32>
      %swap3A = arith.constant 0 : index
      %swap3A_174 = tpu.vector_load %arg25[%swap3A] {strides = array<i32>} : memref<128xi32, #tpu.memory_space<vmem>>, vector<16xi32>,
      %swap3A_175 = vector.shape_cast %swap3A_174 : vector<16xi32> to vector<16xi32>
      %swap3A_176 = vector.shape_cast %get3A_173 : vector<16xi32> to vector<16xi32>
      tpu.vector_store %arg25[%swap3A], %swap3A_176 {strides = array<i32>} : memref<128xi32, #tpu.memory_space<vmem>>, vector<16xi32>,
      %get3A_177 = arith.constant 16 : index
      %get3A_178 = tpu.vector_load %arg19[%get3A_177] {strides = array<i32>} : memref<128xi32, #tpu.memory_space<vmem>>, vector<16xi32>,
      %get3A_179 = vector.shape_cast %get3A_178 : vector<16xi32> to vector<16xi32>
      %swap3A_180 = arith.constant 16 : index
      %swap3A_181 = tpu.vector_load %arg25[%swap3A_180] {strides = array<i32>} : memref<128xi32, #tpu.memory_space<vmem>>, vector<16xi32>,
      %swap3A_182 = vector.shape_cast %swap3A_181 : vector<16xi32> to vector<16xi32>
      %swap3A_183 = vector.shape_cast %get3A_179 : vector<16xi32> to vector<16xi32>
      tpu.vector_store %arg25[%swap3A_180], %swap3A_183 {strides = array<i32>} : memref<128xi32, #tpu.memory_space<vmem>>, vector<16xi32>,
      %get3A_184 = arith.constant 32 : index
      %get3A_185 = tpu.vector_load %arg19[%get3A_184] {strides = array<i32>} : memref<128xi32, #tpu.memory_space<vmem>>, vector<16xi32>,
      %get3A_186 = vector.shape_cast %get3A_185 : vector<16xi32> to vector<16xi32>
      %swap3A_187 = arith.constant 32 : index
      %swap3A_188 = tpu.vector_load %arg25[%swap3A_187] {strides = array<i32>} : memref<128xi32, #tpu.memory_space<vmem>>, vector<16xi32>,
      %swap3A_189 = vector.shape_cast %swap3A_188 : vector<16xi32> to vector<16xi32>
      %swap3A_190 = vector.shape_cast %get3A_186 : vector<16xi32> to vector<16xi32>
      tpu.vector_store %arg25[%swap3A_187], %swap3A_190 {strides = array<i32>} : memref<128xi32, #tpu.memory_space<vmem>>, vector<16xi32>,
      %get3A_191 = arith.constant 48 : index
      %get3A_192 = tpu.vector_load %arg19[%get3A_191] {strides = array<i32>} : memref<128xi32, #tpu.memory_space<vmem>>, vector<16xi32>,
      %get3A_193 = vector.shape_cast %get3A_192 : vector<16xi32> to vector<16xi32>
      %swap3A_194 = arith.constant 48 : index
      %swap3A_195 = tpu.vector_load %arg25[%swap3A_194] {strides = array<i32>} : memref<128xi32, #tpu.memory_space<vmem>>, vector<16xi32>,
      %swap3A_196 = vector.shape_cast %swap3A_195 : vector<16xi32> to vector<16xi32>
      %swap3A_197 = vector.shape_cast %get3A_193 : vector<16xi32> to vector<16xi32>
      tpu.vector_store %arg25[%swap3A_194], %swap3A_197 {strides = array<i32>} : memref<128xi32, #tpu.memory_space<vmem>>, vector<16xi32>,
      %get3A_198 = arith.constant 64 : index
      %get3A_199 = tpu.vector_load %arg19[%get3A_198] {strides = array<i32>} : memref<128xi32, #tpu.memory_space<vmem>>, vector<16xi32>,
      %get3A_200 = vector.shape_cast %get3A_199 : vector<16xi32> to vector<16xi32>
      %swap3A_201 = arith.constant 64 : index
      %swap3A_202 = tpu.vector_load %arg25[%swap3A_201] {strides = array<i32>} : memref<128xi32, #tpu.memory_space<vmem>>, vector<16xi32>,
      %swap3A_203 = vector.shape_cast %swap3A_202 : vector<16xi32> to vector<16xi32>
      %swap3A_204 = vector.shape_cast %get3A_200 : vector<16xi32> to vector<16xi32>
      tpu.vector_store %arg25[%swap3A_201], %swap3A_204 {strides = array<i32>} : memref<128xi32, #tpu.memory_space<vmem>>, vector<16xi32>,
      %get3A_205 = arith.constant 80 : index
      %get3A_206 = tpu.vector_load %arg19[%get3A_205] {strides = array<i32>} : memref<128xi32, #tpu.memory_space<vmem>>, vector<16xi32>,
      %get3A_207 = vector.shape_cast %get3A_206 : vector<16xi32> to vector<16xi32>
      %swap3A_208 = arith.constant 80 : index
      %swap3A_209 = tpu.vector_load %arg25[%swap3A_208] {strides = array<i32>} : memref<128xi32, #tpu.memory_space<vmem>>, vector<16xi32>,
      %swap3A_210 = vector.shape_cast %swap3A_209 : vector<16xi32> to vector<16xi32>
      %swap3A_211 = vector.shape_cast %get3A_207 : vector<16xi32> to vector<16xi32>
      tpu.vector_store %arg25[%swap3A_208], %swap3A_211 {strides = array<i32>} : memref<128xi32, #tpu.memory_space<vmem>>, vector<16xi32>,
      %get3A_212 = arith.constant 96 : index
      %get3A_213 = tpu.vector_load %arg19[%get3A_212] {strides = array<i32>} : memref<128xi32, #tpu.memory_space<vmem>>, vector<16xi32>,
      %get3A_214 = vector.shape_cast %get3A_213 : vector<16xi32> to vector<16xi32>
      %swap3A_215 = arith.constant 96 : index
      %swap3A_216 = tpu.vector_load %arg25[%swap3A_215] {strides = array<i32>} : memref<128xi32, #tpu.memory_space<vmem>>, vector<16xi32>,
      %swap3A_217 = vector.shape_cast %swap3A_216 : vector<16xi32> to vector<16xi32>
      %swap3A_218 = vector.shape_cast %get3A_214 : vector<16xi32> to vector<16xi32>
      tpu.vector_store %arg25[%swap3A_215], %swap3A_218 {strides = array<i32>} : memref<128xi32, #tpu.memory_space<vmem>>, vector<16xi32>,
      %get3A_219 = arith.constant 112 : index
      %get3A_220 = tpu.vector_load %arg19[%get3A_219] {strides = array<i32>} : memref<128xi32, #tpu.memory_space<vmem>>, vector<16xi32>,
      %get3A_221 = vector.shape_cast %get3A_220 : vector<16xi32> to vector<16xi32>
      %swap3A_222 = arith.constant 112 : index
      %swap3A_223 = tpu.vector_load %arg25[%swap3A_222] {strides = array<i32>} : memref<128xi32, #tpu.memory_space<vmem>>, vector<16xi32>,
      %swap3A_224 = vector.shape_cast %swap3A_223 : vector<16xi32> to vector<16xi32>
      %swap3A_225 = vector.shape_cast %get3A_221 : vector<16xi32> to vector<16xi32>
      tpu.vector_store %arg25[%swap3A_222], %swap3A_225 {strides = array<i32>} : memref<128xi32, #tpu.memory_space<vmem>>, vector<16xi32>,
      %dma_start3A_226 = arith.constant 0 : i32
      %dma_start3A_227 = arith.constant 0 : i32
      %dma_start3A_228 = tpu.memref_slice %arg6[%dma_start3A_226, %dma_start3A_227] : memref<10000x64xf32, #tpu.memory_space<vmem_shared>> -> memref<10000x64xf32, #tpu.memory_space<vmem_shared>>
      tpu.enqueue_indirect_dma source(%arg7 : memref<128x64xf32, #tpu.memory_space<vmem>>) target(%dma_start3A_228 : memref<10000x64xf32, #tpu.memory_space<vmem_shared>>) offsets(%arg25 : memref<128xi32, #tpu.memory_space<vmem>>) semaphore(%arg43 : memref<!tpu.dma_semaphore, #tpu.memory_space<semaphore_mem>>) {add = true}
    } else {
    }
    %dma_wait3A_126 = arith.constant 0 : i32
    %dma_wait3A_127 = arith.constant 0 : i32
    %dma_wait3A_128 = tpu.memref_slice %arg6[%dma_wait3A_126, %dma_wait3A_127] : memref<10000x64xf32, #tpu.memory_space<vmem_shared>> -> memref<10000x64xf32, #tpu.memory_space<vmem_shared>>
    tpu.wait_indirect_dma semaphore(%arg43 : memref<!tpu.dma_semaphore, #tpu.memory_space<semaphore_mem>>) src(%arg7 : memref<128x64xf32, #tpu.memory_space<vmem>>) dst(%dma_wait3A_128 : memref<10000x64xf32, #tpu.memory_space<vmem_shared>>)
    %dma_wait3A_129 = arith.constant 0 : i32
    %dma_wait3A_130 = arith.constant 0 : i32
    %dma_wait3A_131 = tpu.memref_slice %arg6[%dma_wait3A_129, %dma_wait3A_130] : memref<10000x64xf32, #tpu.memory_space<vmem_shared>> -> memref<10000x64xf32, #tpu.memory_space<vmem_shared>>
    tpu.wait_indirect_dma semaphore(%arg44 : memref<!tpu.dma_semaphore, #tpu.memory_space<semaphore_mem>>) src(%arg8 : memref<128x64xf32, #tpu.memory_space<vmem>>) dst(%dma_wait3A_131 : memref<10000x64xf32, #tpu.memory_space<vmem_shared>>)
    %dma_wait3A_132 = arith.constant 0 : i32
    %dma_wait3A_133 = arith.constant 0 : i32
    %dma_wait3A_134 = tpu.memref_slice %arg6[%dma_wait3A_132, %dma_wait3A_133] : memref<10000x64xf32, #tpu.memory_space<vmem_shared>> -> memref<10000x64xf32, #tpu.memory_space<vmem_shared>>
    tpu.wait_indirect_dma semaphore(%arg45 : memref<!tpu.dma_semaphore, #tpu.memory_space<semaphore_mem>>) src(%arg9 : memref<128x64xf32, #tpu.memory_space<vmem>>) dst(%dma_wait3A_134 : memref<10000x64xf32, #tpu.memory_space<vmem_shared>>)
    %dma_wait3A_135 = arith.constant 0 : i32
    %dma_wait3A_136 = arith.constant 0 : i32
    %dma_wait3A_137 = tpu.memref_slice %arg6[%dma_wait3A_135, %dma_wait3A_136] : memref<10000x64xf32, #tpu.memory_space<vmem_shared>> -> memref<10000x64xf32, #tpu.memory_space<vmem_shared>>
    tpu.wait_indirect_dma semaphore(%arg46 : memref<!tpu.dma_semaphore, #tpu.memory_space<semaphore_mem>>) src(%arg10 : memref<128x64xf32, #tpu.memory_space<vmem>>) dst(%dma_wait3A_137 : memref<10000x64xf32, #tpu.memory_space<vmem_shared>>)
    %dma_wait3A_138 = arith.constant 0 : i32
    %dma_wait3A_139 = arith.constant 0 : i32
    %dma_wait3A_140 = tpu.memref_slice %arg6[%dma_wait3A_138, %dma_wait3A_139] : memref<10000x64xf32, #tpu.memory_space<vmem_shared>> -> memref<10000x64xf32, #tpu.memory_space<vmem_shared>>
    tpu.wait_indirect_dma semaphore(%arg47 : memref<!tpu.dma_semaphore, #tpu.memory_space<semaphore_mem>>) src(%arg11 : memref<128x64xf32, #tpu.memory_space<vmem>>) dst(%dma_wait3A_140 : memref<10000x64xf32, #tpu.memory_space<vmem_shared>>)
    %dma_wait3A_141 = arith.constant 0 : i32
    %dma_wait3A_142 = arith.constant 0 : i32
    %dma_wait3A_143 = tpu.memref_slice %arg6[%dma_wait3A_141, %dma_wait3A_142] : memref<10000x64xf32, #tpu.memory_space<vmem_shared>> -> memref<10000x64xf32, #tpu.memory_space<vmem_shared>>
    tpu.wait_indirect_dma semaphore(%arg48 : memref<!tpu.dma_semaphore, #tpu.memory_space<semaphore_mem>>) src(%arg12 : memref<128x64xf32, #tpu.memory_space<vmem>>) dst(%dma_wait3A_143 : memref<10000x64xf32, #tpu.memory_space<vmem_shared>>)
    %barrier3A_144 = arith.constant 0 : index
    tpu.barrier barrier_id(%barrier3A_144)
    %while3A_145 = arith.constant 0 : i32
    %while3A_146 = arith.constant 0 : i32
    %while3A_147 = arith.subi %select_n3A_82, %while3A_145 : i32
    %while3A_148 = arith.addi %while3A_145, %while3A_147 : i32
    %while3A_149 = arith.constant 1 : i32
    %while3A_150 = arith.divsi %while3A_147, %while3A_149 : i32
    %while3A_151 = arith.muli %while3A_150, %while3A_149 : i32
    %while3A_152 = arith.addi %while3A_145, %while3A_151 : i32
    %while3A_153 = arith.constant 1 : i32
    %while3A_154 = scf.for %while3A_169 = %while3A_145 to %while3A_152 step %while3A_153 iter_args(%while3A_170 = %while3A_146) -> (i32)  : i32 {
      %mul3A_171 = arith.constant 80 : i32
      %mul3A_172 = arith.muli %while3A_169, %mul3A_171 : i32
      %add3A_173 = arith.addi %mul3A_60, %mul3A_172 : i32
      %dma_start3A_174 = arith.constant 0 : i32
      %dma_start3A_175 = tpu.memref_slice %arg5[%arg0, %add3A_173, %dma_start3A_174] : memref<2x10000x64xf32, #tpu.memory_space<hbm>> -> memref<1x80x64xf32, #tpu.memory_space<hbm>>
      %dma_start3A_176 = tpu.memref_squeeze %dma_start3A_175 : memref<1x80x64xf32, #tpu.memory_space<hbm>> -> memref<80x64xf32, #tpu.memory_space<hbm>>
      %dma_start3A_177 = arith.constant 0 : i32
      %dma_start3A_178 = tpu.memref_slice %arg6[%add3A_173, %dma_start3A_177] : memref<10000x64xf32, #tpu.memory_space<vmem_shared>> -> memref<80x64xf32, #tpu.memory_space<vmem_shared>>
      tpu.enqueue_dma source(%dma_start3A_178 : memref<80x64xf32, #tpu.memory_space<vmem_shared>>) target(%dma_start3A_176 : memref<80x64xf32, #tpu.memory_space<hbm>>) target_semaphore(%arg43 : memref<!tpu.dma_semaphore, #tpu.memory_space<semaphore_mem>>)
      %while3A_179 = arith.constant 0 : i32
      scf.yield %while3A_179 : i32
    }
    %while3A_155 = arith.constant 1 : i32
    %while3A_156 = scf.for %while3A_169 = %while3A_152 to %while3A_148 step %while3A_155 iter_args(%while3A_170 = %while3A_154) -> (i32)  : i32 {
      %mul3A_171 = arith.constant 80 : i32
      %mul3A_172 = arith.muli %while3A_169, %mul3A_171 : i32
      %add3A_173 = arith.addi %mul3A_60, %mul3A_172 : i32
      %dma_start3A_174 = arith.constant 0 : i32
      %dma_start3A_175 = tpu.memref_slice %arg5[%arg0, %add3A_173, %dma_start3A_174] : memref<2x10000x64xf32, #tpu.memory_space<hbm>> -> memref<1x80x64xf32, #tpu.memory_space<hbm>>
      %dma_start3A_176 = tpu.memref_squeeze %dma_start3A_175 : memref<1x80x64xf32, #tpu.memory_space<hbm>> -> memref<80x64xf32, #tpu.memory_space<hbm>>
      %dma_start3A_177 = arith.constant 0 : i32
      %dma_start3A_178 = tpu.memref_slice %arg6[%add3A_173, %dma_start3A_177] : memref<10000x64xf32, #tpu.memory_space<vmem_shared>> -> memref<80x64xf32, #tpu.memory_space<vmem_shared>>
      tpu.enqueue_dma source(%dma_start3A_178 : memref<80x64xf32, #tpu.memory_space<vmem_shared>>) target(%dma_start3A_176 : memref<80x64xf32, #tpu.memory_space<hbm>>) target_semaphore(%arg43 : memref<!tpu.dma_semaphore, #tpu.memory_space<semaphore_mem>>)
      %while3A_179 = arith.constant 0 : i32
      scf.yield %while3A_179 : i32
    }
    %while3A_157 = arith.constant 0 : i32
    %while3A_158 = arith.constant 0 : i32
    %while3A_159 = arith.subi %select_n3A_82, %while3A_157 : i32
    %while3A_160 = arith.addi %while3A_157, %while3A_159 : i32
    %while3A_161 = arith.constant 1 : i32
    %while3A_162 = arith.divsi %while3A_159, %while3A_161 : i32
    %while3A_163 = arith.muli %while3A_162, %while3A_161 : i32
    %while3A_164 = arith.addi %while3A_157, %while3A_163 : i32
    %while3A_165 = arith.constant 1 : i32
    %while3A_166 = scf.for %while3A_169 = %while3A_157 to %while3A_164 step %while3A_165 iter_args(%while3A_170 = %while3A_158) -> (i32)  : i32 {
      %add3A_171 = arith.constant 0 : i32
      %add3A_172 = arith.addi %mul3A_60, %add3A_171 : i32
      %dma_wait3A_173 = arith.constant 0 : i32
      %dma_wait3A_174 = tpu.memref_slice %arg5[%arg0, %add3A_172, %dma_wait3A_173] : memref<2x10000x64xf32, #tpu.memory_space<hbm>> -> memref<1x80x64xf32, #tpu.memory_space<hbm>>
      %dma_wait3A_175 = tpu.memref_squeeze %dma_wait3A_174 : memref<1x80x64xf32, #tpu.memory_space<hbm>> -> memref<80x64xf32, #tpu.memory_space<hbm>>
      %dma_wait3A_176 = arith.constant 0 : i32
      %dma_wait3A_177 = tpu.memref_slice %arg6[%add3A_172, %dma_wait3A_176] : memref<10000x64xf32, #tpu.memory_space<vmem_shared>> -> memref<80x64xf32, #tpu.memory_space<vmem_shared>>
      tpu.wait_dma2 semaphore(%arg43 : memref<!tpu.dma_semaphore, #tpu.memory_space<semaphore_mem>>) src(%dma_wait3A_177 : memref<80x64xf32, #tpu.memory_space<vmem_shared>>) dst(%dma_wait3A_175 : memref<80x64xf32, #tpu.memory_space<hbm>>)
      %while3A_178 = arith.constant 0 : i32
      scf.yield %while3A_178 : i32
    }
    %while3A_167 = arith.constant 1 : i32
    %while3A_168 = scf.for %while3A_169 = %while3A_164 to %while3A_160 step %while3A_167 iter_args(%while3A_170 = %while3A_166) -> (i32)  : i32 {
      %add3A_171 = arith.constant 0 : i32
      %add3A_172 = arith.addi %mul3A_60, %add3A_171 : i32
      %dma_wait3A_173 = arith.constant 0 : i32
      %dma_wait3A_174 = tpu.memref_slice %arg5[%arg0, %add3A_172, %dma_wait3A_173] : memref<2x10000x64xf32, #tpu.memory_space<hbm>> -> memref<1x80x64xf32, #tpu.memory_space<hbm>>
      %dma_wait3A_175 = tpu.memref_squeeze %dma_wait3A_174 : memref<1x80x64xf32, #tpu.memory_space<hbm>> -> memref<80x64xf32, #tpu.memory_space<hbm>>
      %dma_wait3A_176 = arith.constant 0 : i32
      %dma_wait3A_177 = tpu.memref_slice %arg6[%add3A_172, %dma_wait3A_176] : memref<10000x64xf32, #tpu.memory_space<vmem_shared>> -> memref<80x64xf32, #tpu.memory_space<vmem_shared>>
      tpu.wait_dma2 semaphore(%arg43 : memref<!tpu.dma_semaphore, #tpu.memory_space<semaphore_mem>>) src(%dma_wait3A_177 : memref<80x64xf32, #tpu.memory_space<vmem_shared>>) dst(%dma_wait3A_175 : memref<80x64xf32, #tpu.memory_space<hbm>>)
      %while3A_178 = arith.constant 0 : i32
      scf.yield %while3A_178 : i32
    }
    return
  }
}

module attributes {stable_mosaic.version = 14 : i64} {
  func.func @_mid_body(%arg0: memref<2x10000x128xf32, #tpu.memory_space<vmem>>, %arg1: memref<2x10000xf32, #tpu.memory_space<vmem>>, %arg2: memref<128x128xf32, #tpu.memory_space<vmem>>, %arg3: memref<128x64xf32, #tpu.memory_space<vmem>>, %arg4: memref<10000x64xf32, #tpu.memory_space<vmem>>, %arg5: memref<10000xf32, #tpu.memory_space<vmem>>) attributes {dimension_semantics = [], scalar_prefetch = 0 : i64, scratch_operands = 0 : i64, tpu.core_type = #tpu.core_type<tc>} {
    %get3A = arith.constant 0 : index
    %get3A_0 = arith.constant 0 : index
    %get3A_1 = vector.load %arg1[%get3A, %get3A_0] : memref<2x10000xf32, #tpu.memory_space<vmem>>, vector<1x10000xf32>
    %get3A_2 = vector.shape_cast %get3A_1 : vector<1x10000xf32> to vector<10000xf32>
    %get3A_3 = arith.constant 1 : index
    %get3A_4 = arith.constant 0 : index
    %get3A_5 = vector.load %arg1[%get3A_3, %get3A_4] : memref<2x10000xf32, #tpu.memory_space<vmem>>, vector<1x10000xf32>
    %get3A_6 = vector.shape_cast %get3A_5 : vector<1x10000xf32> to vector<10000xf32>
    %add3A = arith.addf %get3A_2, %get3A_6 : vector<10000xf32>
    %max3A = arith.constant 1.000000e+00 : f32
    %max3A_7 = vector.broadcast %max3A : f32 to vector<10000xf32>
    %max3A_8 = arith.maximumf %add3A, %max3A_7 : vector<10000xf32>
    %get3A_9 = arith.constant 0 : index
    %get3A_10 = arith.constant 0 : index
    %get3A_11 = arith.constant 0 : index
    %get3A_12 = vector.load %arg0[%get3A_9, %get3A_10, %get3A_11] : memref<2x10000x128xf32, #tpu.memory_space<vmem>>, vector<1x10000x128xf32>
    %get3A_13 = vector.shape_cast %get3A_12 : vector<1x10000x128xf32> to vector<10000x128xf32>
    %get3A_14 = arith.constant 1 : index
    %get3A_15 = arith.constant 0 : index
    %get3A_16 = arith.constant 0 : index
    %get3A_17 = vector.load %arg0[%get3A_14, %get3A_15, %get3A_16] : memref<2x10000x128xf32, #tpu.memory_space<vmem>>, vector<1x10000x128xf32>
    %get3A_18 = vector.shape_cast %get3A_17 : vector<1x10000x128xf32> to vector<10000x128xf32>
    %add3A_19 = arith.addf %get3A_13, %get3A_18 : vector<10000x128xf32>
    %broadcast_in_dim3A = vector.shape_cast %max3A_8 : vector<10000xf32> to vector<10000x1xf32>
    %div3A = vector.broadcast %broadcast_in_dim3A : vector<10000x1xf32> to vector<10000x128xf32>
    %div3A_20 = arith.divf %add3A_19, %div3A : vector<10000x128xf32>
    %get3A_21 = arith.constant 0 : index
    %get3A_22 = arith.constant 0 : index
    %get3A_23 = vector.load %arg2[%get3A_21, %get3A_22] : memref<128x128xf32, #tpu.memory_space<vmem>>, vector<128x128xf32>
    %dot_general3A = arith.constant dense<0.000000e+00> : vector<10000x128xf32>
    %dot_general3A_24 = tpu.matmul %div3A_20, %get3A_23, %dot_general3A {dimension_numbers = #tpu.dot_dimension_numbers<[1], [0], [0], [1], [0, 0, 1, 1], [], []>, transpose_lhs_hint = false} : vector<10000x128xf32>, vector<128x128xf32>, vector<10000x128xf32> -> vector<10000x128xf32>
    %max3A_25 = arith.constant 0.000000e+00 : f32
    %max3A_26 = vector.broadcast %max3A_25 : f32 to vector<10000x128xf32>
    %max3A_27 = arith.maximumf %dot_general3A_24, %max3A_26 : vector<10000x128xf32>
    %get3A_28 = arith.constant 0 : index
    %get3A_29 = arith.constant 0 : index
    %get3A_30 = vector.load %arg3[%get3A_28, %get3A_29] : memref<128x64xf32, #tpu.memory_space<vmem>>, vector<128x64xf32>
    %dot_general3A_31 = arith.constant dense<0.000000e+00> : vector<10000x64xf32>
    %dot_general3A_32 = tpu.matmul %max3A_27, %get3A_30, %dot_general3A_31 {dimension_numbers = #tpu.dot_dimension_numbers<[1], [0], [0], [1], [0, 0, 1, 1], [], []>, transpose_lhs_hint = false} : vector<10000x128xf32>, vector<128x64xf32>, vector<10000x64xf32> -> vector<10000x64xf32>
    %swap3A = arith.constant 0 : index
    %swap3A_33 = arith.constant 0 : index
    %swap3A_34 = vector.load %arg4[%swap3A, %swap3A_33] : memref<10000x64xf32, #tpu.memory_space<vmem>>, vector<10000x64xf32>
    tpu.vector_store %arg4[%swap3A, %swap3A_33], %dot_general3A_32 {strides = array<i32>} : memref<10000x64xf32, #tpu.memory_space<vmem>>, vector<10000x64xf32>,
    %swap3A_35 = arith.constant 0 : index
    %swap3A_36 = vector.load %arg5[%swap3A_35] : memref<10000xf32, #tpu.memory_space<vmem>>, vector<10000xf32>
    tpu.vector_store %arg5[%swap3A_35], %max3A_8 {strides = array<i32>} : memref<10000xf32, #tpu.memory_space<vmem>>, vector<10000xf32>,
    return
  }
}

module attributes {stable_mosaic.version = 14 : i64} {
  func.func @_final_body(%arg0: memref<2x10000x64xf32, #tpu.memory_space<vmem>>, %arg1: memref<10000xf32, #tpu.memory_space<vmem>>, %arg2: memref<10000x64xf32, #tpu.memory_space<vmem>>) attributes {dimension_semantics = [], scalar_prefetch = 0 : i64, scratch_operands = 0 : i64, tpu.core_type = #tpu.core_type<tc>} {
    %get3A = arith.constant 0 : index
    %get3A_0 = arith.constant 0 : index
    %get3A_1 = arith.constant 0 : index
    %get3A_2 = vector.load %arg0[%get3A, %get3A_0, %get3A_1] : memref<2x10000x64xf32, #tpu.memory_space<vmem>>, vector<1x10000x64xf32>
    %get3A_3 = vector.shape_cast %get3A_2 : vector<1x10000x64xf32> to vector<10000x64xf32>
    %get3A_4 = arith.constant 1 : index
    %get3A_5 = arith.constant 0 : index
    %get3A_6 = arith.constant 0 : index
    %get3A_7 = vector.load %arg0[%get3A_4, %get3A_5, %get3A_6] : memref<2x10000x64xf32, #tpu.memory_space<vmem>>, vector<1x10000x64xf32>
    %get3A_8 = vector.shape_cast %get3A_7 : vector<1x10000x64xf32> to vector<10000x64xf32>
    %add3A = arith.addf %get3A_3, %get3A_8 : vector<10000x64xf32>
    %get3A_9 = arith.constant 0 : index
    %get3A_10 = vector.load %arg1[%get3A_9] : memref<10000xf32, #tpu.memory_space<vmem>>, vector<10000xf32>
    %broadcast_in_dim3A = vector.shape_cast %get3A_10 : vector<10000xf32> to vector<10000x1xf32>
    %div3A = vector.broadcast %broadcast_in_dim3A : vector<10000x1xf32> to vector<10000x64xf32>
    %div3A_11 = arith.divf %add3A, %div3A : vector<10000x64xf32>
    %swap3A = arith.constant 0 : index
    %swap3A_12 = arith.constant 0 : index
    %swap3A_13 = vector.load %arg2[%swap3A, %swap3A_12] : memref<10000x64xf32, #tpu.memory_space<vmem>>, vector<10000x64xf32>
    tpu.vector_store %arg2[%swap3A, %swap3A_12], %div3A_11 {strides = array<i32>} : memref<10000x64xf32, #tpu.memory_space<vmem>>, vector<10000x64xf32>,
    return
  }
}

</mosaic_0001>

<sc_bundles>
// kernel: kernel.6.cloned.1.call-start
scs
__scs_entry_jumppad:
0x0: {  	(pc) =	sbr.rel $0x88, $3  }
0x1: {  	(tag) =	ssettag $0x0;
	lr =	simm.s32 $0x1  }
0x2: {  	[smem:$0x3F9D] =	sst lr;
	_ =	strace $0xD0000000  }
0x3: {  	_ = 	snop  }
0x4: {  	_ = 	snop  }
0x5: {  	_ = 	snop  }
0x6: {  	_ = 	snop  }
0x7: {  	_ = 	snop  }
__scs_overlays_trampoline_lowered:
0x8: {  	[smem:$0x3FAC] =	sst s0  }
0x9: {  	[smem:$0x3FAD] =	sst s1  }
0xa: {  	[smem:$0x3FAE] =	sst s2  }
0xb: {  	[smem:$0x3FAF] =	sst s3  }
0xc: {  	[smem:$0x3FB0] =	sst s4  }
0xd: {  	[smem:$0x3FB1] =	sst s5  }
0xe: {  	[smem:$0x3FB2] =	sst s6  }
0xf: {  	[smem:$0x3FB3] =	sst s7  }
0x10: {  	[smem:$0x3FB4] =	sst s8  }
0x11: {  	[smem:$0x3FB5] =	sst s9;
	s0 =	simm.s32 @!p0 $0x0  }
0x12: {  	s1 =	sld [smem:$0x3F9B];
	s0 =	simm.s32 @p0 $0x1  }
0x13: {  	[smem:$0x3FB6] =	sst s0;
	s0 =	simm.s32 @!p1 $0x0  }
0x14: {  	s2 =	sld [smem:$0x3F9A];
	s0 =	simm.s32 @p1 $0x1  }
0x15: {  	[smem:$0x3FB7] =	sst s0;
	s0 =	simm.s32 @!p2 $0x0  }
0x16: {  	s3 =	sld [smem:$0x3FDB];
	s0 =	simm.s32 @p2 $0x1  }
0x17: {  	s4 =	simm.s32 $0x1BF5;
	[smem:$0x3FB9] =	sst s0  }
0x18: {  	s0 =	sld [smem:$0x3F9C];
	_ =	swait.ge [sflag:s4], $0x0  }
0x19: {  	s7 =	sld [smem:$0x3F9D]  }
0x1a: {  	s8 =	sadd.s32 $0xFFFFE003, lr  }
0x1b: {  	s9 =	sadd.s32 $0xFFFFFEF7, lr;
	s5 =	simm.s32 $0xFFFFFFFF;
	p2 =	slt.u32 s8, $0xFFFFF086  }
0x1c: {  	p1 =	slt.u32 s9, $0xF7A;
	s5 =	simm.s32 @!p2 $0x0  }
0x1d: {  	s5 =	simm.s32 @p1 $0x1;
	p0 =	seq.s32 s7, s2  }
0x1e: {  	s7 =	smul.u32 @!p0 $0xF7A, s2;
	p2 =	seq.s32 @!p0 s5, $0x0  }
0x1f: {  	s9 =	smul.u32 $0xF7A, s1;
	s8 =	simm.s32 @!p0 $0x1BF5;
	p2 =	por !p2, p0  }
0x20: {  	[sflag:s8] =	ssyncset.s32 @!p0 $0xFFFFF086;
	s6 =	sadd.s32 @!p0 s3, s7;
	s7 =	simm.s32 @!p0 $0x108  }
0x21: {  	s3 =	sadd.s32 s3, s9;
	s6 =	sadd.s32 @!p0 $0x88, s6;
	s7 =	simm.s32 @p2 $0x1082  }
0x22: {  	[simem:s7], [sflag:s8] =	dma.local @!p0 [hbm:s6], $0xF7A  }
0x23: {  	s9 =	sor.u32 $0xD0000000, s2;
	s6 =	simm.s32 $0x108;
	_ =	swait.ge @!p0 [sflag:s8], $0x0  }
0x24: {  	s3 =	sadd.s32 $0x88, s3;
	s6 =	simm.s32 @!p1 $0x1082;
	[sflag:s4] =	ssyncset.s32 $0xFFFFF086  }
0x25: {  	[simem:s6], [sflag:s4] =	dma.local [hbm:s3], $0xF7A  }
0x26: {  	[smem:$0x3F9D] =	sst s1;
	(tag) =	ssettag s2;
	_ =	strace s9  }
0x27: {  	s1 =	sld [smem:$0x3FAD]  }
0x28: {  	s2 =	sld [smem:$0x3FAE]  }
0x29: {  	s4 =	sld [smem:$0x3FB0]  }
0x2a: {  	p0 =	seq.s32 s5, $0x0;
	s5 =	sld [smem:$0x3FB1]  }
0x2b: {  	s6 =	sld [smem:$0x3FB2]  }
0x2c: {  	s7 =	sld [smem:$0x3FB3]  }
0x2d: {  	s3 =	simm.s32 $0x108;
	s8 =	sld [smem:$0x3FB4]  }
0x2e: {  	s3 =	simm.s32 @!p0 $0x1082;
	s9 =	sld [smem:$0x3FB5]  }
0x2f: {  	lr =	sadd.s32 s0, s3;
	s0 =	sld [smem:$0x3FAC]  }
0x30: {  	s3 =	sld [smem:$0x3FAF]  }
0x31: {  	[smem:$0x3FB8] =	sst s10  }
0x32: {  	s10 =	sld [smem:$0x3FB6];
	_ =	sdelay $0x3  }
0x33: {  	p0 =	seq.s32 s10, $0x1;
	s10 =	sld [smem:$0x3FB8];
	_ =	sdelay $0x3  }
0x34: {  	[smem:$0x3FB8] =	sst s10  }
0x35: {  	s10 =	sld [smem:$0x3FB7];
	_ =	sdelay $0x3  }
0x36: {  	p1 =	seq.s32 s10, $0x1;
	s10 =	sld [smem:$0x3FB8];
	_ =	sdelay $0x3  }
0x37: {  	[smem:$0x3FB8] =	sst s10  }
0x38: {  	s10 =	sld [smem:$0x3FB9]  }
0x39: {  	_ = 	snop;
	(pc) =	sbr.ind lr, $3  }
0x3a: {  	_ = 	snop  }
0x3b: {  	_ = 	snop  }
0x3c: {  	p2 =	seq.s32 s10, $0x1;
	s10 =	sld [smem:$0x3FB8]  }
0x3d: {  	_ =	shalt  }
0x3e: {  	_ =	shalt  }
0x3f: {  	_ =	shalt  }
0x40: {  	_ =	shalt  }
0x41: {  	_ =	shalt  }
0x42: {  	_ =	shalt  }
0x43: {  	_ =	shalt  }
0x44: {  	_ =	shalt  }
0x45: {  	_ =	shalt  }
0x46: {  	_ =	shalt  }
0x47: {  	_ =	shalt  }
0x48: {  	_ =	shalt  }
0x49: {  	_ =	shalt  }
0x4a: {  	_ =	shalt  }
0x4b: {  	_ =	shalt  }
0x4c: {  	_ =	shalt  }
0x4d: {  	_ =	shalt  }
0x4e: {  	_ =	shalt  }
0x4f: {  	_ =	shalt  }
0x50: {  	_ =	shalt  }
0x51: {  	_ =	shalt  }
0x52: {  	_ =	shalt  }
0x53: {  	_ =	shalt  }
0x54: {  	_ =	shalt  }
0x55: {  	_ =	shalt  }
0x56: {  	_ =	shalt  }
0x57: {  	_ =	shalt  }
0x58: {  	_ =	shalt  }
0x59: {  	_ =	shalt  }
0x5a: {  	_ =	shalt  }
0x5b: {  	_ =	shalt  }
0x5c: {  	_ =	shalt  }
0x5d: {  	_ =	shalt  }
0x5e: {  	_ =	shalt  }
0x5f: {  	_ =	shalt  }
0x60: {  	_ =	shalt  }
0x61: {  	_ =	shalt  }
0x62: {  	_ =	shalt  }
0x63: {  	_ =	shalt  }
0x64: {  	_ =	shalt  }
0x65: {  	_ =	shalt  }
0x66: {  	_ =	shalt  }
0x67: {  	_ =	shalt  }
0x68: {  	_ =	shalt  }
0x69: {  	_ =	shalt  }
0x6a: {  	_ =	shalt  }
0x6b: {  	_ =	shalt  }
0x6c: {  	_ =	shalt  }
0x6d: {  	_ =	shalt  }
0x6e: {  	_ =	shalt  }
0x6f: {  	_ =	shalt  }
0x70: {  	_ =	shalt  }
0x71: {  	_ =	shalt  }
0x72: {  	_ =	shalt  }
0x73: {  	_ =	shalt  }
0x74: {  	_ =	shalt  }
0x75: {  	_ =	shalt  }
0x76: {  	_ =	shalt  }
0x77: {  	_ =	shalt  }
0x78: {  	_ =	shalt  }
0x79: {  	_ =	shalt  }
0x7a: {  	_ =	shalt  }
0x7b: {  	_ =	shalt  }
0x7c: {  	_ =	shalt  }
0x7d: {  	_ =	shalt  }
0x7e: {  	_ =	shalt  }
0x7f: {  	_ =	shalt  }
0x80: {  	_ =	shalt  }
0x81: {  	_ =	shalt  }
0x82: {  	_ =	shalt  }
0x83: {  	_ =	shalt  }
0x84: {  	_ =	shalt  }
0x85: {  	_ =	shalt  }
0x86: {  	_ =	shalt  }
0x87: {  	_ =	shalt  }
.Lfunc_end0:
.L_simem_size_0:
called_computation_lowered:
.L_overlay_start_0:
0x88: {  	s2 =	sld [smem:$0x3FD9]  }
0x89: {  	s3 =	sld [smem:$0x3FFE];
	_ =	sdelay $0x1  }
0x8a: {  	s1 =	srdreg.scid  }
0x8b: {  	s0 =	sand.u32 $0x1, s1  }
0x8c: {  	s17 =	sshll.u32 s0, $0xA;
	s2 =	sadd.s32 s3, s2  }
0x8d: {  	s2 =	sadd.s32 s2, s17  }
0x8e: {  	[smem:$0x3FC4] =	sst s2  }
0x8f: {  	_ = 	snop  }
0x90: {  	s2 =	sld [smem:$0x3FC9]  }
0x91: {  	s18 =	sld [smem:$0x3FD0];
	(tm) =	ssettm $0x1  }
0x92: {  	s4 =	sld [smem:$0x3FFB];
	_ =	sdelay $0x3  }
0x93: {  	_ =	strace s4  }
0x94: {  	s4 =	sld [smem:$0x3FFC];
	_ =	sdelay $0x3  }
0x95: {  	_ =	strace s4  }
0x96: {  	s4 =	sld [smem:$0x3FFD];
	_ =	sdelay $0x3  }
0x97: {  	_ =	strace s4  }
0x98: {  	_ =	strace $0x8FFFFFFF  }
0x99: {  	s19 =	sld [smem:$0x3FDB];
	_ =	sdelay $0x1  }
0x9a: {  	s5 =	simm.s32 $_scs_section_size  }
0x9b: {  	s6 =	simm.s32 $_size__tile_overlayer_lowered;
	s7 =	simm.s32 $_tile_overlayer_lowered  }
0x9c: {  	s22 =	simm.s32 $0x1BFF;
	s21 =	sshll.u32 s7, $0x1;
	s4 =	sadd.s32 s5, s19  }
0x9d: {  	s8 =	simm.s32 $0x0;
	s20 =	sshll.u32 s6, $0x1;
	s6 =	sadd.s32 s21, s4  }
0x9e: {  	[timem:s8], [sflag:s22] =	dma.local [hbm:s6], s20  }
0x9f: {  	_ =	swait.ge [sflag:s22], s20  }
0xa0: {  	s5 =	ssub.s32 $0x0, s20;
	[sflag:s22] =	ssyncset.done $0x0  }
0xa1: {  	[sflag:s22] =	ssyncadd.s32 s5;
	_ =	sdelay $0x1  }
0xa2: {  	s23 =	simm.s32 $0x1B8B  }
0xa3: {  	_ =	swait.ge [sflag:s23], $0x1  }
0xa4: {  	[sflag:s23] =	ssyncset.done $0x0  }
0xa5: {  	s25 =	simm.s32 $0x1B8E;
	s24 =	sld [smem:$0x3FFE];
	[sflag:s23] =	ssyncadd.s32 $0xFFFFFFFF  }
0xa6: {  	s26 =	simm.s32 $execute0_lowered;
	[smem:$0x3FD2] =	sst s25  }
0xa7: {  	s6 =	sshll.u32 s26, $0x1;
	_ =	strace $0x80000046;
	[dreg:$0x1] =	wrdreg $0xFFFFFFFF  }
0xa8: {  	s28 =	simm.s32 $_size_execute0_lowered;
	s4 =	sadd.s32 s4, s6;
	[dreg:$0x0] =	wrdreg $0x0  }
0xa9: {  	s6 =	sshll.u32 s28, $0x1;
	[dreg:$0x2] =	wrdreg s4  }
0xaa: {  	[dreg:$0x3] =	wrdreg s6  }
0xab: {  	[dreg:$0x4] =	wrdreg $0xC0  }
0xac: {  	_ =	task [dreg:s8], $0x5FFFF  }
0xad: {  	[dreg:$0x1] =	wrdreg $0xFFFFFFFF  }
0xae: {  	[dreg:$0x0] =	wrdreg $0x60  }
0xaf: {  	[dreg:$0x2] =	wrdreg s2  }
0xb0: {  	[dreg:$0x3] =	wrdreg s24  }
0xb1: {  	[dreg:$0x4] =	wrdreg s18  }
0xb2: {  	[dreg:$0x5] =	wrdreg $0x0  }
0xb3: {  	[dreg:$0x6] =	wrdreg $0x1E3800  }
0xb4: {  	[dreg:$0x7] =	wrdreg $0x9  }
0xb5: {  	_ =	task.clear_ibuf [dreg:s8], $0x8FFFF;
	_ =	strace $0x90000046  }
0xb6: {  	s29 =	simm.s32 $0x9;
	_ =	strace $0x80000048  }
0xb7: {  	_ =	swait.ge [sflag:s29], $0x1  }
0xb8: {  	[sflag:s29] =	ssyncadd.s32 $0xFFFFFFFF  }
0xb9: {  	_ =	strace $0x90000048  }
0xba: {  	_ =	sfence  }
0xbb: {  	s30 =	sld [smem:$0x0];
	_ =	sdelay $0x2  }
0xbc: {  	s31 =	sshll.u32 s1, $0xD;
	s1 =	sshrl.u32 s1, $0x2  }
0xbd: {  	s3 =	sand.u32 $0x4000, s31;
	s1 =	sadd.s32 s1, s30  }
0xbe: {  	s0 =	sor.u32 s3, s0;
	s1 =	sshll.u32 s1, $0x11  }
0xbf: {  	s0 =	sor.u32 s1, s0  }
0xc0: {  	s0 =	sadd.s32 $0x8F2B, s0  }
0xc1: {  	[sflag:s0] =	ssyncadd.remote.s32 $0x1  }
0xc2: {  	_ =	sfence.sel $0xFFFF  }
0xc3: {  	[dreg:$0x0] =	wrdreg $0xFFFFFFFF;
	(pc) =	sbr.abs _section_cstart, $3  }
0xc4: {  	[dreg:$0x1] =	wrdreg $0xFFFFFFFF  }
0xc5: {  	_ =	task.clear_ibuf [dreg:s8], $0x2FFFF;
	_ =	strace $0x9FFFFFFF  }
0xc6: {  	(tm) =	ssettm $0x7FFFFFFF  }
0xc7: {  	_ =	shalt  }
tec
execute0_lowered:
.L_overlay_start_1:
0x0: {  	(tag) =	ssettag $0x1  }
0x1: {  	s1 =	rddreg [dreg:$0x0]  }
0x2: {  	s0 =	rddreg [dreg:$0x1]  }
0x3: {  	s4 =	rddreg [dreg:$0x2]  }
0x4: {  	s2 =	rddreg [dreg:$0x3]  }
0x5: {  	s3 =	rddreg [dreg:$0x4]  }
0x6: {  	s5 =	srdreg.scid;
	s15 =	stileid.u32;
	s28 =	simm.s32 $0x5  }
0x7: {  	s29 =	simm.s32 $0x1E678;
	s30 =	simm.s32 $0x9;
	s8 =	smul.u32 $0x14000, s15  }
0x8: {  	s31 =	simm.s32 $0x2;
	s7 =	sand.u32 $0x1, s5;
	s16 =	smul.u32 $0x280, s15  }
0x9: {  	s5 =	simm.s32 $0x0;
	s9 =	sadd.s32 $0xAA00, s0;
	s21 =	smul.u32 $0x50000, s15  }
0xa: {  	s10 =	sadd.s32 $0xC00, s0;
	s24 =	sshll.u32 s15, $0x4;
	s6 =	smul.u32 $0x138800, s7  }
0xb: {  	[smem:$0x7FF] =	sst s5;
	s17 =	ssub.s32 $0x2, s7;
	s11 =	sshll.u32 s7, $0x4  }
0xc: {  	_ =	strace $0x80000047;
	s12 =	sshrl.u32 s17, $0x1;
	s13 =	sor.u32 s15, s11  }
0xd: {  	s18 =	ssub.s32 $0x2710, s16;
	s22 =	sshrl.u32 s21, $0x2;
	s21 =	simm.s32 $0x1B900  }
0xe: {  	s6 =	sadd.s32 s8, s6;
	s8 =	ssub.s32 s17, s12;
	p0 =	slt.u32 s13, $0x4  }
0xf: {  	s11 =	sshll.u32 s13, $0x4;
	s12 =	smin.u32 s18, $0x280;
	s17 =	smul.u32 $0x2710, s7  }
0x10: {  	s7 =	sshll.u32 s7, $0x8;
	s18 =	simm.s32 $0x1B880;
	s6 =	sshrl.u32 s6, $0x3  }
0x11: {  	s14 =	sadd.s32 s9, s11;
	s19 =	sadd.s32 s10, s11;
	s11 =	sor.u32 $0x200, s11  }
0x12: {  	s12 =	smul.u32 $0x334, s12;
	s8 =	smax.u32 s8, $0x1;
	s23 =	sadd.s32 s7, s9  }
0x13: {  	s7 =	sadd.s32 s7, s10;
	s0 =	sadd.s32 s6, s0;
	[dreg:$0x6] =	wrdreg s14  }
0x14: {  	s6 =	simm.s32 $0x4F;
	[dreg:$0x7] =	wrdreg s19;
	s20 =	sadd.s32 s9, s11  }
0x15: {  	s11 =	sadd.s32 s10, s11;
	[dreg:$0xc] =	wrdreg s8;
	s14 =	sadd.s32 s22, s2  }
0x16: {  	s15 =	sadd.s32 s24, s23;
	s25 =	sadd.s32 s16, s17;
	s23 =	simm.s32 $0x1BB80  }
0x17: {  	s22 =	simm.s32 $0x1BA80;
	s8 =	simm.s32 $0x1BB00;
	[dreg:$0x8] =	wrdreg s20  }
0x18: {  	s10 =	simm.s32 $0x0;
	s6 =	simm.s32 @!p0 $0x4E;
	[dreg:$0x9] =	wrdreg s11  }
0x19: {  	s12 =	sshrl.u32 s12, $0x10;
	s11 =	sadd.s32 s16, s3;
	s16 =	sadd.s32 s24, s7  }
0x1a: {  	s0 =	sadd.s32 $0x14800, s0;
	s26 =	sshrl.u32 s25, $0x3;
	[dreg:$0xd] =	wrdreg s14  }
0x1b: {  	p0 =	sgt.u32 s13, $0x3;
	s25 =	simm.s32 $0x80;
	[dreg:$0xe] =	wrdreg s0  }
0x1c: {  	s20 =	simm.s32 $0x3;
	s7 =	simm.s32 $0x4;
	[dreg:$0xa] =	wrdreg s12  }
0x1d: {  	s0 =	sadd.s32 s26, s4;
	s26 =	simm.s32 $0x13880;
	[dreg:$0xb] =	wrdreg s11  }
0x1e: {  	v0 =	vimm.f32 $0.0e+00;
	v1 =	vimm.f32 $1.000000000e+00;
	s4 =	simm.s32 $0x1E5F8;
	[dreg:$0xf] =	wrdreg s0;
	s0 =	simm.s32 $0x17880  }
.LBB2_1:
0x1f: {  	[dreg:$0x10] =	wrdreg s10  }
0x20: {  	s9 =	rddreg [dreg:$0x6]  }
0x21: {  	[tilespmem:s18], [sflag:$0x1] =	stream.linear.gather [hbm4b:s9+s5], $0x80, $0x38;
	[tilespmem:$0x1E6F8] =	vst v63  }
0x22: {  	s19 =	rddreg [dreg:$0x7];
	s24 =	simm.s32 $0x1B980  }
0x23: {  	[tilespmem:s24], [sflag:$0x1] =	stream.linear.gather [hbm4b:s19+s5], $0x80, $0x38;
	[tilespmem:$0x1E6F8] =	vst v63  }
0x24: {  	s10 =	rddreg [dreg:$0x8]  }
0x25: {  	[tilespmem:s21], [sflag:$0x2] =	stream.linear.gather [hbm4b:s10+s5], $0x80, $0x38;
	[tilespmem:$0x1E6F8] =	vst v63  }
0x26: {  	s13 =	rddreg [dreg:$0x9];
	s17 =	simm.s32 $0x1BA00;
	s19 =	sand.u32 $0xFE00, s5  }
0x27: {  	[tilespmem:s17], [sflag:$0x2] =	stream.linear.gather [hbm4b:s13+s5], $0x80, $0x38;
	[tilespmem:$0x1E6F8] =	vst v63  }
0x28: {  	s24 =	sand.u32 $0x70, s5;
	s13 =	sshrl.u32 s19, $0x2  }
0x29: {  	s9 =	simm.s32 $0x40;
	s10 =	simm.s32 $0x0;
	s13 =	sor.u32 s24, s13  }
.LBB2_2:
0x2a: {  	p1 =	sne.s32 s9, $0x9FC0  }
0x2b: {  	[tilespmem:s13+$0x1BB80] =	vst v0;
	s10 =	sadd.s32 $0x10, s10;
	s13 =	smov.u32 s9;
	s9 =	sadd.s32 $0x40, s9  }
.Ltmp0:
0x2c: {  	(pc) =	sbr.rel @p1 .LBB2_2-.Ltmp0, $4  }
0x2d: {  	_ = 	snop  }
0x2e: {  	s13 =	sand.u32 $0xFE00, s13  }
0x2f: {  	s17 =	sand.u32 $0x70, s10;
	s13 =	sshrl.u32 s13, $0x2  }
0x30: {  	s13 =	sor.u32 s17, s13  }
0x31: {  	p1 =	sne.s32 s12, $0x1  }
.Ltmp1:
0x32: {  	_ = 	snop;
	(pc) =	sbr.rel @!p1 .LBB2_5-.Ltmp1, $3  }
0x33: {  	_ =	sdelay $0x1  }
0x34: {  	[tilespmem:s13+$0x1BB80] =	vst v0;
	s9 =	sadd.s32 $0xFFFFFFFF, s12;
	s10 =	smov.u32 s14  }
0x35: {  	[spmem:s14] =	stream.linear.scatter [tilespmem:s23], [sflag:$0x5], $0x2800, $0x38;
	[tilespmem:$0x1E6F8] =	vst v63  }
.LBB2_4:
0x36: {  	p2 =	sne.s32 s9, $0x1  }
.Ltmp2:
0x37: {  	_ = 	snop;
	(pc) =	sbr.rel @p2 .LBB2_4-.Ltmp2, $3  }
0x38: {  	_ = 	snop  }
0x39: {  	s9 =	sadd.s32 $0xFFFFFFFF, s9;
	s10 =	sadd.s32 $0x2800, s10;
	_ =	sdelay $0x1  }
0x3a: {  	[spmem:s10] =	stream.linear.scatter [tilespmem:s23], [sflag:$0x5], $0x2800, $0x38;
	[tilespmem:$0x1E6F8] =	vst v63  }
.LBB2_5:
0x3b: {  	s9 =	simm.s32 $0x1  }
0x3c: {  	_ =	swait.ge [sflag:s9], $0x80  }
0x3d: {  	[sflag:s9] =	ssyncset.done $0x0  }
0x3e: {  	[sflag:s9] =	ssyncadd.s32 $0xFFFFFF80  }
0x3f: {  	_ =	swait.ge [sflag:s9], $0x80  }
.Ltmp3:
0x40: {  	[sflag:s9] =	ssyncset.done $0x0;
	(pc) =	sbr.rel @!p1 .LBB2_7-.Ltmp3, $4  }
0x41: {  	[sflag:s9] =	ssyncadd.s32 $0xFFFFFF80  }
0x42: {  	[tilespmem:s26], [sflag:$0x3] =	stream.indirect.gather [hbm4b:s1+s25], $0x80, s18, s25, $0xb8;
	[tilespmem:$0x1E6F8] =	vst v63  }
0x43: {  	_ =	swait.ge [sflag:s28], $0x2800  }
0x44: {  	s9 =	sadd.s32 $0xFFFFFFFF, s12;
	[sflag:s28] =	ssyncset.done $0x0  }
.LBB2_6:
0x45: {  	p2 =	sne.s32 s9, $0x1;
	s9 =	sadd.s32 $0xFFFFFFFF, s9;
	[sflag:s28] =	ssyncadd.s32 $0xFFFFD800  }
.Ltmp4:
0x46: {  	(pc) =	sbr.rel @p2 .LBB2_6-.Ltmp4, $3  }
0x47: {  	_ =	sdelay $0x1  }
0x48: {  	_ =	swait.ge [sflag:s28], $0x2800  }
0x49: {  	[sflag:s28] =	ssyncset.done $0x0  }
.LBB2_7:
0x4a: {  	[sflag:s28] =	ssyncadd.s32 $0xFFFFD800  }
0x4b: {  	[tilespmem:$0x1E678] =	vst v0  }
0x4c: {  	[tilespmem:$0x1E688] =	vst v0  }
0x4d: {  	[tilespmem:$0x1E698] =	vst v0  }
0x4e: {  	[tilespmem:$0x1E6A8] =	vst v0  }
0x4f: {  	[tilespmem:$0x1E6B8] =	vst v0  }
0x50: {  	[tilespmem:$0x1E5F8] =	vst v1  }
0x51: {  	[tilespmem:$0x1E608] =	vst v1  }
0x52: {  	[tilespmem:$0x1E618] =	vst v1  }
0x53: {  	[tilespmem:$0x1E628] =	vst v1  }
0x54: {  	[tilespmem:$0x1E638] =	vst v1  }
0x55: {  	[tilespmem:$0x1E648] =	vst v1  }
.Ltmp5:
0x56: {  	[tilespmem:$0x1E658] =	vst v1;
	(pc) =	sbr.rel @!p1 .LBB2_9-.Ltmp5, $4  }
0x57: {  	[tilespmem:$0x1E668] =	vst v1  }
0x58: {  	[spmem:s11] =	stream.linear.scatter [tilespmem:s29], [sflag:$0x9], $0x50, $0x38;
	[tilespmem:$0x1E6F8] =	vst v63  }
0x59: {  	_ =	swait.ge [sflag:s30], $0x50  }
0x5a: {  	s9 =	sadd.s32 $0xFFFFFFFF, s12;
	s10 =	smov.u32 s11;
	[sflag:s30] =	ssyncset.done $0x0  }
.LBB2_8:
0x5b: {  	p2 =	sne.s32 s9, $0x1;
	[sflag:s30] =	ssyncadd.s32 $0xFFFFFFB0;
	s10 =	sadd.s32 $0x50, s10  }
.Ltmp6:
0x5c: {  	s9 =	sadd.s32 $0xFFFFFFFF, s9;
	(pc) =	sbr.rel @p2 .LBB2_8-.Ltmp6, $4  }
0x5d: {  	_ = 	snop  }
0x5e: {  	[spmem:s10] =	stream.linear.scatter [tilespmem:s29], [sflag:$0x9], $0x50, $0x38;
	[tilespmem:$0x1E6F8] =	vst v63  }
0x5f: {  	_ =	swait.ge [sflag:s30], $0x50  }
0x60: {  	[sflag:s30] =	ssyncset.done $0x0  }
.LBB2_9:
0x61: {  	[sflag:s30] =	ssyncadd.s32 $0xFFFFFFB0  }
0x62: {  	[bflag:$0x0] =	sbarrier.arrive $0xFFFF  }
0x63: {  	_ =	swait.ge [sflag:s31], $0x80  }
0x64: {  	[sflag:s31] =	ssyncset.done $0x0  }
0x65: {  	[sflag:s31] =	ssyncadd.s32 $0xFFFFFF80  }
0x66: {  	_ =	swait.ge [sflag:s31], $0x80  }
0x67: {  	p2 =	por $0x1, $0x1;
	[sflag:s31] =	ssyncset.done $0x0  }
0x68: {  	s9 =	simm.s32 @!p2 $0x6;
	[sflag:s31] =	ssyncadd.s32 $0xFFFFFF80  }
0x69: {  	_ =	swait.ge @!p2 [sflag:s9], $0x4000  }
0x6a: {  	[sflag:s9] =	ssyncset.done @!p2 $0x0  }
0x6b: {  	s10 =	simm.s32 @!p2 $0x8;
	[sflag:s9] =	ssyncadd.s32 @!p2 $0xFFFFC000  }
0x6c: {  	_ =	swait.ge @!p2 [sflag:s10], $0x80  }
0x6d: {  	[sflag:s10] =	ssyncset.done @!p2 $0x0  }
0x6e: {  	[sflag:s10] =	ssyncadd.s32 @!p2 $0xFFFFFF80  }
0x6f: {  	[tilespmem:s0], [sflag:$0x4] =	stream.indirect.gather [hbm4b:s1+s25], $0x80, s21, s25, $0xb8;
	[tilespmem:$0x1E6F8] =	vst v63  }
0x70: {  	_ =	swait.ge [sflag:s20], $0x4000  }
0x71: {  	[sflag:s20] =	ssyncset.done $0x0  }
0x72: {  	[sflag:s20] =	ssyncadd.s32 $0xFFFFC000  }
0x73: {  	v2 =	vld [tilespmem:$0x1B9E0]  }
0x74: {  	v3 =	vld [tilespmem:$0x1B9B0]  }
0x75: {  	v4 =	vld [tilespmem:$0x1B9C0]  }
0x76: {  	v5 =	vld [tilespmem:$0x1B980]  }
0x77: {  	v6 =	vld [tilespmem:$0x1B9A0]  }
0x78: {  	v7 =	vld [tilespmem:$0x1B990];
	[tilespmem:$0x1BAE0] =	vst v2  }
0x79: {  	[tilespmem:$0x1BAB0] =	vst v3;
	v2 =	vld [tilespmem:$0x1B9F0]  }
0x7a: {  	[tilespmem:$0x1BAC0] =	vst v4;
	v3 =	vld [tilespmem:$0x1B9D0]  }
0x7b: {  	[tilespmem:$0x1BA80] =	vst v5  }
0x7c: {  	[tilespmem:$0x1BAA0] =	vst v6  }
0x7d: {  	[tilespmem:$0x1BA90] =	vst v7  }
0x7e: {  	[tilespmem:$0x1BAF0] =	vst v2  }
0x7f: {  	p2 =	sle.u32 s6, $0x2;
	[tilespmem:$0x1BAD0] =	vst v3  }
0x80: {  	[spmem:s2] =	stream.indirect.scatter.add.f32 [tilespmem:s26], [sflag:$0x5], $0x80, s22, s25, $0xb8;
	[tilespmem:$0x1E6F8] =	vst v63  }
0x81: {  	s9 =	sadd.s32 @!p2 $0x0, s15;
	s10 =	sadd.s32 @!p2 $0x0, s16  }
0x82: {  	[spmem:s3] =	stream.indirect.scatter.add.f32 [tilespmem:s4], [sflag:$0x7], $0x1, s22, s25, $0xb8;
	[tilespmem:$0x1E6F8] =	vst v63  }
0x83: {  	s13 =	simm.s32 @!p2 $0x0;
	s17 =	simm.s32 @!p2 $0x1B880;
	s9 =	sadd.s32 @!p2 $0x400, s9  }
0x84: {  	[tilespmem:s17], [sflag:$0x1] =	stream.linear.gather @!p2 [hbm4b:s9+s13], $0x80, $0x38;
	[tilespmem:$0x1E6F8] =	vst v63  }
0x85: {  	s18 =	simm.s32 @!p2 $0x1;
	s9 =	sadd.s32 @!p2 $0x400, s10;
	s10 =	simm.s32 @!p2 $0x1B980  }
0x86: {  	[tilespmem:s10], [sflag:$0x1] =	stream.linear.gather @!p2 [hbm4b:s9+s13], $0x80, $0x38;
	[tilespmem:$0x1E6F8] =	vst v63  }
0x87: {  	_ =	swait.ge @!p2 [sflag:s18], $0x80  }
0x88: {  	[sflag:s18] =	ssyncset.done @!p2 $0x0  }
0x89: {  	[sflag:s18] =	ssyncadd.s32 @!p2 $0xFFFFFF80  }
0x8a: {  	_ =	swait.ge @!p2 [sflag:s18], $0x80  }
0x8b: {  	[sflag:s18] =	ssyncset.done @!p2 $0x0  }
0x8c: {  	s9 =	simm.s32 @!p2 $0x5;
	[sflag:s18] =	ssyncadd.s32 @!p2 $0xFFFFFF80  }
0x8d: {  	_ =	swait.ge @!p2 [sflag:s9], $0x4000  }
0x8e: {  	[sflag:s9] =	ssyncset.done @!p2 $0x0  }
0x8f: {  	[sflag:s9] =	ssyncadd.s32 @!p2 $0xFFFFC000;
	s9 =	simm.s32 @!p2 $0x7  }
0x90: {  	_ =	swait.ge @!p2 [sflag:s9], $0x80  }
0x91: {  	[sflag:s9] =	ssyncset.done @!p2 $0x0  }
0x92: {  	s10 =	simm.s32 @!p2 $0x13880;
	[sflag:s9] =	ssyncadd.s32 @!p2 $0xFFFFFF80;
	s9 =	simm.s32 @!p2 $0x80  }
0x93: {  	[tilespmem:s10], [sflag:$0x3] =	stream.indirect.gather @!p2 [hbm4b:s1+s9], $0x80, s17, s9, $0xb8;
	[tilespmem:$0x1E6F8] =	vst v63  }
0x94: {  	_ =	swait.ge [sflag:s7], $0x4000  }
0x95: {  	s13 =	simm.s32 $0x3;
	s9 =	simm.s32 $0x0;
	[sflag:s7] =	ssyncset.done $0x0  }
0x96: {  	s17 =	simm.s32 $0x400;
	s10 =	simm.s32 $0x3;
	[sflag:s7] =	ssyncadd.s32 $0xFFFFC000  }
.LBB2_10:
0x97: {  	v2 =	vld [tilespmem:$0x1BA70];
	s13 =	sadd.s32 $0x2, s13;
	s18 =	smov.u32 s17;
	s17 =	sadd.s32 $0x400, s17  }
0x98: {  	p2 =	sne.s32 s17, $0x9C00;
	v3 =	vld [tilespmem:$0x1BA00]  }
0x99: {  	v4 =	vld [tilespmem:$0x1BA50]  }
0x9a: {  	v5 =	vld [tilespmem:$0x1BA60]  }
0x9b: {  	v6 =	vld [tilespmem:$0x1BA10]  }
0x9c: {  	v7 =	vld [tilespmem:$0x1BA30];
	[tilespmem:$0x1BB70] =	vst v2  }
0x9d: {  	[tilespmem:$0x1BB00] =	vst v3;
	v2 =	vld [tilespmem:$0x1BA20]  }
0x9e: {  	v3 =	vld [tilespmem:$0x1BA40];
	[tilespmem:$0x1BB50] =	vst v4  }
0x9f: {  	[tilespmem:$0x1BB60] =	vst v5  }
0xa0: {  	[tilespmem:$0x1BB10] =	vst v6  }
0xa1: {  	[tilespmem:$0x1BB30] =	vst v7  }
0xa2: {  	[tilespmem:$0x1BB20] =	vst v2  }
0xa3: {  	p4 =	sge.u32 s10, s6;
	s10 =	smov.u32 s13;
	[tilespmem:$0x1BB40] =	vst v3  }
0xa4: {  	[spmem:s2] =	stream.indirect.scatter.add.f32 [tilespmem:s0], [sflag:$0x6], $0x80, s8, s25, $0xb8;
	[tilespmem:$0x1E6F8] =	vst v63  }
0xa5: {  	s24 =	sadd.s32 @!p4 s9, s15;
	s12 =	simm.s32 @!p4 $0x0;
	s14 =	simm.s32 @!p4 $0x1B900  }
0xa6: {  	[spmem:s3] =	stream.indirect.scatter.add.f32 [tilespmem:s4], [sflag:$0x8], $0x1, s8, s25, $0xb8;
	[tilespmem:$0x1E6F8] =	vst v63  }
0xa7: {  	s9 =	sadd.s32 @!p4 s9, s16;
	s11 =	simm.s32 @!p4 $0x1BA00;
	s24 =	sadd.s32 @!p4 $0x600, s24  }
0xa8: {  	[tilespmem:s14], [sflag:$0x2] =	stream.linear.gather @!p4 [hbm4b:s24+s12], $0x80, $0x38;
	[tilespmem:$0x1E6F8] =	vst v63  }
0xa9: {  	p3 =	seq.s32 s18, $0x0;
	s14 =	sadd.s32 @!p4 $0x600, s9;
	s9 =	smov.u32 s18  }
0xaa: {  	[tilespmem:s11], [sflag:$0x2] =	stream.linear.gather @!p4 [hbm4b:s14+s12], $0x80, $0x38;
	[tilespmem:$0x1E6F8] =	vst v63  }
0xab: {  	s11 =	simm.s32 @!p3 $0x6;
	_ =	swait.ge [sflag:s31], $0x80  }
0xac: {  	[sflag:s31] =	ssyncset.done $0x0  }
0xad: {  	[sflag:s31] =	ssyncadd.s32 $0xFFFFFF80  }
0xae: {  	s12 =	simm.s32 @!p3 $0x8;
	_ =	swait.ge [sflag:s31], $0x80  }
0xaf: {  	[sflag:s31] =	ssyncset.done $0x0  }
0xb0: {  	[sflag:s31] =	ssyncadd.s32 $0xFFFFFF80  }
0xb1: {  	_ =	swait.ge @!p3 [sflag:s11], $0x4000  }
0xb2: {  	[sflag:s11] =	ssyncset.done @!p3 $0x0  }
0xb3: {  	[sflag:s11] =	ssyncadd.s32 @!p3 $0xFFFFC000  }
0xb4: {  	_ =	swait.ge @!p3 [sflag:s12], $0x80  }
0xb5: {  	[sflag:s12] =	ssyncset.done @!p3 $0x0  }
0xb6: {  	[sflag:s12] =	ssyncadd.s32 @!p3 $0xFFFFFF80  }
0xb7: {  	[tilespmem:s0], [sflag:$0x4] =	stream.indirect.gather [hbm4b:s1+s25], $0x80, s21, s25, $0xb8;
	[tilespmem:$0x1E6F8] =	vst v63  }
0xb8: {  	_ =	swait.ge [sflag:s20], $0x4000  }
0xb9: {  	[sflag:s20] =	ssyncset.done $0x0  }
0xba: {  	[sflag:s20] =	ssyncadd.s32 $0xFFFFC000  }
0xbb: {  	v2 =	vld [tilespmem:$0x1B9E0]  }
0xbc: {  	v3 =	vld [tilespmem:$0x1B9B0]  }
0xbd: {  	v4 =	vld [tilespmem:$0x1B9C0]  }
0xbe: {  	v5 =	vld [tilespmem:$0x1B980]  }
0xbf: {  	v6 =	vld [tilespmem:$0x1B9A0]  }
0xc0: {  	v7 =	vld [tilespmem:$0x1B990];
	[tilespmem:$0x1BAE0] =	vst v2  }
0xc1: {  	[tilespmem:$0x1BAB0] =	vst v3;
	v2 =	vld [tilespmem:$0x1B9F0]  }
0xc2: {  	s11 =	sadd.s32 $0xFFFFFFFF, s13;
	[tilespmem:$0x1BAC0] =	vst v4;
	v3 =	vld [tilespmem:$0x1B9D0]  }
0xc3: {  	[tilespmem:$0x1BA80] =	vst v5  }
0xc4: {  	p3 =	sge.u32 s11, s6;
	[tilespmem:$0x1BAA0] =	vst v6  }
0xc5: {  	[tilespmem:$0x1BA90] =	vst v7  }
0xc6: {  	s11 =	sadd.s32 @!p3 s9, s15;
	s12 =	sadd.s32 @!p3 s9, s16;
	[tilespmem:$0x1BAF0] =	vst v2  }
0xc7: {  	s14 =	simm.s32 @!p3 $0x0;
	s18 =	simm.s32 @!p3 $0x1B880;
	s11 =	sadd.s32 @!p3 $0x400, s11;
	[tilespmem:$0x1BAD0] =	vst v3  }
0xc8: {  	[spmem:s2] =	stream.indirect.scatter.add.f32 [tilespmem:s26], [sflag:$0x5], $0x80, s22, s25, $0xb8;
	[tilespmem:$0x1E6F8] =	vst v63  }
0xc9: {  	s24 =	simm.s32 @!p3 $0x1B980;
	s19 =	simm.s32 @!p3 $0x1;
	s12 =	sadd.s32 @!p3 $0x400, s12  }
0xca: {  	[spmem:s3] =	stream.indirect.scatter.add.f32 [tilespmem:s4], [sflag:$0x7], $0x1, s22, s25, $0xb8;
	[tilespmem:$0x1E6F8] =	vst v63  }
0xcb: {  	_ = 	snop  }
0xcc: {  	[tilespmem:s18], [sflag:$0x1] =	stream.linear.gather @!p3 [hbm4b:s11+s14], $0x80, $0x38;
	[tilespmem:$0x1E6F8] =	vst v63  }
0xcd: {  	_ = 	snop  }
0xce: {  	[tilespmem:s24], [sflag:$0x1] =	stream.linear.gather @!p3 [hbm4b:s12+s14], $0x80, $0x38;
	[tilespmem:$0x1E6F8] =	vst v63  }
0xcf: {  	_ =	swait.ge @!p3 [sflag:s19], $0x80  }
0xd0: {  	[sflag:s19] =	ssyncset.done @!p3 $0x0  }
0xd1: {  	[sflag:s19] =	ssyncadd.s32 @!p3 $0xFFFFFF80  }
0xd2: {  	_ =	swait.ge @!p3 [sflag:s19], $0x80  }
0xd3: {  	[sflag:s19] =	ssyncset.done @!p3 $0x0  }
0xd4: {  	s11 =	simm.s32 @!p3 $0x5;
	[sflag:s19] =	ssyncadd.s32 @!p3 $0xFFFFFF80  }
0xd5: {  	_ =	swait.ge @!p3 [sflag:s11], $0x4000  }
0xd6: {  	[sflag:s11] =	ssyncset.done @!p3 $0x0  }
0xd7: {  	[sflag:s11] =	ssyncadd.s32 @!p3 $0xFFFFC000;
	s11 =	simm.s32 @!p3 $0x7  }
0xd8: {  	_ =	swait.ge @!p3 [sflag:s11], $0x80  }
0xd9: {  	s12 =	simm.s32 @!p3 $0x13880;
	[sflag:s11] =	ssyncset.done @!p3 $0x0  }
.Ltmp7:
0xda: {  	[sflag:s11] =	ssyncadd.s32 @!p3 $0xFFFFFF80;
	s11 =	simm.s32 @!p3 $0x80;
	(pc) =	sbr.rel @p2 .LBB2_10-.Ltmp7, $4  }
0xdb: {  	[tilespmem:s12], [sflag:$0x3] =	stream.indirect.gather @!p3 [hbm4b:s1+s11], $0x80, s18, s11, $0xb8;
	[tilespmem:$0x1E6F8] =	vst v63  }
0xdc: {  	_ =	swait.ge [sflag:s7], $0x4000  }
0xdd: {  	[sflag:s7] =	ssyncset.done $0x0  }
0xde: {  	[sflag:s7] =	ssyncadd.s32 $0xFFFFC000  }
0xdf: {  	v2 =	vld [tilespmem:$0x1BA70]  }
0xe0: {  	v3 =	vld [tilespmem:$0x1BA00]  }
0xe1: {  	v4 =	vld [tilespmem:$0x1BA50]  }
0xe2: {  	v5 =	vld [tilespmem:$0x1BA60]  }
0xe3: {  	v6 =	vld [tilespmem:$0x1BA10]  }
0xe4: {  	v7 =	vld [tilespmem:$0x1BA30];
	[tilespmem:$0x1BB70] =	vst v2  }
0xe5: {  	[tilespmem:$0x1BB00] =	vst v3;
	v2 =	vld [tilespmem:$0x1BA20]  }
0xe6: {  	v3 =	vld [tilespmem:$0x1BA40];
	[tilespmem:$0x1BB50] =	vst v4  }
0xe7: {  	[tilespmem:$0x1BB60] =	vst v5  }
0xe8: {  	[tilespmem:$0x1BB10] =	vst v6  }
0xe9: {  	[tilespmem:$0x1BB30] =	vst v7  }
0xea: {  	[tilespmem:$0x1BB20] =	vst v2  }
0xeb: {  	p2 =	sge.u32 s10, s6;
	[tilespmem:$0x1BB40] =	vst v3  }
0xec: {  	[spmem:s2] =	stream.indirect.scatter.add.f32 [tilespmem:s0], [sflag:$0x6], $0x80, s8, s25, $0xb8;
	[tilespmem:$0x1E6F8] =	vst v63  }
0xed: {  	s10 =	sadd.s32 @!p2 s9, s15;
	s11 =	simm.s32 @!p2 $0x0  }
0xee: {  	[spmem:s3] =	stream.indirect.scatter.add.f32 [tilespmem:s4], [sflag:$0x8], $0x1, s8, s25, $0xb8;
	[tilespmem:$0x1E6F8] =	vst v63  }
0xef: {  	s12 =	simm.s32 @!p2 $0x1B900;
	s9 =	sadd.s32 @!p2 s9, s16;
	s10 =	sadd.s32 @!p2 $0x600, s10  }
0xf0: {  	[tilespmem:s12], [sflag:$0x2] =	stream.linear.gather @!p2 [hbm4b:s10+s11], $0x80, $0x38;
	[tilespmem:$0x1E6F8] =	vst v63  }
0xf1: {  	s9 =	sadd.s32 @!p2 $0x600, s9;
	s10 =	simm.s32 @!p2 $0x1BA00  }
0xf2: {  	[tilespmem:s10], [sflag:$0x2] =	stream.linear.gather @!p2 [hbm4b:s9+s11], $0x80, $0x38;
	[tilespmem:$0x1E6F8] =	vst v63  }
0xf3: {  	s9 =	simm.s32 @!p0 $0x3  }
0xf4: {  	_ =	swait.ge @!p0 [sflag:s9], $0x4000  }
0xf5: {  	[sflag:s9] =	ssyncset.done @!p0 $0x0  }
0xf6: {  	[sflag:s9] =	ssyncadd.s32 @!p0 $0xFFFFC000  }
0xf7: {  	v2 =	vld @!p0 [tilespmem:$0x1B980]  }
0xf8: {  	v3 =	vld @!p0 [tilespmem:$0x1B990]  }
0xf9: {  	v4 =	vld @!p0 [tilespmem:$0x1B9A0]  }
0xfa: {  	v5 =	vld @!p0 [tilespmem:$0x1B9B0]  }
0xfb: {  	v6 =	vld @!p0 [tilespmem:$0x1B9C0]  }
0xfc: {  	[tilespmem:$0x1BA80] =	vst @!p0 v2;
	v2 =	vld @!p0 [tilespmem:$0x1B9D0]  }
0xfd: {  	[tilespmem:$0x1BA90] =	vst @!p0 v3;
	v3 =	vld @!p0 [tilespmem:$0x1B9E0]  }
0xfe: {  	[tilespmem:$0x1BAA0] =	vst @!p0 v4;
	v4 =	vld @!p0 [tilespmem:$0x1B9F0]  }
0xff: {  	[tilespmem:$0x1BAB0] =	vst @!p0 v5  }
0x100: {  	[tilespmem:$0x1BAC0] =	vst @!p0 v6  }
0x101: {  	[tilespmem:$0x1BAD0] =	vst @!p0 v2  }
0x102: {  	[tilespmem:$0x1BAE0] =	vst @!p0 v3  }
0x103: {  	s10 =	simm.s32 @!p0 $0x1BA80;
	s11 =	simm.s32 @!p0 $0x13880;
	s9 =	simm.s32 @!p0 $0x80;
	[tilespmem:$0x1BAF0] =	vst @!p0 v4  }
0x104: {  	[spmem:s2] =	stream.indirect.scatter.add.f32 @!p0 [tilespmem:s11], [sflag:$0x5], $0x80, s10, s9, $0xb8;
	[tilespmem:$0x1E6F8] =	vst v63  }
0x105: {  	s11 =	simm.s32 @!p0 $0x1E5F8  }
0x106: {  	[spmem:s3] =	stream.indirect.scatter.add.f32 @!p0 [tilespmem:s11], [sflag:$0x7], $0x1, s10, s9, $0xb8;
	[tilespmem:$0x1E6F8] =	vst v63  }
0x107: {  	_ =	swait.ge [sflag:s28], $0x4000  }
0x108: {  	[sflag:s28] =	ssyncset.done $0x0  }
0x109: {  	s14 =	simm.s32 $0x7;
	[sflag:s28] =	ssyncadd.s32 $0xFFFFC000  }
0x10a: {  	_ =	swait.ge [sflag:s14], $0x80  }
0x10b: {  	[sflag:s14] =	ssyncset.done $0x0  }
0x10c: {  	s17 =	simm.s32 $0x6;
	[sflag:s14] =	ssyncadd.s32 $0xFFFFFF80  }
0x10d: {  	_ =	swait.ge [sflag:s17], $0x4000  }
0x10e: {  	[sflag:s17] =	ssyncset.done $0x0  }
0x10f: {  	s18 =	simm.s32 $0x8;
	[sflag:s17] =	ssyncadd.s32 $0xFFFFC000  }
0x110: {  	_ =	swait.ge [sflag:s18], $0x80  }
0x111: {  	[sflag:s18] =	ssyncset.done $0x0  }
0x112: {  	[sflag:s18] =	ssyncadd.s32 $0xFFFFFF80  }
0x113: {  	s19 =	stileid.u32;
	[bflag:$0x0] =	sbarrier.arrive $0xFFFF  }
.Ltmp8:
0x114: {  	s9 =	sshll.u32 s19, $0x6;
	s14 =	rddreg [dreg:$0xd];
	(pc) =	sbr.rel @!p1 .LBB2_13-.Ltmp8, $4  }
0x115: {  	s9 =	sor.u32 $0x1C05, s9;
	s17 =	rddreg [dreg:$0xe];
	s24 =	sshrl.u32 s14, $0x3  }
0x116: {  	[hbm:s17], [sflag:s9] =	dma.local [spmem:s24], $0x500  }
0x117: {  	s12 =	rddreg [dreg:$0xa]  }
0x118: {  	s13 =	sadd.s32 $0x2800, s14;
	s10 =	sadd.s32 $0xFFFFFFFF, s12  }
.LBB2_12:
0x119: {  	p2 =	sne.s32 s10, $0x1;
	s10 =	sadd.s32 $0xFFFFFFFF, s10  }
.Ltmp9:
0x11a: {  	s11 =	sshrl.u32 s13, $0x3;
	s17 =	sadd.s32 $0x500, s17;
	(pc) =	sbr.rel @p2 .LBB2_12-.Ltmp9, $3  }
0x11b: {  	[hbm:s17], [sflag:s9] =	dma.local [spmem:s11], $0x500  }
0x11c: {  	_ =	sdelay $0x1  }
0x11d: {  	s13 =	sadd.s32 $0x2800, s13  }
.LBB2_13:
.Ltmp10:
0x11e: {  	(pc) =	sbr.rel @!p1 .LBB2_15-.Ltmp10, $3  }
0x11f: {  	_ =	sdelay $0x1  }
0x120: {  	_ =	swait.ge [sflag:s28], $0x500  }
0x121: {  	s9 =	sadd.s32 $0xFFFFFFFF, s12;
	s18 =	simm.s32 $0x1B880;
	[sflag:s28] =	ssyncset.done $0x0  }
.LBB2_14:
0x122: {  	p2 =	sne.s32 s9, $0x1;
	s9 =	sadd.s32 $0xFFFFFFFF, s9;
	[sflag:s28] =	ssyncadd.s32 $0xFFFFFB00  }
.Ltmp11:
0x123: {  	(pc) =	sbr.rel @p2 .LBB2_14-.Ltmp11, $3  }
0x124: {  	_ =	sdelay $0x1  }
0x125: {  	_ =	swait.ge [sflag:s28], $0x500  }
0x126: {  	[sflag:s28] =	ssyncset.done $0x0  }
.LBB2_15:
0x127: {  	[sflag:s28] =	ssyncadd.s32 $0xFFFFFB00;
	s11 =	rddreg [dreg:$0xb]  }
0x128: {  	[tilespmem:s29], [sflag:$0x9] =	stream.linear.gather [spmem:s11], $0x50, $0x38;
	[tilespmem:$0x1E6F8] =	vst v63  }
0x129: {  	_ =	swait.ge [sflag:s30], $0x50  }
.Ltmp12:
0x12a: {  	[sflag:s30] =	ssyncset.done $0x0;
	(pc) =	sbr.rel @!p1 .LBB2_17-.Ltmp12, $4  }
0x12b: {  	s13 =	rddreg [dreg:$0xf];
	[sflag:s30] =	ssyncadd.s32 $0xFFFFFFB0  }
0x12c: {  	[hbm4b:s13+s5] =	stream.linear.scatter [tilespmem:s29], [sflag:$0x9], $0x50, $0x38;
	[tilespmem:$0x1E6F8] =	vst v63  }
0x12d: {  	_ =	swait.ge [sflag:s30], $0x50  }
0x12e: {  	s9 =	sadd.s32 $0xFFFFFFFF, s12;
	s10 =	smov.u32 s11;
	[sflag:s30] =	ssyncset.done $0x0  }
.LBB2_16:
0x12f: {  	[sflag:s30] =	ssyncadd.s32 $0xFFFFFFB0;
	s10 =	sadd.s32 $0x50, s10;
	s13 =	sadd.s32 $0xA, s13  }
0x130: {  	[tilespmem:s29], [sflag:$0x9] =	stream.linear.gather [spmem:s10], $0x50, $0x38;
	[tilespmem:$0x1E6F8] =	vst v63  }
0x131: {  	p1 =	sne.s32 s9, $0x1;
	s9 =	sadd.s32 $0xFFFFFFFF, s9;
	_ =	swait.ge [sflag:s30], $0x50  }
.Ltmp13:
0x132: {  	[sflag:s30] =	ssyncset.done $0x0;
	(pc) =	sbr.rel @p1 .LBB2_16-.Ltmp13, $4  }
0x133: {  	[sflag:s30] =	ssyncadd.s32 $0xFFFFFFB0  }
0x134: {  	[hbm4b:s13+s5] =	stream.linear.scatter [tilespmem:s29], [sflag:$0x9], $0x50, $0x38;
	[tilespmem:$0x1E6F8] =	vst v63  }
0x135: {  	_ =	swait.ge [sflag:s30], $0x50  }
0x136: {  	[sflag:s30] =	ssyncset.done $0x0  }
.LBB2_17:
0x137: {  	s10 =	rddreg [dreg:$0x10]  }
0x138: {  	s9 =	rddreg [dreg:$0xc];
	s10 =	sadd.s32 $0x1, s10  }
0x139: {  	p1 =	sne.s32 s10, s9  }
.Ltmp14:
0x13a: {  	_ = 	snop;
	(pc) =	sbr.rel @p1 .LBB2_1-.Ltmp14, $2  }
0x13b: {  	_ =	sdelay $0x2  }
0x13c: {  	[sflag:s30] =	ssyncadd.s32 $0xFFFFFFB0  }
0x13d: {  	_ =	sfence.sel $0x180000  }
0x13e: {  	[bflag:$0x0] =	sbarrier.arrive $0xFFFF  }
0x13f: {  	_ =	strace $0x90000047  }
0x140: {  	s0 =	stileid.u32;
	[bflag:$0x2] =	sbarrier.arrive $0xFFFF  }
0x141: {  	p0 =	sne.s32 s0, $0x0;
	s0 =	rddreg [dreg:$0x5]  }
0x142: {  	s0 =	sadd.s32 @!p0 $0x100000, s0  }
0x143: {  	[sflag:s0] =	ssyncadd.tile.s32 @!p0 $0x1;
	_ =	shalt  }
.Lfunc_end2:
_tile_overlayer_lowered:
.L_overlay_start_2:
0x144: {  	(tag) =	ssettag $0x2  }
0x145: {  	s0 =	rddreg [dreg:$0x0];
	s2 =	stileid.u32  }
0x146: {  	s1 =	rddreg [dreg:$0x1];
	p0 =	sne.s32 s2, $0x0  }
0x147: {  	s3 =	rddreg [dreg:$0x2];
	[bflag:$0x3] =	sbarrier.arrive $0xFFFF;
	s2 =	simm.s32 @!p0 $0x1C09  }
0x148: {  	[timem:s3], [sflag:s2] =	dma.local @!p0 [hbm:s0], s1  }
0x149: {  	s0 =	simm.s32 @!p0 $0x9  }
0x14a: {  	_ =	swait.ge @!p0 [sflag:s0], s1  }
0x14b: {  	s1 =	ssub.s32 @!p0 $0x0, s1;
	[sflag:s0] =	ssyncset.done @!p0 $0x0  }
0x14c: {  	[sflag:s0] =	ssyncadd.s32 @!p0 s1  }
0x14d: {  	[bflag:$0x3] =	sbarrier.arrive $0xFFFF  }
0x14e: {  	_ =	shalt  }

// kernel: kernel.9.cloned.1.call-start
scs
__scs_entry_jumppad:
0x0: {  	(pc) =	sbr.rel $0x88, $3  }
0x1: {  	(tag) =	ssettag $0x0;
	lr =	simm.s32 $0x1  }
0x2: {  	[smem:$0x3F9D] =	sst lr;
	_ =	strace $0xD0000000  }
0x3: {  	_ = 	snop  }
0x4: {  	_ = 	snop  }
0x5: {  	_ = 	snop  }
0x6: {  	_ = 	snop  }
0x7: {  	_ = 	snop  }
__scs_overlays_trampoline_lowered:
0x8: {  	[smem:$0x3FAC] =	sst s0  }
0x9: {  	[smem:$0x3FAD] =	sst s1  }
0xa: {  	[smem:$0x3FAE] =	sst s2  }
0xb: {  	[smem:$0x3FAF] =	sst s3  }
0xc: {  	[smem:$0x3FB0] =	sst s4  }
0xd: {  	[smem:$0x3FB1] =	sst s5  }
0xe: {  	[smem:$0x3FB2] =	sst s6  }
0xf: {  	[smem:$0x3FB3] =	sst s7  }
0x10: {  	[smem:$0x3FB4] =	sst s8  }
0x11: {  	[smem:$0x3FB5] =	sst s9;
	s0 =	simm.s32 @!p0 $0x0  }
0x12: {  	s1 =	sld [smem:$0x3F9B];
	s0 =	simm.s32 @p0 $0x1  }
0x13: {  	[smem:$0x3FB6] =	sst s0;
	s0 =	simm.s32 @!p1 $0x0  }
0x14: {  	s2 =	sld [smem:$0x3F9A];
	s0 =	simm.s32 @p1 $0x1  }
0x15: {  	[smem:$0x3FB7] =	sst s0;
	s0 =	simm.s32 @!p2 $0x0  }
0x16: {  	s3 =	sld [smem:$0x3FDB];
	s0 =	simm.s32 @p2 $0x1  }
0x17: {  	s4 =	simm.s32 $0x1BF5;
	[smem:$0x3FB9] =	sst s0  }
0x18: {  	s0 =	sld [smem:$0x3F9C];
	_ =	swait.ge [sflag:s4], $0x0  }
0x19: {  	s7 =	sld [smem:$0x3F9D]  }
0x1a: {  	s8 =	sadd.s32 $0xFFFFE003, lr  }
0x1b: {  	s9 =	sadd.s32 $0xFFFFFEF7, lr;
	s5 =	simm.s32 $0xFFFFFFFF;
	p2 =	slt.u32 s8, $0xFFFFF086  }
0x1c: {  	p1 =	slt.u32 s9, $0xF7A;
	s5 =	simm.s32 @!p2 $0x0  }
0x1d: {  	s5 =	simm.s32 @p1 $0x1;
	p0 =	seq.s32 s7, s2  }
0x1e: {  	s7 =	smul.u32 @!p0 $0xF7A, s2;
	p2 =	seq.s32 @!p0 s5, $0x0  }
0x1f: {  	s9 =	smul.u32 $0xF7A, s1;
	s8 =	simm.s32 @!p0 $0x1BF5;
	p2 =	por !p2, p0  }
0x20: {  	[sflag:s8] =	ssyncset.s32 @!p0 $0xFFFFF086;
	s6 =	sadd.s32 @!p0 s3, s7;
	s7 =	simm.s32 @!p0 $0x108  }
0x21: {  	s3 =	sadd.s32 s3, s9;
	s6 =	sadd.s32 @!p0 $0x88, s6;
	s7 =	simm.s32 @p2 $0x1082  }
0x22: {  	[simem:s7], [sflag:s8] =	dma.local @!p0 [hbm:s6], $0xF7A  }
0x23: {  	s9 =	sor.u32 $0xD0000000, s2;
	s6 =	simm.s32 $0x108;
	_ =	swait.ge @!p0 [sflag:s8], $0x0  }
0x24: {  	s3 =	sadd.s32 $0x88, s3;
	s6 =	simm.s32 @!p1 $0x1082;
	[sflag:s4] =	ssyncset.s32 $0xFFFFF086  }
0x25: {  	[simem:s6], [sflag:s4] =	dma.local [hbm:s3], $0xF7A  }
0x26: {  	[smem:$0x3F9D] =	sst s1;
	(tag) =	ssettag s2;
	_ =	strace s9  }
0x27: {  	s1 =	sld [smem:$0x3FAD]  }
0x28: {  	s2 =	sld [smem:$0x3FAE]  }
0x29: {  	s4 =	sld [smem:$0x3FB0]  }
0x2a: {  	p0 =	seq.s32 s5, $0x0;
	s5 =	sld [smem:$0x3FB1]  }
0x2b: {  	s6 =	sld [smem:$0x3FB2]  }
0x2c: {  	s7 =	sld [smem:$0x3FB3]  }
0x2d: {  	s3 =	simm.s32 $0x108;
	s8 =	sld [smem:$0x3FB4]  }
0x2e: {  	s3 =	simm.s32 @!p0 $0x1082;
	s9 =	sld [smem:$0x3FB5]  }
0x2f: {  	lr =	sadd.s32 s0, s3;
	s0 =	sld [smem:$0x3FAC]  }
0x30: {  	s3 =	sld [smem:$0x3FAF]  }
0x31: {  	[smem:$0x3FB8] =	sst s10  }
0x32: {  	s10 =	sld [smem:$0x3FB6];
	_ =	sdelay $0x3  }
0x33: {  	p0 =	seq.s32 s10, $0x1;
	s10 =	sld [smem:$0x3FB8];
	_ =	sdelay $0x3  }
0x34: {  	[smem:$0x3FB8] =	sst s10  }
0x35: {  	s10 =	sld [smem:$0x3FB7];
	_ =	sdelay $0x3  }
0x36: {  	p1 =	seq.s32 s10, $0x1;
	s10 =	sld [smem:$0x3FB8];
	_ =	sdelay $0x3  }
0x37: {  	[smem:$0x3FB8] =	sst s10  }
0x38: {  	s10 =	sld [smem:$0x3FB9]  }
0x39: {  	_ = 	snop;
	(pc) =	sbr.ind lr, $3  }
0x3a: {  	_ = 	snop  }
0x3b: {  	_ = 	snop  }
0x3c: {  	p2 =	seq.s32 s10, $0x1;
	s10 =	sld [smem:$0x3FB8]  }
0x3d: {  	_ =	shalt  }
0x3e: {  	_ =	shalt  }
0x3f: {  	_ =	shalt  }
0x40: {  	_ =	shalt  }
0x41: {  	_ =	shalt  }
0x42: {  	_ =	shalt  }
0x43: {  	_ =	shalt  }
0x44: {  	_ =	shalt  }
0x45: {  	_ =	shalt  }
0x46: {  	_ =	shalt  }
0x47: {  	_ =	shalt  }
0x48: {  	_ =	shalt  }
0x49: {  	_ =	shalt  }
0x4a: {  	_ =	shalt  }
0x4b: {  	_ =	shalt  }
0x4c: {  	_ =	shalt  }
0x4d: {  	_ =	shalt  }
0x4e: {  	_ =	shalt  }
0x4f: {  	_ =	shalt  }
0x50: {  	_ =	shalt  }
0x51: {  	_ =	shalt  }
0x52: {  	_ =	shalt  }
0x53: {  	_ =	shalt  }
0x54: {  	_ =	shalt  }
0x55: {  	_ =	shalt  }
0x56: {  	_ =	shalt  }
0x57: {  	_ =	shalt  }
0x58: {  	_ =	shalt  }
0x59: {  	_ =	shalt  }
0x5a: {  	_ =	shalt  }
0x5b: {  	_ =	shalt  }
0x5c: {  	_ =	shalt  }
0x5d: {  	_ =	shalt  }
0x5e: {  	_ =	shalt  }
0x5f: {  	_ =	shalt  }
0x60: {  	_ =	shalt  }
0x61: {  	_ =	shalt  }
0x62: {  	_ =	shalt  }
0x63: {  	_ =	shalt  }
0x64: {  	_ =	shalt  }
0x65: {  	_ =	shalt  }
0x66: {  	_ =	shalt  }
0x67: {  	_ =	shalt  }
0x68: {  	_ =	shalt  }
0x69: {  	_ =	shalt  }
0x6a: {  	_ =	shalt  }
0x6b: {  	_ =	shalt  }
0x6c: {  	_ =	shalt  }
0x6d: {  	_ =	shalt  }
0x6e: {  	_ =	shalt  }
0x6f: {  	_ =	shalt  }
0x70: {  	_ =	shalt  }
0x71: {  	_ =	shalt  }
0x72: {  	_ =	shalt  }
0x73: {  	_ =	shalt  }
0x74: {  	_ =	shalt  }
0x75: {  	_ =	shalt  }
0x76: {  	_ =	shalt  }
0x77: {  	_ =	shalt  }
0x78: {  	_ =	shalt  }
0x79: {  	_ =	shalt  }
0x7a: {  	_ =	shalt  }
0x7b: {  	_ =	shalt  }
0x7c: {  	_ =	shalt  }
0x7d: {  	_ =	shalt  }
0x7e: {  	_ =	shalt  }
0x7f: {  	_ =	shalt  }
0x80: {  	_ =	shalt  }
0x81: {  	_ =	shalt  }
0x82: {  	_ =	shalt  }
0x83: {  	_ =	shalt  }
0x84: {  	_ =	shalt  }
0x85: {  	_ =	shalt  }
0x86: {  	_ =	shalt  }
0x87: {  	_ =	shalt  }
.Lfunc_end0:
.L_simem_size_0:
called_computation.1_lowered:
.L_overlay_start_0:
0x88: {  	s2 =	sld [smem:$0x3FD9]  }
0x89: {  	s3 =	sld [smem:$0x3FFE];
	_ =	sdelay $0x1  }
0x8a: {  	s1 =	srdreg.scid  }
0x8b: {  	s0 =	sand.u32 $0x1, s1  }
0x8c: {  	s17 =	sshll.u32 s0, $0xA;
	s2 =	sadd.s32 s3, s2  }
0x8d: {  	s2 =	sadd.s32 s2, s17  }
0x8e: {  	[smem:$0x3FC4] =	sst s2  }
0x8f: {  	_ = 	snop  }
0x90: {  	s2 =	sld [smem:$0x3FD0];
	(tm) =	ssettm $0x1  }
0x91: {  	s18 =	sld [smem:$0x3FFB];
	_ =	sdelay $0x3  }
0x92: {  	_ =	strace s18  }
0x93: {  	s3 =	sld [smem:$0x3FFC];
	_ =	sdelay $0x3  }
0x94: {  	_ =	strace s3  }
0x95: {  	s3 =	sld [smem:$0x3FFD];
	_ =	sdelay $0x3  }
0x96: {  	_ =	strace s3  }
0x97: {  	_ =	strace $0x8FFFFFFF  }
0x98: {  	s19 =	sld [smem:$0x3FDB];
	_ =	sdelay $0x1  }
0x99: {  	s4 =	simm.s32 $_scs_section_size  }
0x9a: {  	s5 =	simm.s32 $_size__tile_overlayer_lowered;
	s6 =	simm.s32 $_tile_overlayer_lowered  }
0x9b: {  	s22 =	simm.s32 $0x1BFF;
	s21 =	sshll.u32 s6, $0x1;
	s3 =	sadd.s32 s4, s19  }
0x9c: {  	s7 =	simm.s32 $0x0;
	s20 =	sshll.u32 s5, $0x1;
	s5 =	sadd.s32 s21, s3  }
0x9d: {  	[timem:s7], [sflag:s22] =	dma.local [hbm:s5], s20  }
0x9e: {  	_ =	swait.ge [sflag:s22], s20  }
0x9f: {  	s4 =	ssub.s32 $0x0, s20;
	[sflag:s22] =	ssyncset.done $0x0  }
0xa0: {  	[sflag:s22] =	ssyncadd.s32 s4;
	_ =	sdelay $0x1  }
0xa1: {  	s23 =	simm.s32 $0x1B8B  }
0xa2: {  	_ =	swait.ge [sflag:s23], $0x1  }
0xa3: {  	[sflag:s23] =	ssyncset.done $0x0  }
0xa4: {  	s25 =	simm.s32 $0x1B8E;
	s24 =	sld [smem:$0x3FFE];
	[sflag:s23] =	ssyncadd.s32 $0xFFFFFFFF  }
0xa5: {  	s26 =	simm.s32 $execute0_lowered;
	[smem:$0x3FD2] =	sst s25  }
0xa6: {  	s5 =	sshll.u32 s26, $0x1;
	_ =	strace $0x80000049;
	[dreg:$0x1] =	wrdreg $0xFFFFFFFF  }
0xa7: {  	s28 =	simm.s32 $_size_execute0_lowered;
	s3 =	sadd.s32 s3, s5;
	[dreg:$0x0] =	wrdreg $0x0  }
0xa8: {  	s5 =	sshll.u32 s28, $0x1;
	[dreg:$0x2] =	wrdreg s3  }
0xa9: {  	[dreg:$0x3] =	wrdreg s5  }
0xaa: {  	[dreg:$0x4] =	wrdreg $0xC0  }
0xab: {  	_ =	task [dreg:s7], $0x5FFFF  }
0xac: {  	[dreg:$0x1] =	wrdreg $0xFFFFFFFF  }
0xad: {  	[dreg:$0x0] =	wrdreg $0x60  }
0xae: {  	[dreg:$0x2] =	wrdreg s2  }
0xaf: {  	[dreg:$0x3] =	wrdreg s24  }
0xb0: {  	[dreg:$0x4] =	wrdreg $0x0  }
0xb1: {  	[dreg:$0x5] =	wrdreg $0x9  }
0xb2: {  	_ =	task.clear_ibuf [dreg:s7], $0x6FFFF;
	_ =	strace $0x90000049  }
0xb3: {  	s29 =	simm.s32 $0x9;
	_ =	strace $0x8000004B  }
0xb4: {  	_ =	swait.ge [sflag:s29], $0x1  }
0xb5: {  	[sflag:s29] =	ssyncadd.s32 $0xFFFFFFFF  }
0xb6: {  	_ =	strace $0x9000004B  }
0xb7: {  	_ =	sfence  }
0xb8: {  	s30 =	sld [smem:$0x0];
	_ =	sdelay $0x2  }
0xb9: {  	s31 =	sshll.u32 s1, $0xD;
	s1 =	sshrl.u32 s1, $0x2  }
0xba: {  	s3 =	sand.u32 $0x4000, s31;
	s1 =	sadd.s32 s1, s30  }
0xbb: {  	s0 =	sor.u32 s3, s0;
	s1 =	sshll.u32 s1, $0x11  }
0xbc: {  	s0 =	sor.u32 s1, s0  }
0xbd: {  	s0 =	sadd.s32 $0x8F2B, s0  }
0xbe: {  	[sflag:s0] =	ssyncadd.remote.s32 $0x1  }
0xbf: {  	_ =	sfence.sel $0xFFFF  }
0xc0: {  	[dreg:$0x0] =	wrdreg $0xFFFFFFFF;
	(pc) =	sbr.abs _section_cstart, $3  }
0xc1: {  	[dreg:$0x1] =	wrdreg $0xFFFFFFFF  }
0xc2: {  	_ =	task.clear_ibuf [dreg:s7], $0x2FFFF;
	_ =	strace $0x9FFFFFFF  }
0xc3: {  	(tm) =	ssettm $0x7FFFFFFF  }
tec
execute0_lowered:
.L_overlay_start_1:
0x0: {  	(tag) =	ssettag $0x1  }
0x1: {  	s1 =	rddreg [dreg:$0x0]  }
0x2: {  	s0 =	rddreg [dreg:$0x1]  }
0x3: {  	s2 =	rddreg [dreg:$0x2];
	s3 =	srdreg.scid;
	s5 =	simm.s32 $0x0  }
0x4: {  	s13 =	stileid.u32;
	s29 =	simm.s32 $0x15D40;
	s31 =	simm.s32 $0x15DC0  }
0x5: {  	s28 =	simm.s32 $0x16540;
	s3 =	sand.u32 $0x1, s3;
	s14 =	smul.u32 $0xA000, s13  }
0x6: {  	[smem:$0x7FF] =	sst s5;
	s6 =	sadd.s32 $0xAA00, s0;
	s21 =	smul.u32 $0x280, s13  }
0x7: {  	s7 =	sadd.s32 $0xC00, s0;
	s5 =	simm.s32 $0x4F;
	s4 =	smul.u32 $0x9C400, s3  }
0x8: {  	_ =	strace $0x8000004A;
	s8 =	ssub.s32 $0x2, s3;
	s15 =	sshll.u32 s3, $0x4  }
0x9: {  	s3 =	sshll.u32 s3, $0x8;
	s16 =	sshrl.u32 s8, $0x1;
	s9 =	sor.u32 s13, s15  }
0xa: {  	s4 =	sadd.s32 s14, s4;
	p0 =	slt.u32 s9, $0x4;
	s10 =	sshll.u32 s9, $0x4  }
0xb: {  	s4 =	sshrl.u32 s4, $0x3;
	s5 =	simm.s32 @!p0 $0x4E;
	s17 =	sor.u32 $0x200, s10  }
0xc: {  	s11 =	sadd.s32 s6, s10;
	s18 =	sadd.s32 s7, s10;
	s20 =	sor.u32 $0x400, s10  }
0xd: {  	s22 =	sor.u32 $0x600, s10;
	s24 =	sor.u32 $0x800, s10;
	s10 =	sor.u32 $0xA00, s10  }
0xe: {  	p0 =	sgt.u32 s9, $0x3;
	s9 =	simm.s32 $0xBC40;
	[dreg:$0xa] =	wrdreg s11  }
0xf: {  	s0 =	sadd.s32 s4, s0;
	[dreg:$0xb] =	wrdreg s18;
	s19 =	sadd.s32 s6, s17  }
0x10: {  	s4 =	ssub.s32 s8, s16;
	s8 =	sadd.s32 s7, s17;
	[dreg:$0xc] =	wrdreg s19  }
0x11: {  	s12 =	sadd.s32 s6, s20;
	s23 =	sadd.s32 s6, s22;
	[dreg:$0xd] =	wrdreg s8  }
0x12: {  	s11 =	ssub.s32 $0x2710, s21;
	s25 =	sadd.s32 s6, s24;
	[dreg:$0xe] =	wrdreg s12  }
0x13: {  	s14 =	sadd.s32 s7, s24;
	s15 =	sadd.s32 s6, s10;
	[dreg:$0x10] =	wrdreg s23  }
0x14: {  	s10 =	sadd.s32 s7, s10;
	s6 =	sadd.s32 s3, s6;
	[dreg:$0x12] =	wrdreg s25  }
0x15: {  	s16 =	sshll.u32 s13, $0x4;
	s3 =	sadd.s32 s3, s7;
	[dreg:$0x13] =	wrdreg s14  }
0x16: {  	s17 =	simm.s32 $0x16240;
	s18 =	simm.s32 $0x162C0;
	[dreg:$0x14] =	wrdreg s15  }
0x17: {  	s21 =	smul.u32 $0x28000, s13;
	s13 =	simm.s32 $0x8;
	[dreg:$0x15] =	wrdreg s10  }
0x18: {  	s8 =	sadd.s32 s7, s20;
	s26 =	smin.u32 s11, $0x280;
	[dreg:$0x4] =	wrdreg s17  }
0x19: {  	s19 =	sadd.s32 s16, s6;
	s20 =	sadd.s32 s16, s3;
	[dreg:$0x5] =	wrdreg s18  }
0x1a: {  	s4 =	smax.u32 s4, $0x1;
	s23 =	simm.s32 $0x163C0;
	s25 =	simm.s32 $0x16440  }
0x1b: {  	s0 =	sadd.s32 $0x14800, s0;
	s6 =	simm.s32 $0x15CC0;
	s3 =	simm.s32 $0x80  }
0x1c: {  	s10 =	simm.s32 $0x7;
	s11 =	simm.s32 $0x3;
	s12 =	simm.s32 $0xDC40  }
0x1d: {  	s14 =	simm.s32 $0x4;
	s15 =	simm.s32 $0xFC40;
	[dreg:$0xf] =	wrdreg s8  }
0x1e: {  	s16 =	simm.s32 $0x9;
	s17 =	simm.s32 $0x5;
	[dreg:$0x17] =	wrdreg s4  }
0x1f: {  	s18 =	simm.s32 $0xC;
	s8 =	sadd.s32 s7, s22;
	[dreg:$0x7] =	wrdreg s23  }
0x20: {  	s22 =	simm.s32 $0x16340;
	s24 =	sshrl.u32 s21, $0x2;
	[dreg:$0x8] =	wrdreg s25  }
0x21: {  	[dreg:$0x19] =	wrdreg s0;
	s7 =	simm.s32 $0xD;
	s21 =	simm.s32 $0x11C40  }
0x22: {  	s23 =	simm.s32 $0x6;
	s0 =	simm.s32 $0x13C40;
	[dreg:$0x11] =	wrdreg s8  }
0x23: {  	s8 =	smul.u32 $0x334, s26;
	[dreg:$0x6] =	wrdreg s22;
	s4 =	sadd.s32 s24, s2  }
0x24: {  	s25 =	simm.s32 $0x0;
	s26 =	simm.s32 $0x164C0;
	[dreg:$0x18] =	wrdreg s4  }
0x25: {  	s24 =	simm.s32 $0xA;
	[dreg:$0x9] =	wrdreg s26;
	s30 =	sshrl.u32 s8, $0x10  }
0x26: {  	v0 =	vimm.f32 $0.0e+00;
	s22 =	simm.s32 $0xB;
	s8 =	simm.s32 $0x2;
	[dreg:$0x16] =	wrdreg s30  }
.LBB2_1:
0x27: {  	[dreg:$0x1a] =	wrdreg s25  }
0x28: {  	s25 =	simm.s32 $0x0;
	s4 =	rddreg [dreg:$0xa];
	s26 =	simm.s32 $0x15C40  }
0x29: {  	[tilespmem:s26], [sflag:$0x1] =	stream.linear.gather [hbm4b:s4+s25], $0x80, $0x38;
	[tilespmem:$0x17940] =	vst v63  }
0x2a: {  	s4 =	rddreg [dreg:$0xb];
	s26 =	simm.s32 $0x15F40  }
0x2b: {  	[tilespmem:s26], [sflag:$0x1] =	stream.linear.gather [hbm4b:s4+s25], $0x80, $0x38;
	[tilespmem:$0x17940] =	vst v63  }
0x2c: {  	s26 =	rddreg [dreg:$0xc]  }
0x2d: {  	[tilespmem:s6], [sflag:$0x2] =	stream.linear.gather [hbm4b:s26+s25], $0x80, $0x38;
	[tilespmem:$0x17940] =	vst v63  }
0x2e: {  	s6 =	rddreg [dreg:$0xd];
	s26 =	simm.s32 $0x15FC0  }
0x2f: {  	[tilespmem:s26], [sflag:$0x2] =	stream.linear.gather [hbm4b:s6+s25], $0x80, $0x38;
	[tilespmem:$0x17940] =	vst v63  }
0x30: {  	s26 =	rddreg [dreg:$0xe]  }
0x31: {  	[tilespmem:s29], [sflag:$0x3] =	stream.linear.gather [hbm4b:s26+s25], $0x80, $0x38;
	[tilespmem:$0x17940] =	vst v63  }
0x32: {  	s6 =	rddreg [dreg:$0xf];
	s26 =	simm.s32 $0x16040  }
0x33: {  	[tilespmem:s26], [sflag:$0x3] =	stream.linear.gather [hbm4b:s6+s25], $0x80, $0x38;
	[tilespmem:$0x17940] =	vst v63  }
0x34: {  	s6 =	rddreg [dreg:$0x10]  }
0x35: {  	[tilespmem:s31], [sflag:$0x4] =	stream.linear.gather [hbm4b:s6+s25], $0x80, $0x38;
	[tilespmem:$0x17940] =	vst v63  }
0x36: {  	s26 =	rddreg [dreg:$0x11];
	s31 =	simm.s32 $0x160C0  }
0x37: {  	[tilespmem:s31], [sflag:$0x4] =	stream.linear.gather [hbm4b:s26+s25], $0x80, $0x38;
	[tilespmem:$0x17940] =	vst v63  }
0x38: {  	s26 =	rddreg [dreg:$0x12];
	s31 =	simm.s32 $0x15E40  }
0x39: {  	[tilespmem:s31], [sflag:$0x5] =	stream.linear.gather [hbm4b:s26+s25], $0x80, $0x38;
	[tilespmem:$0x17940] =	vst v63  }
0x3a: {  	s26 =	rddreg [dreg:$0x13];
	s31 =	simm.s32 $0x16140  }
0x3b: {  	[tilespmem:s31], [sflag:$0x5] =	stream.linear.gather [hbm4b:s26+s25], $0x80, $0x38;
	[tilespmem:$0x17940] =	vst v63  }
0x3c: {  	s26 =	rddreg [dreg:$0x14];
	s31 =	simm.s32 $0x15EC0  }
0x3d: {  	[tilespmem:s31], [sflag:$0x6] =	stream.linear.gather [hbm4b:s26+s25], $0x80, $0x38;
	[tilespmem:$0x17940] =	vst v63  }
0x3e: {  	s26 =	rddreg [dreg:$0x15];
	s31 =	simm.s32 $0x161C0  }
0x3f: {  	[tilespmem:s31], [sflag:$0x6] =	stream.linear.gather [hbm4b:s26+s25], $0x80, $0x38;
	[tilespmem:$0x17940] =	vst v63  }
0x40: {  	s26 =	sand.u32 $0x7F00, s25  }
0x41: {  	s31 =	sand.u32 $0x30, s25;
	s29 =	sshrl.u32 s26, $0x2  }
0x42: {  	s4 =	simm.s32 $0x40;
	s26 =	simm.s32 $0x0;
	s29 =	sor.u32 s31, s29  }
.LBB2_2:
0x43: {  	p1 =	sne.s32 s4, $0x4FC0  }
0x44: {  	[tilespmem:s29+$0x16540] =	vst v0;
	s26 =	sadd.s32 $0x10, s26;
	s29 =	smov.u32 s4;
	s4 =	sadd.s32 $0x40, s4  }
.Ltmp0:
0x45: {  	(pc) =	sbr.rel @p1 .LBB2_2-.Ltmp0, $4  }
0x46: {  	_ = 	snop  }
0x47: {  	s29 =	sand.u32 $0x7F00, s29  }
0x48: {  	s31 =	sand.u32 $0x30, s26;
	s29 =	sshrl.u32 s29, $0x2  }
0x49: {  	s29 =	sor.u32 s31, s29  }
0x4a: {  	p1 =	sne.s32 s30, $0x1  }
.Ltmp1:
0x4b: {  	_ = 	snop;
	(pc) =	sbr.rel @!p1 .LBB2_5-.Ltmp1, $3  }
0x4c: {  	_ =	sdelay $0x1  }
0x4d: {  	[tilespmem:s29+$0x16540] =	vst v0;
	s26 =	rddreg [dreg:$0x18];
	s4 =	sadd.s32 $0xFFFFFFFF, s30;
	s6 =	simm.s32 $0x9C40  }
0x4e: {  	[spmem:s26] =	stream.linear.scatter [tilespmem:s28], [sflag:$0xD], $0x1400, $0x38;
	[tilespmem:$0x17940] =	vst v63  }
.LBB2_4:
0x4f: {  	p2 =	sne.s32 s4, $0x1  }
.Ltmp2:
0x50: {  	_ = 	snop;
	(pc) =	sbr.rel @p2 .LBB2_4-.Ltmp2, $3  }
0x51: {  	_ = 	snop  }
0x52: {  	s4 =	sadd.s32 $0xFFFFFFFF, s4;
	s26 =	sadd.s32 $0x1400, s26;
	_ =	sdelay $0x1  }
0x53: {  	[spmem:s26] =	stream.linear.scatter [tilespmem:s28], [sflag:$0xD], $0x1400, $0x38;
	[tilespmem:$0x17940] =	vst v63  }
.LBB2_5:
0x54: {  	s4 =	simm.s32 $0x1  }
0x55: {  	_ =	swait.ge [sflag:s4], $0x80  }
0x56: {  	[sflag:s4] =	ssyncset.done $0x0  }
0x57: {  	[sflag:s4] =	ssyncadd.s32 $0xFFFFFF80  }
0x58: {  	_ =	swait.ge [sflag:s4], $0x80  }
.Ltmp3:
0x59: {  	[sflag:s4] =	ssyncset.done $0x0;
	(pc) =	sbr.rel @!p1 .LBB2_7-.Ltmp3, $4  }
0x5a: {  	s31 =	simm.s32 $0x15C40;
	[sflag:s4] =	ssyncadd.s32 $0xFFFFFF80  }
0x5b: {  	[tilespmem:s6], [sflag:$0x7] =	stream.indirect.gather [hbm4b:s1+s3], $0x40, s31, s3, $0xb8;
	[tilespmem:$0x17940] =	vst v63  }
0x5c: {  	_ =	swait.ge [sflag:s7], $0x1400  }
0x5d: {  	s4 =	sadd.s32 $0xFFFFFFFF, s30;
	[sflag:s7] =	ssyncset.done $0x0  }
.LBB2_6:
0x5e: {  	p2 =	sne.s32 s4, $0x1;
	s4 =	sadd.s32 $0xFFFFFFFF, s4;
	[sflag:s7] =	ssyncadd.s32 $0xFFFFEC00  }
.Ltmp4:
0x5f: {  	(pc) =	sbr.rel @p2 .LBB2_6-.Ltmp4, $3  }
0x60: {  	_ =	sdelay $0x1  }
0x61: {  	_ =	swait.ge [sflag:s7], $0x1400  }
0x62: {  	[sflag:s7] =	ssyncset.done $0x0  }
.LBB2_7:
0x63: {  	[sflag:s7] =	ssyncadd.s32 $0xFFFFEC00;
	s4 =	simm.s32 $0x0  }
0x64: {  	s26 =	simm.s32 $0xB;
	s6 =	simm.s32 $0x9C40;
	[bflag:$0x0] =	sbarrier.arrive $0xFFFF  }
.LBB2_8:
0x65: {  	_ =	swait.ge [sflag:s8], $0x80  }
0x66: {  	[sflag:s8] =	ssyncset.done $0x0  }
0x67: {  	[sflag:s8] =	ssyncadd.s32 $0xFFFFFF80  }
0x68: {  	_ =	swait.ge [sflag:s8], $0x80  }
0x69: {  	p3 =	seq.s32 s4, $0x0;
	[sflag:s8] =	ssyncset.done $0x0  }
0x6a: {  	s29 =	simm.s32 @!p3 $0xE;
	[sflag:s8] =	ssyncadd.s32 $0xFFFFFF80  }
0x6b: {  	_ =	swait.ge @!p3 [sflag:s29], $0x2000  }
0x6c: {  	[sflag:s29] =	ssyncset.done @!p3 $0x0  }
0x6d: {  	s25 =	simm.s32 $0x15CC0;
	[sflag:s29] =	ssyncadd.s32 @!p3 $0xFFFFE000  }
0x6e: {  	[tilespmem:s9], [sflag:$0x8] =	stream.indirect.gather [hbm4b:s1+s3], $0x40, s25, s3, $0xb8;
	[tilespmem:$0x17940] =	vst v63  }
0x6f: {  	_ =	swait.ge [sflag:s10], $0x2000  }
0x70: {  	[sflag:s10] =	ssyncset.done $0x0  }
0x71: {  	[sflag:s10] =	ssyncadd.s32 $0xFFFFE000  }
0x72: {  	v1 =	vld [tilespmem:$0x15F40]  }
0x73: {  	v2 =	vld [tilespmem:$0x15F50]  }
0x74: {  	v3 =	vld [tilespmem:$0x15F60]  }
0x75: {  	v4 =	vld [tilespmem:$0x15F70]  }
0x76: {  	v5 =	vld [tilespmem:$0x15F80]  }
0x77: {  	[tilespmem:$0x16240] =	vst v1;
	v1 =	vld [tilespmem:$0x15F90]  }
0x78: {  	[tilespmem:$0x16250] =	vst v2;
	v2 =	vld [tilespmem:$0x15FA0]  }
0x79: {  	[tilespmem:$0x16260] =	vst v3;
	v3 =	vld [tilespmem:$0x15FB0]  }
0x7a: {  	[tilespmem:$0x16270] =	vst v4  }
0x7b: {  	[tilespmem:$0x16280] =	vst v5  }
0x7c: {  	s30 =	sadd.s32 $0xFFFFFFFB, s26;
	[tilespmem:$0x16290] =	vst v1  }
0x7d: {  	p2 =	sge.u32 s30, s5;
	[tilespmem:$0x162A0] =	vst v2  }
0x7e: {  	s29 =	sadd.s32 @!p2 s4, s19;
	s25 =	rddreg [dreg:$0x4];
	[tilespmem:$0x162B0] =	vst v3  }
0x7f: {  	[spmem:s2] =	stream.indirect.scatter.add.f32 [tilespmem:s6], [sflag:$0xD], $0x40, s25, s3, $0xb8;
	[tilespmem:$0x17940] =	vst v63  }
0x80: {  	s31 =	sadd.s32 @!p2 $0xC00, s29;
	s29 =	simm.s32 @!p2 $0x15C40;
	s25 =	simm.s32 @!p2 $0x0  }
0x81: {  	[tilespmem:s29], [sflag:$0x1] =	stream.linear.gather @!p2 [hbm4b:s31+s25], $0x80, $0x38;
	[tilespmem:$0x17940] =	vst v63  }
0x82: {  	s31 =	sadd.s32 @!p2 s4, s20  }
0x83: {  	s30 =	simm.s32 @!p2 $0x15F40;
	s31 =	sadd.s32 @!p2 $0xC00, s31  }
0x84: {  	[tilespmem:s30], [sflag:$0x1] =	stream.linear.gather @!p2 [hbm4b:s31+s25], $0x80, $0x38;
	[tilespmem:$0x17940] =	vst v63  }
0x85: {  	_ =	swait.ge [sflag:s11], $0x80  }
0x86: {  	[sflag:s11] =	ssyncset.done $0x0  }
0x87: {  	[sflag:s11] =	ssyncadd.s32 $0xFFFFFF80  }
0x88: {  	_ =	swait.ge [sflag:s11], $0x80  }
0x89: {  	[sflag:s11] =	ssyncset.done $0x0  }
0x8a: {  	s25 =	simm.s32 @!p3 $0xF;
	[sflag:s11] =	ssyncadd.s32 $0xFFFFFF80  }
0x8b: {  	_ =	swait.ge @!p3 [sflag:s25], $0x2000  }
0x8c: {  	[sflag:s25] =	ssyncset.done @!p3 $0x0  }
0x8d: {  	s31 =	simm.s32 $0x15D40;
	[sflag:s25] =	ssyncadd.s32 @!p3 $0xFFFFE000  }
0x8e: {  	[tilespmem:s12], [sflag:$0x9] =	stream.indirect.gather [hbm4b:s1+s3], $0x40, s31, s3, $0xb8;
	[tilespmem:$0x17940] =	vst v63  }
0x8f: {  	_ =	swait.ge [sflag:s13], $0x2000  }
0x90: {  	[sflag:s13] =	ssyncset.done $0x0  }
0x91: {  	[sflag:s13] =	ssyncadd.s32 $0xFFFFE000  }
0x92: {  	v1 =	vld [tilespmem:$0x15FC0]  }
0x93: {  	v2 =	vld [tilespmem:$0x15FD0]  }
0x94: {  	v3 =	vld [tilespmem:$0x15FE0]  }
0x95: {  	v54 =	vld [tilespmem:$0x15FF0]  }
0x96: {  	v55 =	vld [tilespmem:$0x16000]  }
0x97: {  	[tilespmem:$0x162C0] =	vst v1;
	v1 =	vld [tilespmem:$0x16010]  }
0x98: {  	[tilespmem:$0x162D0] =	vst v2;
	v2 =	vld [tilespmem:$0x16020]  }
0x99: {  	[tilespmem:$0x162E0] =	vst v3;
	v3 =	vld [tilespmem:$0x16030]  }
0x9a: {  	[tilespmem:$0x162F0] =	vst v54  }
0x9b: {  	[tilespmem:$0x16300] =	vst v55  }
0x9c: {  	s31 =	sadd.s32 $0xFFFFFFFC, s26;
	[tilespmem:$0x16310] =	vst v1  }
0x9d: {  	p4 =	sge.u32 s31, s5;
	[tilespmem:$0x16320] =	vst v2  }
0x9e: {  	s30 =	rddreg [dreg:$0x5];
	s25 =	sadd.s32 @!p4 s4, s19;
	[tilespmem:$0x16330] =	vst v3  }
0x9f: {  	[spmem:s2] =	stream.indirect.scatter.add.f32 [tilespmem:s9], [sflag:$0xE], $0x40, s30, s3, $0xb8;
	[tilespmem:$0x17940] =	vst v63  }
0xa0: {  	s31 =	simm.s32 @!p4 $0x15CC0;
	s25 =	sadd.s32 @!p4 $0xE00, s25;
	s30 =	simm.s32 @!p4 $0x0  }
0xa1: {  	[tilespmem:s31], [sflag:$0x2] =	stream.linear.gather @!p4 [hbm4b:s25+s30], $0x80, $0x38;
	[tilespmem:$0x17940] =	vst v63  }
0xa2: {  	s25 =	sadd.s32 @!p4 s4, s20  }
0xa3: {  	s31 =	simm.s32 @!p4 $0x15FC0;
	s25 =	sadd.s32 @!p4 $0xE00, s25  }
0xa4: {  	[tilespmem:s31], [sflag:$0x2] =	stream.linear.gather @!p4 [hbm4b:s25+s30], $0x80, $0x38;
	[tilespmem:$0x17940] =	vst v63  }
0xa5: {  	_ =	swait.ge [sflag:s14], $0x80  }
0xa6: {  	[sflag:s14] =	ssyncset.done $0x0  }
0xa7: {  	[sflag:s14] =	ssyncadd.s32 $0xFFFFFF80  }
0xa8: {  	_ =	swait.ge [sflag:s14], $0x80  }
0xa9: {  	[sflag:s14] =	ssyncset.done $0x0  }
0xaa: {  	s25 =	simm.s32 @!p3 $0x10;
	[sflag:s14] =	ssyncadd.s32 $0xFFFFFF80  }
0xab: {  	_ =	swait.ge @!p3 [sflag:s25], $0x2000  }
0xac: {  	[sflag:s25] =	ssyncset.done @!p3 $0x0  }
0xad: {  	s30 =	simm.s32 $0x15DC0;
	[sflag:s25] =	ssyncadd.s32 @!p3 $0xFFFFE000  }
0xae: {  	[tilespmem:s15], [sflag:$0xA] =	stream.indirect.gather [hbm4b:s1+s3], $0x40, s30, s3, $0xb8;
	[tilespmem:$0x17940] =	vst v63  }
0xaf: {  	_ =	swait.ge [sflag:s16], $0x2000  }
0xb0: {  	[sflag:s16] =	ssyncset.done $0x0  }
0xb1: {  	[sflag:s16] =	ssyncadd.s32 $0xFFFFE000  }
0xb2: {  	v1 =	vld [tilespmem:$0x16040]  }
0xb3: {  	v2 =	vld [tilespmem:$0x16050]  }
0xb4: {  	v3 =	vld [tilespmem:$0x16060]  }
0xb5: {  	v56 =	vld [tilespmem:$0x16070]  }
0xb6: {  	v57 =	vld [tilespmem:$0x16080]  }
0xb7: {  	[tilespmem:$0x16340] =	vst v1;
	v1 =	vld [tilespmem:$0x16090]  }
0xb8: {  	[tilespmem:$0x16350] =	vst v2;
	v2 =	vld [tilespmem:$0x160A0]  }
0xb9: {  	[tilespmem:$0x16360] =	vst v3;
	v3 =	vld [tilespmem:$0x160B0]  }
0xba: {  	[tilespmem:$0x16370] =	vst v56  }
0xbb: {  	[tilespmem:$0x16380] =	vst v57  }
0xbc: {  	s30 =	sadd.s32 $0xFFFFFFFD, s26;
	[tilespmem:$0x16390] =	vst v1  }
0xbd: {  	p4 =	sge.u32 s30, s5;
	[tilespmem:$0x163A0] =	vst v2  }
0xbe: {  	s31 =	rddreg [dreg:$0x6];
	s25 =	sadd.s32 @!p4 s4, s19;
	[tilespmem:$0x163B0] =	vst v3  }
0xbf: {  	[spmem:s2] =	stream.indirect.scatter.add.f32 [tilespmem:s12], [sflag:$0xF], $0x40, s31, s3, $0xb8;
	[tilespmem:$0x17940] =	vst v63  }
0xc0: {  	s30 =	simm.s32 @!p4 $0x0;
	s25 =	sadd.s32 @!p4 $0x1000, s25;
	s31 =	simm.s32 @!p4 $0x15D40  }
0xc1: {  	[tilespmem:s31], [sflag:$0x3] =	stream.linear.gather @!p4 [hbm4b:s25+s30], $0x80, $0x38;
	[tilespmem:$0x17940] =	vst v63  }
0xc2: {  	s25 =	sadd.s32 @!p4 s4, s20  }
0xc3: {  	s31 =	simm.s32 @!p4 $0x16040;
	s25 =	sadd.s32 @!p4 $0x1000, s25  }
0xc4: {  	[tilespmem:s31], [sflag:$0x3] =	stream.linear.gather @!p4 [hbm4b:s25+s30], $0x80, $0x38;
	[tilespmem:$0x17940] =	vst v63  }
0xc5: {  	_ =	swait.ge [sflag:s17], $0x80  }
0xc6: {  	[sflag:s17] =	ssyncset.done $0x0  }
0xc7: {  	[sflag:s17] =	ssyncadd.s32 $0xFFFFFF80  }
0xc8: {  	_ =	swait.ge [sflag:s17], $0x80  }
0xc9: {  	[sflag:s17] =	ssyncset.done $0x0  }
0xca: {  	s25 =	simm.s32 @!p3 $0x11;
	[sflag:s17] =	ssyncadd.s32 $0xFFFFFF80  }
0xcb: {  	_ =	swait.ge @!p3 [sflag:s25], $0x2000  }
0xcc: {  	[sflag:s25] =	ssyncset.done @!p3 $0x0  }
0xcd: {  	s31 =	simm.s32 $0x15E40;
	[sflag:s25] =	ssyncadd.s32 @!p3 $0xFFFFE000  }
0xce: {  	[tilespmem:s21], [sflag:$0xB] =	stream.indirect.gather [hbm4b:s1+s3], $0x40, s31, s3, $0xb8;
	[tilespmem:$0x17940] =	vst v63  }
0xcf: {  	_ =	swait.ge [sflag:s24], $0x2000  }
0xd0: {  	[sflag:s24] =	ssyncset.done $0x0  }
0xd1: {  	[sflag:s24] =	ssyncadd.s32 $0xFFFFE000  }
0xd2: {  	v1 =	vld [tilespmem:$0x160C0]  }
0xd3: {  	v2 =	vld [tilespmem:$0x160D0]  }
0xd4: {  	v3 =	vld [tilespmem:$0x160E0]  }
0xd5: {  	v58 =	vld [tilespmem:$0x160F0]  }
0xd6: {  	v59 =	vld [tilespmem:$0x16100]  }
0xd7: {  	[tilespmem:$0x163C0] =	vst v1;
	v1 =	vld [tilespmem:$0x16110]  }
0xd8: {  	[tilespmem:$0x163D0] =	vst v2;
	v2 =	vld [tilespmem:$0x16120]  }
0xd9: {  	[tilespmem:$0x163E0] =	vst v3;
	v3 =	vld [tilespmem:$0x16130]  }
0xda: {  	[tilespmem:$0x163F0] =	vst v58  }
0xdb: {  	[tilespmem:$0x16400] =	vst v59  }
0xdc: {  	s31 =	sadd.s32 $0xFFFFFFFE, s26;
	[tilespmem:$0x16410] =	vst v1  }
0xdd: {  	p4 =	sge.u32 s31, s5;
	[tilespmem:$0x16420] =	vst v2  }
0xde: {  	s30 =	rddreg [dreg:$0x7];
	s25 =	sadd.s32 @!p4 s4, s19;
	[tilespmem:$0x16430] =	vst v3  }
0xdf: {  	[spmem:s2] =	stream.indirect.scatter.add.f32 [tilespmem:s15], [sflag:$0x10], $0x40, s30, s3, $0xb8;
	[tilespmem:$0x17940] =	vst v63  }
0xe0: {  	s31 =	simm.s32 @!p4 $0x15DC0;
	s25 =	sadd.s32 @!p4 $0x1200, s25;
	s30 =	simm.s32 @!p4 $0x0  }
0xe1: {  	[tilespmem:s31], [sflag:$0x4] =	stream.linear.gather @!p4 [hbm4b:s25+s30], $0x80, $0x38;
	[tilespmem:$0x17940] =	vst v63  }
0xe2: {  	s25 =	sadd.s32 @!p4 s4, s20  }
0xe3: {  	s31 =	simm.s32 @!p4 $0x160C0;
	s25 =	sadd.s32 @!p4 $0x1200, s25  }
0xe4: {  	[tilespmem:s31], [sflag:$0x4] =	stream.linear.gather @!p4 [hbm4b:s25+s30], $0x80, $0x38;
	[tilespmem:$0x17940] =	vst v63  }
0xe5: {  	_ =	swait.ge [sflag:s23], $0x80  }
0xe6: {  	[sflag:s23] =	ssyncset.done $0x0  }
0xe7: {  	[sflag:s23] =	ssyncadd.s32 $0xFFFFFF80  }
0xe8: {  	_ =	swait.ge [sflag:s23], $0x80  }
0xe9: {  	[sflag:s23] =	ssyncset.done $0x0  }
0xea: {  	s25 =	simm.s32 @!p3 $0x12;
	[sflag:s23] =	ssyncadd.s32 $0xFFFFFF80  }
0xeb: {  	_ =	swait.ge @!p3 [sflag:s25], $0x2000  }
0xec: {  	[sflag:s25] =	ssyncset.done @!p3 $0x0  }
0xed: {  	s30 =	simm.s32 $0x15EC0;
	[sflag:s25] =	ssyncadd.s32 @!p3 $0xFFFFE000  }
0xee: {  	[tilespmem:s0], [sflag:$0xC] =	stream.indirect.gather [hbm4b:s1+s3], $0x40, s30, s3, $0xb8;
	[tilespmem:$0x17940] =	vst v63  }
0xef: {  	_ =	swait.ge [sflag:s22], $0x2000  }
0xf0: {  	[sflag:s22] =	ssyncset.done $0x0  }
0xf1: {  	[sflag:s22] =	ssyncadd.s32 $0xFFFFE000  }
0xf2: {  	v1 =	vld [tilespmem:$0x16140]  }
0xf3: {  	v2 =	vld [tilespmem:$0x16150]  }
0xf4: {  	v3 =	vld [tilespmem:$0x16160]  }
0xf5: {  	v60 =	vld [tilespmem:$0x16170]  }
0xf6: {  	v61 =	vld [tilespmem:$0x16180]  }
0xf7: {  	[tilespmem:$0x16440] =	vst v1;
	v1 =	vld [tilespmem:$0x16190]  }
0xf8: {  	[tilespmem:$0x16450] =	vst v2;
	v2 =	vld [tilespmem:$0x161A0]  }
0xf9: {  	[tilespmem:$0x16460] =	vst v3;
	v3 =	vld [tilespmem:$0x161B0]  }
0xfa: {  	[tilespmem:$0x16470] =	vst v60  }
0xfb: {  	[tilespmem:$0x16480] =	vst v61  }
0xfc: {  	s30 =	sadd.s32 $0xFFFFFFFF, s26;
	[tilespmem:$0x16490] =	vst v1  }
0xfd: {  	p3 =	sge.u32 s30, s5;
	[tilespmem:$0x164A0] =	vst v2  }
0xfe: {  	s31 =	rddreg [dreg:$0x8];
	s25 =	sadd.s32 @!p3 s4, s19;
	[tilespmem:$0x164B0] =	vst v3  }
0xff: {  	[spmem:s2] =	stream.indirect.scatter.add.f32 [tilespmem:s21], [sflag:$0x11], $0x40, s31, s3, $0xb8;
	[tilespmem:$0x17940] =	vst v63  }
0x100: {  	s30 =	simm.s32 @!p3 $0x0;
	s25 =	sadd.s32 @!p3 $0x1400, s25;
	s31 =	simm.s32 @!p3 $0x15E40  }
0x101: {  	[tilespmem:s31], [sflag:$0x5] =	stream.linear.gather @!p3 [hbm4b:s25+s30], $0x80, $0x38;
	[tilespmem:$0x17940] =	vst v63  }
0x102: {  	s25 =	sadd.s32 @!p3 s4, s20  }
0x103: {  	s31 =	simm.s32 @!p3 $0x16140;
	s25 =	sadd.s32 @!p3 $0x1400, s25  }
0x104: {  	[tilespmem:s31], [sflag:$0x5] =	stream.linear.gather @!p3 [hbm4b:s25+s30], $0x80, $0x38;
	[tilespmem:$0x17940] =	vst v63  }
0x105: {  	s25 =	simm.s32 @!p2 $0x1  }
0x106: {  	_ =	swait.ge @!p2 [sflag:s25], $0x80  }
0x107: {  	[sflag:s25] =	ssyncset.done @!p2 $0x0  }
0x108: {  	[sflag:s25] =	ssyncadd.s32 @!p2 $0xFFFFFF80  }
0x109: {  	_ =	swait.ge @!p2 [sflag:s25], $0x80  }
0x10a: {  	[sflag:s25] =	ssyncset.done @!p2 $0x0  }
0x10b: {  	[sflag:s25] =	ssyncadd.s32 @!p2 $0xFFFFFF80;
	s25 =	simm.s32 @!p2 $0xD  }
0x10c: {  	_ =	swait.ge @!p2 [sflag:s25], $0x2000  }
0x10d: {  	[sflag:s25] =	ssyncset.done @!p2 $0x0  }
0x10e: {  	s30 =	simm.s32 @!p2 $0x9C40;
	[sflag:s25] =	ssyncadd.s32 @!p2 $0xFFFFE000;
	s25 =	simm.s32 @!p2 $0x80  }
0x10f: {  	[tilespmem:s30], [sflag:$0x7] =	stream.indirect.gather @!p2 [hbm4b:s1+s25], $0x40, s29, s25, $0xb8;
	[tilespmem:$0x17940] =	vst v63  }
0x110: {  	_ =	swait.ge [sflag:s18], $0x2000  }
0x111: {  	[sflag:s18] =	ssyncset.done $0x0  }
0x112: {  	[sflag:s18] =	ssyncadd.s32 $0xFFFFE000  }
0x113: {  	v1 =	vld [tilespmem:$0x161C0]  }
0x114: {  	v2 =	vld [tilespmem:$0x161D0]  }
0x115: {  	v3 =	vld [tilespmem:$0x161E0]  }
0x116: {  	v62 =	vld [tilespmem:$0x161F0]  }
0x117: {  	v63 =	vld [tilespmem:$0x16200]  }
0x118: {  	[tilespmem:$0x164C0] =	vst v1;
	v1 =	vld [tilespmem:$0x16210]  }
0x119: {  	[tilespmem:$0x164D0] =	vst v2;
	v2 =	vld [tilespmem:$0x16220]  }
0x11a: {  	[tilespmem:$0x164E0] =	vst v3;
	v3 =	vld [tilespmem:$0x16230]  }
0x11b: {  	[tilespmem:$0x164F0] =	vst v62  }
0x11c: {  	[tilespmem:$0x16500] =	vst v63  }
0x11d: {  	[tilespmem:$0x16510] =	vst v1  }
0x11e: {  	p2 =	sge.u32 s26, s5;
	[tilespmem:$0x16520] =	vst v2  }
0x11f: {  	s25 =	sadd.s32 @!p2 s4, s19;
	s31 =	rddreg [dreg:$0x9];
	[tilespmem:$0x16530] =	vst v3  }
0x120: {  	[spmem:s2] =	stream.indirect.scatter.add.f32 [tilespmem:s0], [sflag:$0x12], $0x40, s31, s3, $0xb8;
	[tilespmem:$0x17940] =	vst v63  }
0x121: {  	s29 =	simm.s32 @!p2 $0x0;
	s30 =	simm.s32 @!p2 $0x15EC0;
	s25 =	sadd.s32 @!p2 $0x1600, s25  }
0x122: {  	[tilespmem:s30], [sflag:$0x6] =	stream.linear.gather @!p2 [hbm4b:s25+s29], $0x80, $0x38;
	[tilespmem:$0x17940] =	vst v63  }
0x123: {  	s25 =	sadd.s32 @!p2 s4, s20  }
0x124: {  	s30 =	simm.s32 @!p2 $0x161C0;
	s4 =	sadd.s32 $0xC00, s4;
	s25 =	sadd.s32 @!p2 $0x1600, s25  }
0x125: {  	[tilespmem:s30], [sflag:$0x6] =	stream.linear.gather @!p2 [hbm4b:s25+s29], $0x80, $0x38;
	[tilespmem:$0x17940] =	vst v63  }
0x126: {  	p2 =	sne.s32 s4, $0x9C00  }
.Ltmp5:
0x127: {  	_ = 	snop;
	(pc) =	sbr.rel @p2 .LBB2_8-.Ltmp5, $2  }
0x128: {  	_ =	sdelay $0x2  }
0x129: {  	s26 =	sadd.s32 $0x6, s26  }
0x12a: {  	s4 =	simm.s32 @!p0 $0x7  }
0x12b: {  	_ =	swait.ge @!p0 [sflag:s4], $0x2000  }
0x12c: {  	[sflag:s4] =	ssyncset.done @!p0 $0x0  }
0x12d: {  	[sflag:s4] =	ssyncadd.s32 @!p0 $0xFFFFE000  }
0x12e: {  	v1 =	vld @!p0 [tilespmem:$0x15F40]  }
0x12f: {  	v2 =	vld @!p0 [tilespmem:$0x15F50]  }
0x130: {  	v3 =	vld @!p0 [tilespmem:$0x15F60]  }
0x131: {  	v4 =	vld @!p0 [tilespmem:$0x15F70]  }
0x132: {  	v5 =	vld @!p0 [tilespmem:$0x15F80]  }
0x133: {  	[tilespmem:$0x16240] =	vst @!p0 v1;
	v1 =	vld @!p0 [tilespmem:$0x15F90]  }
0x134: {  	[tilespmem:$0x16250] =	vst @!p0 v2;
	v2 =	vld @!p0 [tilespmem:$0x15FA0]  }
0x135: {  	[tilespmem:$0x16260] =	vst @!p0 v3;
	v3 =	vld @!p0 [tilespmem:$0x15FB0]  }
0x136: {  	[tilespmem:$0x16270] =	vst @!p0 v4  }
0x137: {  	[tilespmem:$0x16280] =	vst @!p0 v5  }
0x138: {  	[tilespmem:$0x16290] =	vst @!p0 v1  }
0x139: {  	[tilespmem:$0x162A0] =	vst @!p0 v2  }
0x13a: {  	s25 =	simm.s32 @!p0 $0x16240;
	s26 =	simm.s32 @!p0 $0x9C40;
	s4 =	simm.s32 @!p0 $0x80;
	[tilespmem:$0x162B0] =	vst @!p0 v3  }
0x13b: {  	[spmem:s2] =	stream.indirect.scatter.add.f32 @!p0 [tilespmem:s26], [sflag:$0xD], $0x40, s25, s4, $0xb8;
	[tilespmem:$0x17940] =	vst v63  }
0x13c: {  	_ =	swait.ge [sflag:s7], $0x2000  }
0x13d: {  	[sflag:s7] =	ssyncset.done $0x0  }
0x13e: {  	s26 =	simm.s32 $0xE;
	[sflag:s7] =	ssyncadd.s32 $0xFFFFE000  }
0x13f: {  	_ =	swait.ge [sflag:s26], $0x2000  }
0x140: {  	[sflag:s26] =	ssyncset.done $0x0  }
0x141: {  	s6 =	simm.s32 $0xF;
	[sflag:s26] =	ssyncadd.s32 $0xFFFFE000  }
0x142: {  	_ =	swait.ge [sflag:s6], $0x2000  }
0x143: {  	[sflag:s6] =	ssyncset.done $0x0  }
0x144: {  	s25 =	simm.s32 $0x10;
	[sflag:s6] =	ssyncadd.s32 $0xFFFFE000  }
0x145: {  	_ =	swait.ge [sflag:s25], $0x2000  }
0x146: {  	[sflag:s25] =	ssyncset.done $0x0  }
0x147: {  	s26 =	simm.s32 $0x11;
	[sflag:s25] =	ssyncadd.s32 $0xFFFFE000  }
0x148: {  	_ =	swait.ge [sflag:s26], $0x2000  }
0x149: {  	[sflag:s26] =	ssyncset.done $0x0  }
0x14a: {  	s6 =	simm.s32 $0x12;
	[sflag:s26] =	ssyncadd.s32 $0xFFFFE000  }
0x14b: {  	_ =	swait.ge [sflag:s6], $0x2000  }
0x14c: {  	[sflag:s6] =	ssyncset.done $0x0  }
0x14d: {  	[sflag:s6] =	ssyncadd.s32 $0xFFFFE000  }
0x14e: {  	s25 =	stileid.u32;
	[bflag:$0x0] =	sbarrier.arrive $0xFFFF  }
.Ltmp6:
0x14f: {  	s4 =	sshll.u32 s25, $0x6;
	s29 =	rddreg [dreg:$0x18];
	(pc) =	sbr.rel @!p1 .LBB2_11-.Ltmp6, $4  }
0x150: {  	s4 =	sor.u32 $0x1C0D, s4;
	s31 =	rddreg [dreg:$0x19];
	s26 =	sshrl.u32 s29, $0x3  }
0x151: {  	[hbm:s31], [sflag:s4] =	dma.local [spmem:s26], $0x280  }
0x152: {  	s30 =	rddreg [dreg:$0x16]  }
0x153: {  	s29 =	sadd.s32 $0x1400, s29;
	s26 =	sadd.s32 $0xFFFFFFFF, s30  }
.LBB2_10:
0x154: {  	p2 =	sne.s32 s26, $0x1;
	s26 =	sadd.s32 $0xFFFFFFFF, s26  }
.Ltmp7:
0x155: {  	s25 =	sshrl.u32 s29, $0x3;
	s31 =	sadd.s32 $0x280, s31;
	(pc) =	sbr.rel @p2 .LBB2_10-.Ltmp7, $3  }
0x156: {  	[hbm:s31], [sflag:s4] =	dma.local [spmem:s25], $0x280  }
0x157: {  	_ =	sdelay $0x1  }
0x158: {  	s29 =	sadd.s32 $0x1400, s29  }
.LBB2_11:
.Ltmp8:
0x159: {  	(pc) =	sbr.rel @!p1 .LBB2_13-.Ltmp8, $3  }
0x15a: {  	_ =	sdelay $0x1  }
0x15b: {  	_ =	swait.ge [sflag:s7], $0x280  }
0x15c: {  	s4 =	sadd.s32 $0xFFFFFFFF, s30;
	[sflag:s7] =	ssyncset.done $0x0  }
.LBB2_12:
0x15d: {  	p1 =	sne.s32 s4, $0x1;
	s4 =	sadd.s32 $0xFFFFFFFF, s4;
	[sflag:s7] =	ssyncadd.s32 $0xFFFFFD80  }
.Ltmp9:
0x15e: {  	(pc) =	sbr.rel @p1 .LBB2_12-.Ltmp9, $3  }
0x15f: {  	_ =	sdelay $0x1  }
0x160: {  	_ =	swait.ge [sflag:s7], $0x280  }
0x161: {  	[sflag:s7] =	ssyncset.done $0x0  }
.LBB2_13:
0x162: {  	s25 =	rddreg [dreg:$0x1a]  }
0x163: {  	s4 =	rddreg [dreg:$0x17];
	s25 =	sadd.s32 $0x1, s25  }
0x164: {  	p1 =	sne.s32 s25, s4  }
.Ltmp10:
0x165: {  	_ = 	snop;
	(pc) =	sbr.rel @p1 .LBB2_1-.Ltmp10, $3  }
0x166: {  	_ =	sdelay $0x1  }
0x167: {  	[sflag:s7] =	ssyncadd.s32 $0xFFFFFD80  }
0x168: {  	s6 =	simm.s32 $0x15CC0;
	s29 =	simm.s32 $0x15D40;
	s31 =	simm.s32 $0x15DC0  }
0x169: {  	_ =	sfence.sel $0x180000  }
0x16a: {  	[bflag:$0x0] =	sbarrier.arrive $0xFFFF  }
0x16b: {  	_ =	strace $0x9000004A  }
0x16c: {  	s0 =	stileid.u32;
	[bflag:$0x2] =	sbarrier.arrive $0xFFFF  }
0x16d: {  	p0 =	sne.s32 s0, $0x0;
	s0 =	rddreg [dreg:$0x3]  }
0x16e: {  	s0 =	sadd.s32 @!p0 $0x100000, s0  }
0x16f: {  	[sflag:s0] =	ssyncadd.tile.s32 @!p0 $0x1;
	_ =	shalt  }
.Lfunc_end2:
_tile_overlayer_lowered:
.L_overlay_start_2:
0x170: {  	(tag) =	ssettag $0x2  }
0x171: {  	s0 =	rddreg [dreg:$0x0];
	s2 =	stileid.u32  }
0x172: {  	s1 =	rddreg [dreg:$0x1];
	p0 =	sne.s32 s2, $0x0  }
0x173: {  	s3 =	rddreg [dreg:$0x2];
	[bflag:$0x3] =	sbarrier.arrive $0xFFFF;
	s2 =	simm.s32 @!p0 $0x1C13  }
0x174: {  	[timem:s3], [sflag:s2] =	dma.local @!p0 [hbm:s0], s1  }
0x175: {  	s0 =	simm.s32 @!p0 $0x13  }
0x176: {  	_ =	swait.ge @!p0 [sflag:s0], s1  }
0x177: {  	s1 =	ssub.s32 @!p0 $0x0, s1;
	[sflag:s0] =	ssyncset.done @!p0 $0x0  }
0x178: {  	[sflag:s0] =	ssyncadd.s32 @!p0 s1  }
0x179: {  	[bflag:$0x3] =	sbarrier.arrive $0xFFFF  }
0x17a: {  	_ =	shalt  }

</sc_bundles>
